<compile_context>
chip_gen: v7x
topology: tpu7x:2x2x1
jax: 0.10.2.dev20260603
libtpu: 0.0.44.dev20260713+nightly
codegen_flags: <defaults>
</compile_context>

<pallas_src>
import jax
import jax.numpy as jnp
from jax import lax
from jax.experimental import pallas as pl
from jax.experimental.pallas import tpu as pltpu
from jax.experimental.pallas import tpu_sc as plsc

N = 10000
D = 128
E = 320000
NC, NS = 2, 16
NW = NC * NS
CH = 128
CPT = 80
EPT = CH * CPT
EH = EPT * NS
E_PAD = EH * NC
NROW = E_PAD // CH
N_ACC = 10240
SLAB = N_ACC // NS
ZR = 80


def _mesh():
    return plsc.VectorSubcoreMesh(core_axis_name="c", subcore_axis_name="s")


NHR = N_ACC // CH


def _hist_body(d0, d1, d2, out, deg0, deg1, deg2, ones_v, zv,
               dc0, dc1, dc2, dc3, dsem, ssem):
    cid = lax.axis_index("c")
    sid = lax.axis_index("s")
    vec1 = jnp.where(
        lax.broadcasted_iota(jnp.int32, (16,), 0) == 0,
        jnp.float32(1.0), jnp.float32(0.0))
    z16 = jnp.zeros((16,), jnp.float32)

    def init_ones(i, c):
        ones_v[i, :] = vec1
        return c
    lax.fori_loop(0, CH, init_ones, 0)

    def init_z(i, c):
        zv[i, :] = z16
        return c
    lax.fori_loop(0, SLAB, init_z, 0)

    row0 = sid * SLAB
    for dg in (deg0, deg1, deg2):
        pltpu.sync_copy(zv, dg.at[pl.ds(row0, SLAB), :])
    plsc.subcore_barrier()

    base = (cid * NS + sid) * EPT

    for dh, dg in ((d0, deg0), (d1, deg1), (d2, deg2)):
        def chunk(ci, c, dh=dh, dg=dg):
            pltpu.sync_copy(dh.at[pl.ds(base + ci * CH, CH)], dc0)
            pltpu.sync_copy(ones_v, dg.at[dc0], add=True)
            return c
        lax.fori_loop(0, CPT, chunk, 0)
    plsc.subcore_barrier()

    for r, dg in enumerate((deg0, deg1, deg2)):
        q = (cid * 3 + r) * N_ACC + row0
        pltpu.sync_copy(dg.at[pl.ds(row0, SLAB), :], out.at[pl.ds(q, SLAB), :])


def _hist_call(d0, d1, d2):
    f = pl.kernel(
        _hist_body,
        out_type=jax.ShapeDtypeStruct((NC * 3 * N_ACC, 16), jnp.float32),
        mesh=_mesh(),
        scratch_types=[
            pltpu.VMEM_SHARED((N_ACC, 16), jnp.float32),
            pltpu.VMEM_SHARED((N_ACC, 16), jnp.float32),
            pltpu.VMEM_SHARED((N_ACC, 16), jnp.float32),
            pltpu.VMEM((CH, 16), jnp.float32),
            pltpu.VMEM((SLAB, 16), jnp.float32),
            pltpu.VMEM((CH,), jnp.int32),
            pltpu.VMEM((CH,), jnp.int32),
            pltpu.VMEM((CH,), jnp.int32),
            pltpu.VMEM((CH,), jnp.int32),
            pltpu.SemaphoreType.DMA((4,)),
            pltpu.SemaphoreType.DMA((4,)),
        ],
    )
    return f(d0, d1, d2)


HC = CPT // 2


NB = 2


def _scatter_body(t0, t1, t2, s0_, d0_, s1_, d1_, s2_, d2_, out,
                  acc, src_all, dc0, dc1, rows, gsem, dsem):
    cid = lax.axis_index("c")
    sid = lax.axis_index("s")
    z16 = jnp.zeros((16,), jnp.float32)
    row0 = sid * SLAB
    base = (cid * NS + sid) * EPT

    for r, (tb, sh, dh) in enumerate(
            ((t0, s0_, d0_), (t1, s1_, d1_), (t2, s2_, d2_))):
        def init_z(k, c):
            rows[0, k // 8, pl.ds((k % 8) * 16, 16)] = z16
            return c
        lax.fori_loop(0, CH * 8, init_z, 0)
        for j in range(SLAB // CH):
            pltpu.sync_copy(rows.at[0], acc.at[pl.ds(row0 + j * CH, CH), :])
        plsc.subcore_barrier()

        for h in range(2):
            pltpu.sync_copy(sh.at[pl.ds(base + h * HC * CH, HC * CH)], src_all)

            def stage(i, c, tb=tb, dh=dh, h=h):
                pltpu.sync_copy(dh.at[pl.ds(base + (h * HC + i) * CH, CH)], dc0)
                pltpu.sync_copy(tb.at[src_all.at[pl.ds(i * CH, CH)]],
                                rows.at[0])
                pltpu.sync_copy(rows.at[0], acc.at[dc0], add=True)
                return c
            lax.fori_loop(0, HC, stage, 0)
        plsc.subcore_barrier()

        q = (r * NC + cid) * N_ACC + row0
        pltpu.sync_copy(acc.at[pl.ds(row0, SLAB), :], out.at[pl.ds(q, SLAB), :])


def _scatter_call(t0, t1, t2, s0, d0, s1, d1, s2, d2):
    f = pl.kernel(
        _scatter_body,
        out_type=jax.ShapeDtypeStruct((3 * NC * N_ACC, D), jnp.float32),
        mesh=_mesh(),
        scratch_types=[
            pltpu.VMEM_SHARED((N_ACC, D), jnp.float32),
            pltpu.VMEM((HC * CH,), jnp.int32),
            pltpu.VMEM((CH,), jnp.int32),
            pltpu.VMEM((CH,), jnp.int32),
            pltpu.VMEM((NB, CH, D), jnp.float32),
            pltpu.SemaphoreType.DMA((NB,)),
            pltpu.SemaphoreType.DMA((NB,)),
        ],
    )
    return f(t0, t1, t2, s0, d0, s1, d1, s2, d2)


def _scale_body(xa, xs, dga, dgs, oa, os_):
    oa[...] = xa[...] * lax.rsqrt(dga[...])
    os_[...] = xs[...] * lax.rsqrt(dgs[...])


def _scale_call(x_article, x_software, deg_ref_col, deg_rel_col):
    nb = N // 1000
    row = pl.BlockSpec((1000, D), lambda i: (i, 0))
    col = pl.BlockSpec((1000, 1), lambda i: (i, 0))
    return pl.pallas_call(
        _scale_body,
        grid=(nb,),
        in_specs=[row, row, col, col],
        out_specs=[row, row],
        out_shape=[jax.ShapeDtypeStruct((N, D), jnp.float32)] * 2,
    )(x_article, x_software, deg_ref_col, deg_rel_col)


def _final_body(accs, xa, xs, dga, dgs, cnt, w_ref, w_rel, w_l, w_r,
                b_ref, b_rel, b_l, out_a, out_s):
    f32 = jnp.float32
    acc_ref = accs[0, 0] + accs[0, 1]
    acc_rel = accs[1, 0] + accs[1, 1]
    acc_men = accs[2, 0] + accs[2, 1]
    dinv_a = lax.rsqrt(dga[...])
    dinv_s = lax.rsqrt(dgs[...])
    xa_b = xa[...]
    xs_b = xs[...]
    gcn = jnp.dot(dinv_a * (acc_ref + dinv_a * xa_b), w_ref[...],
                  preferred_element_type=f32) + b_ref[...]
    mean = acc_men / jnp.maximum(cnt[...], 1.0)
    sage = (jnp.dot(mean, w_l[...], preferred_element_type=f32) + b_l[...]
            + jnp.dot(xa_b, w_r[...], preferred_element_type=f32))
    out_a[...] = jnp.maximum(0.5 * (gcn + sage), 0.0)
    gcn_s = jnp.dot(dinv_s * (acc_rel + dinv_s * xs_b), w_rel[...],
                    preferred_element_type=f32) + b_rel[...]
    out_s[...] = jnp.maximum(gcn_s, 0.0)


def _final_call(accs, x_article, x_software, deg_ref_col, deg_rel_col, cnt_col,
                w_ref, w_rel, w_l, w_r, b_ref, b_rel, b_l):
    nb = N // 1000
    row = pl.BlockSpec((1000, D), lambda i: (i, 0))
    col = pl.BlockSpec((1000, 1), lambda i: (i, 0))
    wsp = pl.BlockSpec((D, D), lambda i: (0, 0))
    bsp = pl.BlockSpec((1, D), lambda i: (0, 0))
    asp = pl.BlockSpec((3, NC, 1000, D), lambda i: (0, 0, i, 0))
    return pl.pallas_call(
        _final_body,
        grid=(nb,),
        in_specs=[asp, row, row, col, col, col, wsp, wsp, wsp, wsp,
                  bsp, bsp, bsp],
        out_specs=[row, row],
        out_shape=[jax.ShapeDtypeStruct((N, D), jnp.float32)] * 2,
    )(accs, x_article, x_software, deg_ref_col, deg_rel_col, cnt_col,
      w_ref, w_rel, w_l, w_r, b_ref, b_rel, b_l)


def kernel(x_article, x_software, edge_index_references, edge_index_related,
           edge_index_mentioned_in, W_gcn_ref, b_gcn_ref, W_gcn_rel, b_gcn_rel,
           W_sage_l, b_sage_l, W_sage_r):
    pad0 = jnp.zeros((E_PAD - E,), jnp.int32)
    padn = jnp.full((E_PAD - E,), N, jnp.int32)

    def prep(ei):
        s = jnp.concatenate([ei[0], pad0])
        d = jnp.concatenate([ei[1], padn])
        return s, d

    s_ref, d_ref = prep(edge_index_references)
    s_rel, d_rel = prep(edge_index_related)
    s_men, d_men = prep(edge_index_mentioned_in)

    deg_parts = _hist_call(d_ref, d_rel, d_men)
    dp = deg_parts.reshape(NC, 3, N_ACC, 16)[:, :, :N, 0]
    hist = dp[0] + dp[1]
    deg_ref_col = (hist[0] + 1.0).reshape(N, 1)
    deg_rel_col = (hist[1] + 1.0).reshape(N, 1)
    cnt_col = hist[2].reshape(N, 1)

    xs_ref, xs_rel = _scale_call(x_article, x_software, deg_ref_col, deg_rel_col)

    acc = _scatter_call(xs_ref, xs_rel, x_software,
                        s_ref, d_ref, s_rel, d_rel, s_men, d_men)
    accs = acc.reshape(3, NC, N_ACC, D)

    out_a, out_s = _final_call(
        accs, x_article, x_software, deg_ref_col, deg_rel_col, cnt_col,
        W_gcn_ref, W_gcn_rel, W_sage_l, W_sage_r,
        b_gcn_ref.reshape(1, D), b_gcn_rel.reshape(1, D), b_sage_l.reshape(1, D))
    return out_a, out_s

# --- scband reference (transcript-rebuilt; emitter-appended) ---
"""Pipeline reference for scband-hetero-gnn-88364657147989 (READ-ONLY COPY).

The authoritative reference and input builder live on the scoring server;
editing this copy changes nothing except your own understanding.
"""

import jax, jax.numpy as jnp
import numpy as np

N_ART = 10000
N_SOFT = 10000
D = 128
H = 128
E = 320000


def setup_inputs(seed: int = 0):
    key = jax.random.key(seed)
    ks = jax.random.split(key, 12)
    x_article = jax.random.normal(ks[0], (N_ART, D), dtype=jnp.float32)
    x_software = jax.random.normal(ks[1], (N_SOFT, D), dtype=jnp.float32)
    ei_ref = jax.random.randint(ks[2], (2, E), 0, N_ART, dtype=jnp.int32)
    ei_rel = jax.random.randint(ks[3], (2, E), 0, N_SOFT, dtype=jnp.int32)
    ei_men = jax.random.randint(ks[4], (2, E), 0, N_ART, dtype=jnp.int32)
    s = 1.0 / np.sqrt(D)
    W_gcn_ref = jax.random.normal(ks[5], (D, H), dtype=jnp.float32) * s
    b_gcn_ref = jnp.zeros((H,), dtype=jnp.float32)
    W_gcn_rel = jax.random.normal(ks[6], (D, H), dtype=jnp.float32) * s
    b_gcn_rel = jnp.zeros((H,), dtype=jnp.float32)
    W_sage_l = jax.random.normal(ks[7], (D, H), dtype=jnp.float32) * s
    b_sage_l = jnp.zeros((H,), dtype=jnp.float32)
    W_sage_r = jax.random.normal(ks[8], (D, H), dtype=jnp.float32) * s
    return {
        "x_article": x_article,
        "x_software": x_software,
        "edge_index_references": ei_ref,
        "edge_index_related": ei_rel,
        "edge_index_mentioned_in": ei_men,
        "W_gcn_ref": W_gcn_ref, "b_gcn_ref": b_gcn_ref,
        "W_gcn_rel": W_gcn_rel, "b_gcn_rel": b_gcn_rel,
        "W_sage_l": W_sage_l, "b_sage_l": b_sage_l, "W_sage_r": W_sage_r,
    }


def gcn_conv(x, edge_index, W, b):
    # PyG GCNConv with add_self_loops=True, normalize=True, edge_weight=None
    N = x.shape[0]
    src = edge_index[0]
    dst = edge_index[1]
    loop = jnp.arange(N, dtype=src.dtype)
    src = jnp.concatenate([src, loop])
    dst = jnp.concatenate([dst, loop])
    deg = jnp.zeros((N,), dtype=x.dtype).at[dst].add(1.0)
    dinv = jnp.where(deg > 0, jax.lax.rsqrt(deg), 0.0)
    norm = dinv[src] * dinv[dst]
    h = x @ W
    msg = h[src] * norm[:, None]
    out = jnp.zeros((N, W.shape[1]), dtype=x.dtype).at[dst].add(msg)
    return out + b


def sage_conv(x_src, x_dst, edge_index, W_l, b_l, W_r):
    # PyG SAGEConv((-1,-1), H), aggr='mean', root_weight=True, normalize=False
    src = edge_index[0]
    dst = edge_index[1]
    Nd = x_dst.shape[0]
    gathered = x_src[src]
    summed = jnp.zeros((Nd, x_src.shape[1]), dtype=x_src.dtype).at[dst].add(gathered)
    cnt = jnp.zeros((Nd,), dtype=x_src.dtype).at[dst].add(1.0)
    mean = summed / jnp.maximum(cnt, 1.0)[:, None]
    return (mean @ W_l + b_l) + x_dst @ W_r


def reference(x_article, x_software, edge_index_references, edge_index_related, edge_index_mentioned_in, W_gcn_ref, b_gcn_ref, W_gcn_rel, b_gcn_rel, W_sage_l, b_sage_l, W_sage_r):
    out_art_gcn = gcn_conv(x_article, edge_index_references, W_gcn_ref, b_gcn_ref)
    out_art_sage = sage_conv(x_software, x_article, edge_index_mentioned_in, W_sage_l, b_sage_l, W_sage_r)
    # HeteroConv aggr='mean' over the two relations targeting 'article'
    out_article = (out_art_gcn + out_art_sage) * 0.5
    out_software = gcn_conv(x_software, edge_index_related, W_gcn_rel, b_gcn_rel)
    return (jax.nn.relu(out_article), jax.nn.relu(out_software))

if __name__ == "__main__":
    import jax
    _d = setup_inputs()
    print(jax.jit(kernel)(*tuple(_d.values())))

</pallas_src>

<mosaic_0001>
#map = affine_map<(d0, d1) -> (0)>
#map1 = affine_map<(d0, d1) -> (0, 0)>
module attributes {stable_mosaic.version = 14 : i64} {
  func.func @_hist_body(%arg0: i32, %arg1: i32, %arg2: memref<327680xi32, #tpu.memory_space<hbm>>, %arg3: memref<327680xi32, #tpu.memory_space<hbm>>, %arg4: memref<327680xi32, #tpu.memory_space<hbm>>, %arg5: memref<61440x16xf32, #tpu.memory_space<hbm>>, %arg6: memref<10240x16xf32, #tpu.memory_space<vmem_shared>>, %arg7: memref<10240x16xf32, #tpu.memory_space<vmem_shared>>, %arg8: memref<10240x16xf32, #tpu.memory_space<vmem_shared>>, %arg9: memref<128x16xf32, #tpu.memory_space<vmem>>, %arg10: memref<640x16xf32, #tpu.memory_space<vmem>>, %arg11: memref<128xi32, #tpu.memory_space<vmem>>, %arg12: memref<128xi32, #tpu.memory_space<vmem>>, %arg13: memref<128xi32, #tpu.memory_space<vmem>>, %arg14: memref<128xi32, #tpu.memory_space<vmem>>, %arg15: memref<4x!tpu.dma_semaphore, #tpu.memory_space<semaphore_mem>>, %arg16: memref<4x!tpu.dma_semaphore, #tpu.memory_space<semaphore_mem>>) attributes {dimension_semantics = [#tpu.dimension_semantics<core_parallel>, #tpu.dimension_semantics<subcore_parallel>], iteration_bounds = array<i64: 2, 16>, scalar_prefetch = 0 : i64, scratch_operands = 11 : i64, tpu.core_type = #tpu.core_type<sc_vector_subcore>, window_params = [{transform_indices = #map}, {transform_indices = #map}, {transform_indices = #map}, {transform_indices = #map1}]} {
    %iota3A = tpu.iota {dimensions = array<i32: 0>} : vector<16xi32>
    %eq3A = arith.constant 0 : i32
    %eq3A_0 = vector.broadcast %eq3A : i32 to vector<16xi32>
    %eq3A_1 = arith.cmpi eq, %iota3A, %eq3A_0 : vector<16xi32>
    %jit3A = arith.constant 1.000000e+00 : f32
    %jit3A_2 = arith.constant 0.000000e+00 : f32
    %broadcast_in_dim3A = vector.broadcast %jit3A : f32 to vector<16xf32>
    %broadcast_in_dim3A_3 = vector.broadcast %jit3A_2 : f32 to vector<16xf32>
    %select_n3A = arith.select %eq3A_1, %broadcast_in_dim3A, %broadcast_in_dim3A_3 : vector<16xi1>, vector<16xf32>
    %broadcast_in_dim3A_4 = arith.constant 0.000000e+00 : f32
    %broadcast_in_dim3A_5 = vector.broadcast %broadcast_in_dim3A_4 : f32 to vector<16xf32>
    %scan3A = arith.constant 0 : i32
    %scan3A_6 = arith.constant 0 : i32
    %scan3A_7 = arith.constant 128 : i32
    %scan3A_8 = arith.addi %scan3A_6, %scan3A_7 : i32
    %scan3A_9 = arith.constant 1 : i32
    scf.for %scan3A_62 = %scan3A_6 to %scan3A_8 step %scan3A_9  : i32 {
      %swap3A = arith.index_cast %scan3A_62 : i32 to index
      %swap3A_63 = arith.constant 0 : index
      %swap3A_64 = tpu.vector_load %arg9[%swap3A, %swap3A_63] {strides = array<i32>} : memref<128x16xf32, #tpu.memory_space<vmem>>, vector<1x16xf32>,
      %swap3A_65 = vector.shape_cast %swap3A_64 : vector<1x16xf32> to vector<16xf32>
      %swap3A_66 = vector.shape_cast %select_n3A : vector<16xf32> to vector<1x16xf32>
      tpu.vector_store %arg9[%swap3A, %swap3A_63], %swap3A_66 {strides = array<i32>} : memref<128x16xf32, #tpu.memory_space<vmem>>, vector<1x16xf32>,
    }
    %scan3A_10 = arith.constant 128 : i32
    %scan3A_11 = arith.constant 0 : i32
    %scan3A_12 = arith.constant 0 : i32
    %scan3A_13 = arith.constant 640 : i32
    %scan3A_14 = arith.addi %scan3A_12, %scan3A_13 : i32
    %scan3A_15 = arith.constant 1 : i32
    scf.for %scan3A_62 = %scan3A_12 to %scan3A_14 step %scan3A_15  : i32 {
      %swap3A = arith.index_cast %scan3A_62 : i32 to index
      %swap3A_63 = arith.constant 0 : index
      %swap3A_64 = tpu.vector_load %arg10[%swap3A, %swap3A_63] {strides = array<i32>} : memref<640x16xf32, #tpu.memory_space<vmem>>, vector<1x16xf32>,
      %swap3A_65 = vector.shape_cast %swap3A_64 : vector<1x16xf32> to vector<16xf32>
      %swap3A_66 = vector.shape_cast %broadcast_in_dim3A_5 : vector<16xf32> to vector<1x16xf32>
      tpu.vector_store %arg10[%swap3A, %swap3A_63], %swap3A_66 {strides = array<i32>} : memref<640x16xf32, #tpu.memory_space<vmem>>, vector<1x16xf32>,
    }
    %scan3A_16 = arith.constant 640 : i32
    %mul3A = arith.constant 640 : i32
    %mul3A_17 = arith.muli %arg1, %mul3A : i32
    "tpu.region"() ({
      %run_scoped3A = tpu.sem_alloc : memref<!tpu.dma_semaphore, #tpu.memory_space<semaphore_mem>>
      %dma_start3A = arith.constant 0 : i32
      %dma_start3A_62 = tpu.memref_slice %arg6[%mul3A_17, %dma_start3A] : memref<10240x16xf32, #tpu.memory_space<vmem_shared>> -> memref<640x16xf32, #tpu.memory_space<vmem_shared>>
      %dma_start3A_63 = arith.constant 0 : i32
      %dma_start3A_64 = tpu.memref_slice %arg6[%mul3A_17, %dma_start3A_63] : memref<10240x16xf32, #tpu.memory_space<vmem_shared>> -> memref<640x16xf32, #tpu.memory_space<vmem_shared>>
      tpu.enqueue_dma source(%arg10 : memref<640x16xf32, #tpu.memory_space<vmem>>) target(%dma_start3A_64 : memref<640x16xf32, #tpu.memory_space<vmem_shared>>) target_semaphore(%run_scoped3A : memref<!tpu.dma_semaphore, #tpu.memory_space<semaphore_mem>>)
      %dma_wait3A = arith.constant 0 : i32
      %dma_wait3A_65 = tpu.memref_slice %arg6[%mul3A_17, %dma_wait3A] : memref<10240x16xf32, #tpu.memory_space<vmem_shared>> -> memref<640x16xf32, #tpu.memory_space<vmem_shared>>
      %dma_wait3A_66 = arith.constant 0 : i32
      %dma_wait3A_67 = tpu.memref_slice %arg6[%mul3A_17, %dma_wait3A_66] : memref<10240x16xf32, #tpu.memory_space<vmem_shared>> -> memref<640x16xf32, #tpu.memory_space<vmem_shared>>
      tpu.wait_dma2 semaphore(%run_scoped3A : memref<!tpu.dma_semaphore, #tpu.memory_space<semaphore_mem>>) src(%arg10 : memref<640x16xf32, #tpu.memory_space<vmem>>) dst(%dma_wait3A_67 : memref<640x16xf32, #tpu.memory_space<vmem_shared>>)
      tpu.yield
    }) : () -> ()
    "tpu.region"() ({
      %run_scoped3A = tpu.sem_alloc : memref<!tpu.dma_semaphore, #tpu.memory_space<semaphore_mem>>
      %dma_start3A = arith.constant 0 : i32
      %dma_start3A_62 = tpu.memref_slice %arg7[%mul3A_17, %dma_start3A] : memref<10240x16xf32, #tpu.memory_space<vmem_shared>> -> memref<640x16xf32, #tpu.memory_space<vmem_shared>>
      %dma_start3A_63 = arith.constant 0 : i32
      %dma_start3A_64 = tpu.memref_slice %arg7[%mul3A_17, %dma_start3A_63] : memref<10240x16xf32, #tpu.memory_space<vmem_shared>> -> memref<640x16xf32, #tpu.memory_space<vmem_shared>>
      tpu.enqueue_dma source(%arg10 : memref<640x16xf32, #tpu.memory_space<vmem>>) target(%dma_start3A_64 : memref<640x16xf32, #tpu.memory_space<vmem_shared>>) target_semaphore(%run_scoped3A : memref<!tpu.dma_semaphore, #tpu.memory_space<semaphore_mem>>)
      %dma_wait3A = arith.constant 0 : i32
      %dma_wait3A_65 = tpu.memref_slice %arg7[%mul3A_17, %dma_wait3A] : memref<10240x16xf32, #tpu.memory_space<vmem_shared>> -> memref<640x16xf32, #tpu.memory_space<vmem_shared>>
      %dma_wait3A_66 = arith.constant 0 : i32
      %dma_wait3A_67 = tpu.memref_slice %arg7[%mul3A_17, %dma_wait3A_66] : memref<10240x16xf32, #tpu.memory_space<vmem_shared>> -> memref<640x16xf32, #tpu.memory_space<vmem_shared>>
      tpu.wait_dma2 semaphore(%run_scoped3A : memref<!tpu.dma_semaphore, #tpu.memory_space<semaphore_mem>>) src(%arg10 : memref<640x16xf32, #tpu.memory_space<vmem>>) dst(%dma_wait3A_67 : memref<640x16xf32, #tpu.memory_space<vmem_shared>>)
      tpu.yield
    }) : () -> ()
    "tpu.region"() ({
      %run_scoped3A = tpu.sem_alloc : memref<!tpu.dma_semaphore, #tpu.memory_space<semaphore_mem>>
      %dma_start3A = arith.constant 0 : i32
      %dma_start3A_62 = tpu.memref_slice %arg8[%mul3A_17, %dma_start3A] : memref<10240x16xf32, #tpu.memory_space<vmem_shared>> -> memref<640x16xf32, #tpu.memory_space<vmem_shared>>
      %dma_start3A_63 = arith.constant 0 : i32
      %dma_start3A_64 = tpu.memref_slice %arg8[%mul3A_17, %dma_start3A_63] : memref<10240x16xf32, #tpu.memory_space<vmem_shared>> -> memref<640x16xf32, #tpu.memory_space<vmem_shared>>
      tpu.enqueue_dma source(%arg10 : memref<640x16xf32, #tpu.memory_space<vmem>>) target(%dma_start3A_64 : memref<640x16xf32, #tpu.memory_space<vmem_shared>>) target_semaphore(%run_scoped3A : memref<!tpu.dma_semaphore, #tpu.memory_space<semaphore_mem>>)
      %dma_wait3A = arith.constant 0 : i32
      %dma_wait3A_65 = tpu.memref_slice %arg8[%mul3A_17, %dma_wait3A] : memref<10240x16xf32, #tpu.memory_space<vmem_shared>> -> memref<640x16xf32, #tpu.memory_space<vmem_shared>>
      %dma_wait3A_66 = arith.constant 0 : i32
      %dma_wait3A_67 = tpu.memref_slice %arg8[%mul3A_17, %dma_wait3A_66] : memref<10240x16xf32, #tpu.memory_space<vmem_shared>> -> memref<640x16xf32, #tpu.memory_space<vmem_shared>>
      tpu.wait_dma2 semaphore(%run_scoped3A : memref<!tpu.dma_semaphore, #tpu.memory_space<semaphore_mem>>) src(%arg10 : memref<640x16xf32, #tpu.memory_space<vmem>>) dst(%dma_wait3A_67 : memref<640x16xf32, #tpu.memory_space<vmem_shared>>)
      tpu.yield
    }) : () -> ()
    %barrier3A = arith.constant 0 : index
    tpu.barrier barrier_id(%barrier3A)
    %mul3A_18 = arith.constant 16 : i32
    %mul3A_19 = arith.muli %arg0, %mul3A_18 : i32
    %add3A = arith.addi %mul3A_19, %arg1 : i32
    %mul3A_20 = arith.constant 10240 : i32
    %mul3A_21 = arith.muli %add3A, %mul3A_20 : i32
    %scan3A_22 = arith.constant 0 : i32
    %scan3A_23 = arith.constant 0 : i32
    %scan3A_24 = arith.constant 80 : i32
    %scan3A_25 = arith.addi %scan3A_23, %scan3A_24 : i32
    %scan3A_26 = arith.constant 1 : i32
    scf.for %scan3A_62 = %scan3A_23 to %scan3A_25 step %scan3A_26  : i32 {
      %mul3A_63 = arith.constant 128 : i32
      %mul3A_64 = arith.muli %scan3A_62, %mul3A_63 : i32
      %add3A_65 = arith.addi %mul3A_21, %mul3A_64 : i32
      "tpu.region"() ({
        %run_scoped3A = tpu.sem_alloc : memref<!tpu.dma_semaphore, #tpu.memory_space<semaphore_mem>>
        %dma_start3A = tpu.memref_slice %arg2[%add3A_65] : memref<327680xi32, #tpu.memory_space<hbm>> -> memref<128xi32, #tpu.memory_space<hbm>>
        %dma_start3A_66 = tpu.memref_slice %arg2[%add3A_65] : memref<327680xi32, #tpu.memory_space<hbm>> -> memref<128xi32, #tpu.memory_space<hbm>>
        tpu.enqueue_dma source(%dma_start3A_66 : memref<128xi32, #tpu.memory_space<hbm>>) target(%arg11 : memref<128xi32, #tpu.memory_space<vmem>>) target_semaphore(%run_scoped3A : memref<!tpu.dma_semaphore, #tpu.memory_space<semaphore_mem>>)
        %dma_wait3A = tpu.memref_slice %arg2[%add3A_65] : memref<327680xi32, #tpu.memory_space<hbm>> -> memref<128xi32, #tpu.memory_space<hbm>>
        %dma_wait3A_67 = tpu.memref_slice %arg2[%add3A_65] : memref<327680xi32, #tpu.memory_space<hbm>> -> memref<128xi32, #tpu.memory_space<hbm>>
        tpu.wait_dma2 semaphore(%run_scoped3A : memref<!tpu.dma_semaphore, #tpu.memory_space<semaphore_mem>>) src(%dma_wait3A_67 : memref<128xi32, #tpu.memory_space<hbm>>) dst(%arg11 : memref<128xi32, #tpu.memory_space<vmem>>)
        tpu.yield
      }) : () -> ()
      "tpu.region"() ({
        %run_scoped3A = tpu.sem_alloc : memref<!tpu.dma_semaphore, #tpu.memory_space<semaphore_mem>>
        %dma_start3A = arith.constant 0 : i32
        %dma_start3A_66 = arith.constant 0 : i32
        %dma_start3A_67 = tpu.memref_slice %arg6[%dma_start3A, %dma_start3A_66] : memref<10240x16xf32, #tpu.memory_space<vmem_shared>> -> memref<10240x16xf32, #tpu.memory_space<vmem_shared>>
        tpu.enqueue_indirect_dma source(%arg9 : memref<128x16xf32, #tpu.memory_space<vmem>>) target(%dma_start3A_67 : memref<10240x16xf32, #tpu.memory_space<vmem_shared>>) offsets(%arg11 : memref<128xi32, #tpu.memory_space<vmem>>) semaphore(%run_scoped3A : memref<!tpu.dma_semaphore, #tpu.memory_space<semaphore_mem>>) {add = true}
        %dma_wait3A = arith.constant 0 : i32
        %dma_wait3A_68 = arith.constant 0 : i32
        %dma_wait3A_69 = tpu.memref_slice %arg6[%dma_wait3A, %dma_wait3A_68] : memref<10240x16xf32, #tpu.memory_space<vmem_shared>> -> memref<10240x16xf32, #tpu.memory_space<vmem_shared>>
        tpu.wait_indirect_dma semaphore(%run_scoped3A : memref<!tpu.dma_semaphore, #tpu.memory_space<semaphore_mem>>) src(%arg9 : memref<128x16xf32, #tpu.memory_space<vmem>>) dst(%dma_wait3A_69 : memref<10240x16xf32, #tpu.memory_space<vmem_shared>>)
        tpu.yield
      }) : () -> ()
    }
    %scan3A_27 = arith.constant 80 : i32
    %scan3A_28 = arith.constant 0 : i32
    %scan3A_29 = arith.constant 0 : i32
    %scan3A_30 = arith.constant 80 : i32
    %scan3A_31 = arith.addi %scan3A_29, %scan3A_30 : i32
    %scan3A_32 = arith.constant 1 : i32
    scf.for %scan3A_62 = %scan3A_29 to %scan3A_31 step %scan3A_32  : i32 {
      %mul3A_63 = arith.constant 128 : i32
      %mul3A_64 = arith.muli %scan3A_62, %mul3A_63 : i32
      %add3A_65 = arith.addi %mul3A_21, %mul3A_64 : i32
      "tpu.region"() ({
        %run_scoped3A = tpu.sem_alloc : memref<!tpu.dma_semaphore, #tpu.memory_space<semaphore_mem>>
        %dma_start3A = tpu.memref_slice %arg3[%add3A_65] : memref<327680xi32, #tpu.memory_space<hbm>> -> memref<128xi32, #tpu.memory_space<hbm>>
        %dma_start3A_66 = tpu.memref_slice %arg3[%add3A_65] : memref<327680xi32, #tpu.memory_space<hbm>> -> memref<128xi32, #tpu.memory_space<hbm>>
        tpu.enqueue_dma source(%dma_start3A_66 : memref<128xi32, #tpu.memory_space<hbm>>) target(%arg11 : memref<128xi32, #tpu.memory_space<vmem>>) target_semaphore(%run_scoped3A : memref<!tpu.dma_semaphore, #tpu.memory_space<semaphore_mem>>)
        %dma_wait3A = tpu.memref_slice %arg3[%add3A_65] : memref<327680xi32, #tpu.memory_space<hbm>> -> memref<128xi32, #tpu.memory_space<hbm>>
        %dma_wait3A_67 = tpu.memref_slice %arg3[%add3A_65] : memref<327680xi32, #tpu.memory_space<hbm>> -> memref<128xi32, #tpu.memory_space<hbm>>
        tpu.wait_dma2 semaphore(%run_scoped3A : memref<!tpu.dma_semaphore, #tpu.memory_space<semaphore_mem>>) src(%dma_wait3A_67 : memref<128xi32, #tpu.memory_space<hbm>>) dst(%arg11 : memref<128xi32, #tpu.memory_space<vmem>>)
        tpu.yield
      }) : () -> ()
      "tpu.region"() ({
        %run_scoped3A = tpu.sem_alloc : memref<!tpu.dma_semaphore, #tpu.memory_space<semaphore_mem>>
        %dma_start3A = arith.constant 0 : i32
        %dma_start3A_66 = arith.constant 0 : i32
        %dma_start3A_67 = tpu.memref_slice %arg7[%dma_start3A, %dma_start3A_66] : memref<10240x16xf32, #tpu.memory_space<vmem_shared>> -> memref<10240x16xf32, #tpu.memory_space<vmem_shared>>
        tpu.enqueue_indirect_dma source(%arg9 : memref<128x16xf32, #tpu.memory_space<vmem>>) target(%dma_start3A_67 : memref<10240x16xf32, #tpu.memory_space<vmem_shared>>) offsets(%arg11 : memref<128xi32, #tpu.memory_space<vmem>>) semaphore(%run_scoped3A : memref<!tpu.dma_semaphore, #tpu.memory_space<semaphore_mem>>) {add = true}
        %dma_wait3A = arith.constant 0 : i32
        %dma_wait3A_68 = arith.constant 0 : i32
        %dma_wait3A_69 = tpu.memref_slice %arg7[%dma_wait3A, %dma_wait3A_68] : memref<10240x16xf32, #tpu.memory_space<vmem_shared>> -> memref<10240x16xf32, #tpu.memory_space<vmem_shared>>
        tpu.wait_indirect_dma semaphore(%run_scoped3A : memref<!tpu.dma_semaphore, #tpu.memory_space<semaphore_mem>>) src(%arg9 : memref<128x16xf32, #tpu.memory_space<vmem>>) dst(%dma_wait3A_69 : memref<10240x16xf32, #tpu.memory_space<vmem_shared>>)
        tpu.yield
      }) : () -> ()
    }
    %scan3A_33 = arith.constant 80 : i32
    %scan3A_34 = arith.constant 0 : i32
    %scan3A_35 = arith.constant 0 : i32
    %scan3A_36 = arith.constant 80 : i32
    %scan3A_37 = arith.addi %scan3A_35, %scan3A_36 : i32
    %scan3A_38 = arith.constant 1 : i32
    scf.for %scan3A_62 = %scan3A_35 to %scan3A_37 step %scan3A_38  : i32 {
      %mul3A_63 = arith.constant 128 : i32
      %mul3A_64 = arith.muli %scan3A_62, %mul3A_63 : i32
      %add3A_65 = arith.addi %mul3A_21, %mul3A_64 : i32
      "tpu.region"() ({
        %run_scoped3A = tpu.sem_alloc : memref<!tpu.dma_semaphore, #tpu.memory_space<semaphore_mem>>
        %dma_start3A = tpu.memref_slice %arg4[%add3A_65] : memref<327680xi32, #tpu.memory_space<hbm>> -> memref<128xi32, #tpu.memory_space<hbm>>
        %dma_start3A_66 = tpu.memref_slice %arg4[%add3A_65] : memref<327680xi32, #tpu.memory_space<hbm>> -> memref<128xi32, #tpu.memory_space<hbm>>
        tpu.enqueue_dma source(%dma_start3A_66 : memref<128xi32, #tpu.memory_space<hbm>>) target(%arg11 : memref<128xi32, #tpu.memory_space<vmem>>) target_semaphore(%run_scoped3A : memref<!tpu.dma_semaphore, #tpu.memory_space<semaphore_mem>>)
        %dma_wait3A = tpu.memref_slice %arg4[%add3A_65] : memref<327680xi32, #tpu.memory_space<hbm>> -> memref<128xi32, #tpu.memory_space<hbm>>
        %dma_wait3A_67 = tpu.memref_slice %arg4[%add3A_65] : memref<327680xi32, #tpu.memory_space<hbm>> -> memref<128xi32, #tpu.memory_space<hbm>>
        tpu.wait_dma2 semaphore(%run_scoped3A : memref<!tpu.dma_semaphore, #tpu.memory_space<semaphore_mem>>) src(%dma_wait3A_67 : memref<128xi32, #tpu.memory_space<hbm>>) dst(%arg11 : memref<128xi32, #tpu.memory_space<vmem>>)
        tpu.yield
      }) : () -> ()
      "tpu.region"() ({
        %run_scoped3A = tpu.sem_alloc : memref<!tpu.dma_semaphore, #tpu.memory_space<semaphore_mem>>
        %dma_start3A = arith.constant 0 : i32
        %dma_start3A_66 = arith.constant 0 : i32
        %dma_start3A_67 = tpu.memref_slice %arg8[%dma_start3A, %dma_start3A_66] : memref<10240x16xf32, #tpu.memory_space<vmem_shared>> -> memref<10240x16xf32, #tpu.memory_space<vmem_shared>>
        tpu.enqueue_indirect_dma source(%arg9 : memref<128x16xf32, #tpu.memory_space<vmem>>) target(%dma_start3A_67 : memref<10240x16xf32, #tpu.memory_space<vmem_shared>>) offsets(%arg11 : memref<128xi32, #tpu.memory_space<vmem>>) semaphore(%run_scoped3A : memref<!tpu.dma_semaphore, #tpu.memory_space<semaphore_mem>>) {add = true}
        %dma_wait3A = arith.constant 0 : i32
        %dma_wait3A_68 = arith.constant 0 : i32
        %dma_wait3A_69 = tpu.memref_slice %arg8[%dma_wait3A, %dma_wait3A_68] : memref<10240x16xf32, #tpu.memory_space<vmem_shared>> -> memref<10240x16xf32, #tpu.memory_space<vmem_shared>>
        tpu.wait_indirect_dma semaphore(%run_scoped3A : memref<!tpu.dma_semaphore, #tpu.memory_space<semaphore_mem>>) src(%arg9 : memref<128x16xf32, #tpu.memory_space<vmem>>) dst(%dma_wait3A_69 : memref<10240x16xf32, #tpu.memory_space<vmem_shared>>)
        tpu.yield
      }) : () -> ()
    }
    %scan3A_39 = arith.constant 80 : i32
    %barrier3A_40 = arith.constant 0 : index
    tpu.barrier barrier_id(%barrier3A_40)
    %mul3A_41 = arith.constant 3 : i32
    %mul3A_42 = arith.muli %arg0, %mul3A_41 : i32
    %add3A_43 = arith.constant 0 : i32
    %add3A_44 = arith.addi %mul3A_42, %add3A_43 : i32
    %mul3A_45 = arith.constant 10240 : i32
    %mul3A_46 = arith.muli %add3A_44, %mul3A_45 : i32
    %add3A_47 = arith.addi %mul3A_46, %mul3A_17 : i32
    "tpu.region"() ({
      %run_scoped3A = tpu.sem_alloc : memref<!tpu.dma_semaphore, #tpu.memory_space<semaphore_mem>>
      %dma_start3A = arith.constant 0 : i32
      %dma_start3A_62 = tpu.memref_slice %arg5[%add3A_47, %dma_start3A] : memref<61440x16xf32, #tpu.memory_space<hbm>> -> memref<640x16xf32, #tpu.memory_space<hbm>>
      %dma_start3A_63 = arith.constant 0 : i32
      %dma_start3A_64 = tpu.memref_slice %arg6[%mul3A_17, %dma_start3A_63] : memref<10240x16xf32, #tpu.memory_space<vmem_shared>> -> memref<640x16xf32, #tpu.memory_space<vmem_shared>>
      tpu.enqueue_dma source(%dma_start3A_64 : memref<640x16xf32, #tpu.memory_space<vmem_shared>>) target(%dma_start3A_62 : memref<640x16xf32, #tpu.memory_space<hbm>>) target_semaphore(%run_scoped3A : memref<!tpu.dma_semaphore, #tpu.memory_space<semaphore_mem>>)
      %dma_wait3A = arith.constant 0 : i32
      %dma_wait3A_65 = tpu.memref_slice %arg5[%add3A_47, %dma_wait3A] : memref<61440x16xf32, #tpu.memory_space<hbm>> -> memref<640x16xf32, #tpu.memory_space<hbm>>
      %dma_wait3A_66 = arith.constant 0 : i32
      %dma_wait3A_67 = tpu.memref_slice %arg6[%mul3A_17, %dma_wait3A_66] : memref<10240x16xf32, #tpu.memory_space<vmem_shared>> -> memref<640x16xf32, #tpu.memory_space<vmem_shared>>
      tpu.wait_dma2 semaphore(%run_scoped3A : memref<!tpu.dma_semaphore, #tpu.memory_space<semaphore_mem>>) src(%dma_wait3A_67 : memref<640x16xf32, #tpu.memory_space<vmem_shared>>) dst(%dma_wait3A_65 : memref<640x16xf32, #tpu.memory_space<hbm>>)
      tpu.yield
    }) : () -> ()
    %mul3A_48 = arith.constant 3 : i32
    %mul3A_49 = arith.muli %arg0, %mul3A_48 : i32
    %add3A_50 = arith.constant 1 : i32
    %add3A_51 = arith.addi %mul3A_49, %add3A_50 : i32
    %mul3A_52 = arith.constant 10240 : i32
    %mul3A_53 = arith.muli %add3A_51, %mul3A_52 : i32
    %add3A_54 = arith.addi %mul3A_53, %mul3A_17 : i32
    "tpu.region"() ({
      %run_scoped3A = tpu.sem_alloc : memref<!tpu.dma_semaphore, #tpu.memory_space<semaphore_mem>>
      %dma_start3A = arith.constant 0 : i32
      %dma_start3A_62 = tpu.memref_slice %arg5[%add3A_54, %dma_start3A] : memref<61440x16xf32, #tpu.memory_space<hbm>> -> memref<640x16xf32, #tpu.memory_space<hbm>>
      %dma_start3A_63 = arith.constant 0 : i32
      %dma_start3A_64 = tpu.memref_slice %arg7[%mul3A_17, %dma_start3A_63] : memref<10240x16xf32, #tpu.memory_space<vmem_shared>> -> memref<640x16xf32, #tpu.memory_space<vmem_shared>>
      tpu.enqueue_dma source(%dma_start3A_64 : memref<640x16xf32, #tpu.memory_space<vmem_shared>>) target(%dma_start3A_62 : memref<640x16xf32, #tpu.memory_space<hbm>>) target_semaphore(%run_scoped3A : memref<!tpu.dma_semaphore, #tpu.memory_space<semaphore_mem>>)
      %dma_wait3A = arith.constant 0 : i32
      %dma_wait3A_65 = tpu.memref_slice %arg5[%add3A_54, %dma_wait3A] : memref<61440x16xf32, #tpu.memory_space<hbm>> -> memref<640x16xf32, #tpu.memory_space<hbm>>
      %dma_wait3A_66 = arith.constant 0 : i32
      %dma_wait3A_67 = tpu.memref_slice %arg7[%mul3A_17, %dma_wait3A_66] : memref<10240x16xf32, #tpu.memory_space<vmem_shared>> -> memref<640x16xf32, #tpu.memory_space<vmem_shared>>
      tpu.wait_dma2 semaphore(%run_scoped3A : memref<!tpu.dma_semaphore, #tpu.memory_space<semaphore_mem>>) src(%dma_wait3A_67 : memref<640x16xf32, #tpu.memory_space<vmem_shared>>) dst(%dma_wait3A_65 : memref<640x16xf32, #tpu.memory_space<hbm>>)
      tpu.yield
    }) : () -> ()
    %mul3A_55 = arith.constant 3 : i32
    %mul3A_56 = arith.muli %arg0, %mul3A_55 : i32
    %add3A_57 = arith.constant 2 : i32
    %add3A_58 = arith.addi %mul3A_56, %add3A_57 : i32
    %mul3A_59 = arith.constant 10240 : i32
    %mul3A_60 = arith.muli %add3A_58, %mul3A_59 : i32
    %add3A_61 = arith.addi %mul3A_60, %mul3A_17 : i32
    "tpu.region"() ({
      %run_scoped3A = tpu.sem_alloc : memref<!tpu.dma_semaphore, #tpu.memory_space<semaphore_mem>>
      %dma_start3A = arith.constant 0 : i32
      %dma_start3A_62 = tpu.memref_slice %arg5[%add3A_61, %dma_start3A] : memref<61440x16xf32, #tpu.memory_space<hbm>> -> memref<640x16xf32, #tpu.memory_space<hbm>>
      %dma_start3A_63 = arith.constant 0 : i32
      %dma_start3A_64 = tpu.memref_slice %arg8[%mul3A_17, %dma_start3A_63] : memref<10240x16xf32, #tpu.memory_space<vmem_shared>> -> memref<640x16xf32, #tpu.memory_space<vmem_shared>>
      tpu.enqueue_dma source(%dma_start3A_64 : memref<640x16xf32, #tpu.memory_space<vmem_shared>>) target(%dma_start3A_62 : memref<640x16xf32, #tpu.memory_space<hbm>>) target_semaphore(%run_scoped3A : memref<!tpu.dma_semaphore, #tpu.memory_space<semaphore_mem>>)
      %dma_wait3A = arith.constant 0 : i32
      %dma_wait3A_65 = tpu.memref_slice %arg5[%add3A_61, %dma_wait3A] : memref<61440x16xf32, #tpu.memory_space<hbm>> -> memref<640x16xf32, #tpu.memory_space<hbm>>
      %dma_wait3A_66 = arith.constant 0 : i32
      %dma_wait3A_67 = tpu.memref_slice %arg8[%mul3A_17, %dma_wait3A_66] : memref<10240x16xf32, #tpu.memory_space<vmem_shared>> -> memref<640x16xf32, #tpu.memory_space<vmem_shared>>
      tpu.wait_dma2 semaphore(%run_scoped3A : memref<!tpu.dma_semaphore, #tpu.memory_space<semaphore_mem>>) src(%dma_wait3A_67 : memref<640x16xf32, #tpu.memory_space<vmem_shared>>) dst(%dma_wait3A_65 : memref<640x16xf32, #tpu.memory_space<hbm>>)
      tpu.yield
    }) : () -> ()
    return
  }
}

#map = affine_map<(d0, d1) -> (0, 0)>
#map1 = affine_map<(d0, d1) -> (0)>
module attributes {stable_mosaic.version = 14 : i64} {
  func.func @_scatter_body(%arg0: i32, %arg1: i32, %arg2: memref<10000x128xf32, #tpu.memory_space<hbm>>, %arg3: memref<10000x128xf32, #tpu.memory_space<hbm>>, %arg4: memref<10000x128xf32, #tpu.memory_space<hbm>>, %arg5: memref<327680xi32, #tpu.memory_space<hbm>>, %arg6: memref<327680xi32, #tpu.memory_space<hbm>>, %arg7: memref<327680xi32, #tpu.memory_space<hbm>>, %arg8: memref<327680xi32, #tpu.memory_space<hbm>>, %arg9: memref<327680xi32, #tpu.memory_space<hbm>>, %arg10: memref<327680xi32, #tpu.memory_space<hbm>>, %arg11: memref<61440x128xf32, #tpu.memory_space<hbm>>, %arg12: memref<10240x128xf32, #tpu.memory_space<vmem_shared>>, %arg13: memref<5120xi32, #tpu.memory_space<vmem>>, %arg14: memref<128xi32, #tpu.memory_space<vmem>>, %arg15: memref<128xi32, #tpu.memory_space<vmem>>, %arg16: memref<2x128x128xf32, #tpu.memory_space<vmem>>, %arg17: memref<2x!tpu.dma_semaphore, #tpu.memory_space<semaphore_mem>>, %arg18: memref<2x!tpu.dma_semaphore, #tpu.memory_space<semaphore_mem>>) attributes {dimension_semantics = [#tpu.dimension_semantics<core_parallel>, #tpu.dimension_semantics<subcore_parallel>], iteration_bounds = array<i64: 2, 16>, scalar_prefetch = 0 : i64, scratch_operands = 7 : i64, tpu.core_type = #tpu.core_type<sc_vector_subcore>, window_params = [{transform_indices = #map}, {transform_indices = #map}, {transform_indices = #map}, {transform_indices = #map1}, {transform_indices = #map1}, {transform_indices = #map1}, {transform_indices = #map1}, {transform_indices = #map1}, {transform_indices = #map1}, {transform_indices = #map}]} {
    %broadcast_in_dim3A = arith.constant 0.000000e+00 : f32
    %broadcast_in_dim3A_0 = vector.broadcast %broadcast_in_dim3A : f32 to vector<16xf32>
    %mul3A = arith.constant 640 : i32
    %mul3A_1 = arith.muli %arg1, %mul3A : i32
    %mul3A_2 = arith.constant 16 : i32
    %mul3A_3 = arith.muli %arg0, %mul3A_2 : i32
    %add3A = arith.addi %mul3A_3, %arg1 : i32
    %mul3A_4 = arith.constant 10240 : i32
    %mul3A_5 = arith.muli %add3A, %mul3A_4 : i32
    %scan3A = arith.constant 0 : i32
    %scan3A_6 = arith.constant 0 : i32
    %scan3A_7 = arith.constant 1024 : i32
    %scan3A_8 = arith.addi %scan3A_6, %scan3A_7 : i32
    %scan3A_9 = arith.constant 1 : i32
    scf.for %scan3A_135 = %scan3A_6 to %scan3A_8 step %scan3A_9  : i32 {
      %jit3A = arith.constant 8 : i32
      %div3A = arith.divsi %scan3A_135, %jit3A : i32
      %sign3A = arith.constant 0 : i32
      %sign3A_136 = arith.cmpi sgt, %scan3A_135, %sign3A : i32
      %sign3A_137 = arith.extui %sign3A_136 : i1 to i32
      %sign3A_138 = arith.constant 0 : i32
      %sign3A_139 = arith.cmpi slt, %scan3A_135, %sign3A_138 : i32
      %sign3A_140 = arith.extui %sign3A_139 : i1 to i32
      %sign3A_141 = arith.subi %sign3A_137, %sign3A_140 : i32
      %sign3A_142 = arith.constant 0 : i32
      %sign3A_143 = arith.cmpi sgt, %jit3A, %sign3A_142 : i32
      %sign3A_144 = arith.extui %sign3A_143 : i1 to i32
      %sign3A_145 = arith.constant 0 : i32
      %sign3A_146 = arith.cmpi slt, %jit3A, %sign3A_145 : i32
      %sign3A_147 = arith.extui %sign3A_146 : i1 to i32
      %sign3A_148 = arith.subi %sign3A_144, %sign3A_147 : i32
      %ne3A = arith.cmpi ne, %sign3A_141, %sign3A_148 : i32
      %rem3A = arith.remsi %scan3A_135, %jit3A : i32
      %ne3A_149 = arith.constant 0 : i32
      %ne3A_150 = arith.cmpi ne, %rem3A, %ne3A_149 : i32
      %and3A = arith.andi %ne3A, %ne3A_150 : i1
      %sub3A = arith.constant 1 : i32
      %sub3A_151 = arith.subi %div3A, %sub3A : i32
      %select_n3A = arith.select %and3A, %sub3A_151, %div3A : i32
      %jit3A_152 = arith.constant 8 : i32
      %eq3A = arith.constant 0 : i32
      %eq3A_153 = arith.cmpi eq, %jit3A_152, %eq3A : i32
      %jit3A_154 = arith.constant 1 : i32
      %select_n3A_155 = arith.select %eq3A_153, %jit3A_154, %jit3A_152 : i32
      %rem3A_156 = arith.remsi %scan3A_135, %select_n3A_155 : i32
      %ne3A_157 = arith.constant 0 : i32
      %ne3A_158 = arith.cmpi ne, %rem3A_156, %ne3A_157 : i32
      %lt3A = arith.constant 0 : i32
      %lt3A_159 = arith.cmpi slt, %rem3A_156, %lt3A : i32
      %lt3A_160 = arith.constant 0 : i32
      %lt3A_161 = arith.cmpi slt, %select_n3A_155, %lt3A_160 : i32
      %ne3A_162 = arith.xori %lt3A_159, %lt3A_161 : i1
      %and3A_163 = arith.andi %ne3A_162, %ne3A_158 : i1
      %add3A_164 = arith.addi %rem3A_156, %select_n3A_155 : i32
      %select_n3A_165 = arith.select %and3A_163, %add3A_164, %rem3A_156 : i32
      %mul3A_166 = arith.constant 16 : i32
      %mul3A_167 = arith.muli %select_n3A_165, %mul3A_166 : i32
      %swap3A = arith.constant 0 : i32
      %swap3A_168 = arith.index_cast %swap3A : i32 to index
      %swap3A_169 = arith.index_cast %select_n3A : i32 to index
      %swap3A_170 = arith.index_cast %mul3A_167 : i32 to index
      %swap3A_171 = tpu.vector_load %arg16[%swap3A_168, %swap3A_169, %swap3A_170] {strides = array<i32>} : memref<2x128x128xf32, #tpu.memory_space<vmem>>, vector<1x1x16xf32>,
      %swap3A_172 = vector.shape_cast %swap3A_171 : vector<1x1x16xf32> to vector<16xf32>
      %swap3A_173 = vector.shape_cast %broadcast_in_dim3A_0 : vector<16xf32> to vector<1x1x16xf32>
      tpu.vector_store %arg16[%swap3A_168, %swap3A_169, %swap3A_170], %swap3A_173 {strides = array<i32>} : memref<2x128x128xf32, #tpu.memory_space<vmem>>, vector<1x1x16xf32>,
    }
    %scan3A_10 = arith.constant 1024 : i32
    %add3A_11 = arith.constant 0 : i32
    %add3A_12 = arith.addi %mul3A_1, %add3A_11 : i32
    %run_scoped3A = arith.constant 0 : i32
    "tpu.region"() ({
      %run_scoped3A_135 = tpu.sem_alloc : memref<!tpu.dma_semaphore, #tpu.memory_space<semaphore_mem>>
      %dma_start3A = arith.constant 0 : i32
      %dma_start3A_136 = arith.constant 0 : i32
      %dma_start3A_137 = tpu.memref_slice %arg16[%run_scoped3A, %dma_start3A, %dma_start3A_136] : memref<2x128x128xf32, #tpu.memory_space<vmem>> -> memref<1x128x128xf32, #tpu.memory_space<vmem>>
      %dma_start3A_138 = tpu.memref_squeeze %dma_start3A_137 : memref<1x128x128xf32, #tpu.memory_space<vmem>> -> memref<128x128xf32, #tpu.memory_space<vmem>>
      %dma_start3A_139 = arith.constant 0 : i32
      %dma_start3A_140 = tpu.memref_slice %arg12[%add3A_12, %dma_start3A_139] : memref<10240x128xf32, #tpu.memory_space<vmem_shared>> -> memref<128x128xf32, #tpu.memory_space<vmem_shared>>
      %dma_start3A_141 = arith.constant 0 : i32
      %dma_start3A_142 = tpu.memref_slice %arg12[%add3A_12, %dma_start3A_141] : memref<10240x128xf32, #tpu.memory_space<vmem_shared>> -> memref<128x128xf32, #tpu.memory_space<vmem_shared>>
      %dma_start3A_143 = arith.constant 0 : i32
      %dma_start3A_144 = arith.constant 0 : i32
      %dma_start3A_145 = tpu.memref_slice %arg16[%run_scoped3A, %dma_start3A_143, %dma_start3A_144] : memref<2x128x128xf32, #tpu.memory_space<vmem>> -> memref<1x128x128xf32, #tpu.memory_space<vmem>>
      %dma_start3A_146 = tpu.memref_squeeze %dma_start3A_145 : memref<1x128x128xf32, #tpu.memory_space<vmem>> -> memref<128x128xf32, #tpu.memory_space<vmem>>
      tpu.enqueue_dma source(%dma_start3A_146 : memref<128x128xf32, #tpu.memory_space<vmem>>) target(%dma_start3A_142 : memref<128x128xf32, #tpu.memory_space<vmem_shared>>) target_semaphore(%run_scoped3A_135 : memref<!tpu.dma_semaphore, #tpu.memory_space<semaphore_mem>>)
      %dma_wait3A = arith.constant 0 : i32
      %dma_wait3A_147 = arith.constant 0 : i32
      %dma_wait3A_148 = tpu.memref_slice %arg16[%run_scoped3A, %dma_wait3A, %dma_wait3A_147] : memref<2x128x128xf32, #tpu.memory_space<vmem>> -> memref<1x128x128xf32, #tpu.memory_space<vmem>>
      %dma_wait3A_149 = tpu.memref_squeeze %dma_wait3A_148 : memref<1x128x128xf32, #tpu.memory_space<vmem>> -> memref<128x128xf32, #tpu.memory_space<vmem>>
      %dma_wait3A_150 = arith.constant 0 : i32
      %dma_wait3A_151 = tpu.memref_slice %arg12[%add3A_12, %dma_wait3A_150] : memref<10240x128xf32, #tpu.memory_space<vmem_shared>> -> memref<128x128xf32, #tpu.memory_space<vmem_shared>>
      %dma_wait3A_152 = arith.constant 0 : i32
      %dma_wait3A_153 = tpu.memref_slice %arg12[%add3A_12, %dma_wait3A_152] : memref<10240x128xf32, #tpu.memory_space<vmem_shared>> -> memref<128x128xf32, #tpu.memory_space<vmem_shared>>
      %dma_wait3A_154 = arith.constant 0 : i32
      %dma_wait3A_155 = arith.constant 0 : i32
      %dma_wait3A_156 = tpu.memref_slice %arg16[%run_scoped3A, %dma_wait3A_154, %dma_wait3A_155] : memref<2x128x128xf32, #tpu.memory_space<vmem>> -> memref<1x128x128xf32, #tpu.memory_space<vmem>>
      %dma_wait3A_157 = tpu.memref_squeeze %dma_wait3A_156 : memref<1x128x128xf32, #tpu.memory_space<vmem>> -> memref<128x128xf32, #tpu.memory_space<vmem>>
      tpu.wait_dma2 semaphore(%run_scoped3A_135 : memref<!tpu.dma_semaphore, #tpu.memory_space<semaphore_mem>>) src(%dma_wait3A_157 : memref<128x128xf32, #tpu.memory_space<vmem>>) dst(%dma_wait3A_153 : memref<128x128xf32, #tpu.memory_space<vmem_shared>>)
      tpu.yield
    }) : () -> ()
    %add3A_13 = arith.constant 128 : i32
    %add3A_14 = arith.addi %mul3A_1, %add3A_13 : i32
    %run_scoped3A_15 = arith.constant 0 : i32
    "tpu.region"() ({
      %run_scoped3A_135 = tpu.sem_alloc : memref<!tpu.dma_semaphore, #tpu.memory_space<semaphore_mem>>
      %dma_start3A = arith.constant 0 : i32
      %dma_start3A_136 = arith.constant 0 : i32
      %dma_start3A_137 = tpu.memref_slice %arg16[%run_scoped3A_15, %dma_start3A, %dma_start3A_136] : memref<2x128x128xf32, #tpu.memory_space<vmem>> -> memref<1x128x128xf32, #tpu.memory_space<vmem>>
      %dma_start3A_138 = tpu.memref_squeeze %dma_start3A_137 : memref<1x128x128xf32, #tpu.memory_space<vmem>> -> memref<128x128xf32, #tpu.memory_space<vmem>>
      %dma_start3A_139 = arith.constant 0 : i32
      %dma_start3A_140 = tpu.memref_slice %arg12[%add3A_14, %dma_start3A_139] : memref<10240x128xf32, #tpu.memory_space<vmem_shared>> -> memref<128x128xf32, #tpu.memory_space<vmem_shared>>
      %dma_start3A_141 = arith.constant 0 : i32
      %dma_start3A_142 = tpu.memref_slice %arg12[%add3A_14, %dma_start3A_141] : memref<10240x128xf32, #tpu.memory_space<vmem_shared>> -> memref<128x128xf32, #tpu.memory_space<vmem_shared>>
      %dma_start3A_143 = arith.constant 0 : i32
      %dma_start3A_144 = arith.constant 0 : i32
      %dma_start3A_145 = tpu.memref_slice %arg16[%run_scoped3A_15, %dma_start3A_143, %dma_start3A_144] : memref<2x128x128xf32, #tpu.memory_space<vmem>> -> memref<1x128x128xf32, #tpu.memory_space<vmem>>
      %dma_start3A_146 = tpu.memref_squeeze %dma_start3A_145 : memref<1x128x128xf32, #tpu.memory_space<vmem>> -> memref<128x128xf32, #tpu.memory_space<vmem>>
      tpu.enqueue_dma source(%dma_start3A_146 : memref<128x128xf32, #tpu.memory_space<vmem>>) target(%dma_start3A_142 : memref<128x128xf32, #tpu.memory_space<vmem_shared>>) target_semaphore(%run_scoped3A_135 : memref<!tpu.dma_semaphore, #tpu.memory_space<semaphore_mem>>)
      %dma_wait3A = arith.constant 0 : i32
      %dma_wait3A_147 = arith.constant 0 : i32
      %dma_wait3A_148 = tpu.memref_slice %arg16[%run_scoped3A_15, %dma_wait3A, %dma_wait3A_147] : memref<2x128x128xf32, #tpu.memory_space<vmem>> -> memref<1x128x128xf32, #tpu.memory_space<vmem>>
      %dma_wait3A_149 = tpu.memref_squeeze %dma_wait3A_148 : memref<1x128x128xf32, #tpu.memory_space<vmem>> -> memref<128x128xf32, #tpu.memory_space<vmem>>
      %dma_wait3A_150 = arith.constant 0 : i32
      %dma_wait3A_151 = tpu.memref_slice %arg12[%add3A_14, %dma_wait3A_150] : memref<10240x128xf32, #tpu.memory_space<vmem_shared>> -> memref<128x128xf32, #tpu.memory_space<vmem_shared>>
      %dma_wait3A_152 = arith.constant 0 : i32
      %dma_wait3A_153 = tpu.memref_slice %arg12[%add3A_14, %dma_wait3A_152] : memref<10240x128xf32, #tpu.memory_space<vmem_shared>> -> memref<128x128xf32, #tpu.memory_space<vmem_shared>>
      %dma_wait3A_154 = arith.constant 0 : i32
      %dma_wait3A_155 = arith.constant 0 : i32
      %dma_wait3A_156 = tpu.memref_slice %arg16[%run_scoped3A_15, %dma_wait3A_154, %dma_wait3A_155] : memref<2x128x128xf32, #tpu.memory_space<vmem>> -> memref<1x128x128xf32, #tpu.memory_space<vmem>>
      %dma_wait3A_157 = tpu.memref_squeeze %dma_wait3A_156 : memref<1x128x128xf32, #tpu.memory_space<vmem>> -> memref<128x128xf32, #tpu.memory_space<vmem>>
      tpu.wait_dma2 semaphore(%run_scoped3A_135 : memref<!tpu.dma_semaphore, #tpu.memory_space<semaphore_mem>>) src(%dma_wait3A_157 : memref<128x128xf32, #tpu.memory_space<vmem>>) dst(%dma_wait3A_153 : memref<128x128xf32, #tpu.memory_space<vmem_shared>>)
      tpu.yield
    }) : () -> ()
    %add3A_16 = arith.constant 256 : i32
    %add3A_17 = arith.addi %mul3A_1, %add3A_16 : i32
    %run_scoped3A_18 = arith.constant 0 : i32
    "tpu.region"() ({
      %run_scoped3A_135 = tpu.sem_alloc : memref<!tpu.dma_semaphore, #tpu.memory_space<semaphore_mem>>
      %dma_start3A = arith.constant 0 : i32
      %dma_start3A_136 = arith.constant 0 : i32
      %dma_start3A_137 = tpu.memref_slice %arg16[%run_scoped3A_18, %dma_start3A, %dma_start3A_136] : memref<2x128x128xf32, #tpu.memory_space<vmem>> -> memref<1x128x128xf32, #tpu.memory_space<vmem>>
      %dma_start3A_138 = tpu.memref_squeeze %dma_start3A_137 : memref<1x128x128xf32, #tpu.memory_space<vmem>> -> memref<128x128xf32, #tpu.memory_space<vmem>>
      %dma_start3A_139 = arith.constant 0 : i32
      %dma_start3A_140 = tpu.memref_slice %arg12[%add3A_17, %dma_start3A_139] : memref<10240x128xf32, #tpu.memory_space<vmem_shared>> -> memref<128x128xf32, #tpu.memory_space<vmem_shared>>
      %dma_start3A_141 = arith.constant 0 : i32
      %dma_start3A_142 = tpu.memref_slice %arg12[%add3A_17, %dma_start3A_141] : memref<10240x128xf32, #tpu.memory_space<vmem_shared>> -> memref<128x128xf32, #tpu.memory_space<vmem_shared>>
      %dma_start3A_143 = arith.constant 0 : i32
      %dma_start3A_144 = arith.constant 0 : i32
      %dma_start3A_145 = tpu.memref_slice %arg16[%run_scoped3A_18, %dma_start3A_143, %dma_start3A_144] : memref<2x128x128xf32, #tpu.memory_space<vmem>> -> memref<1x128x128xf32, #tpu.memory_space<vmem>>
      %dma_start3A_146 = tpu.memref_squeeze %dma_start3A_145 : memref<1x128x128xf32, #tpu.memory_space<vmem>> -> memref<128x128xf32, #tpu.memory_space<vmem>>
      tpu.enqueue_dma source(%dma_start3A_146 : memref<128x128xf32, #tpu.memory_space<vmem>>) target(%dma_start3A_142 : memref<128x128xf32, #tpu.memory_space<vmem_shared>>) target_semaphore(%run_scoped3A_135 : memref<!tpu.dma_semaphore, #tpu.memory_space<semaphore_mem>>)
      %dma_wait3A = arith.constant 0 : i32
      %dma_wait3A_147 = arith.constant 0 : i32
      %dma_wait3A_148 = tpu.memref_slice %arg16[%run_scoped3A_18, %dma_wait3A, %dma_wait3A_147] : memref<2x128x128xf32, #tpu.memory_space<vmem>> -> memref<1x128x128xf32, #tpu.memory_space<vmem>>
      %dma_wait3A_149 = tpu.memref_squeeze %dma_wait3A_148 : memref<1x128x128xf32, #tpu.memory_space<vmem>> -> memref<128x128xf32, #tpu.memory_space<vmem>>
      %dma_wait3A_150 = arith.constant 0 : i32
      %dma_wait3A_151 = tpu.memref_slice %arg12[%add3A_17, %dma_wait3A_150] : memref<10240x128xf32, #tpu.memory_space<vmem_shared>> -> memref<128x128xf32, #tpu.memory_space<vmem_shared>>
      %dma_wait3A_152 = arith.constant 0 : i32
      %dma_wait3A_153 = tpu.memref_slice %arg12[%add3A_17, %dma_wait3A_152] : memref<10240x128xf32, #tpu.memory_space<vmem_shared>> -> memref<128x128xf32, #tpu.memory_space<vmem_shared>>
      %dma_wait3A_154 = arith.constant 0 : i32
      %dma_wait3A_155 = arith.constant 0 : i32
      %dma_wait3A_156 = tpu.memref_slice %arg16[%run_scoped3A_18, %dma_wait3A_154, %dma_wait3A_155] : memref<2x128x128xf32, #tpu.memory_space<vmem>> -> memref<1x128x128xf32, #tpu.memory_space<vmem>>
      %dma_wait3A_157 = tpu.memref_squeeze %dma_wait3A_156 : memref<1x128x128xf32, #tpu.memory_space<vmem>> -> memref<128x128xf32, #tpu.memory_space<vmem>>
      tpu.wait_dma2 semaphore(%run_scoped3A_135 : memref<!tpu.dma_semaphore, #tpu.memory_space<semaphore_mem>>) src(%dma_wait3A_157 : memref<128x128xf32, #tpu.memory_space<vmem>>) dst(%dma_wait3A_153 : memref<128x128xf32, #tpu.memory_space<vmem_shared>>)
      tpu.yield
    }) : () -> ()
    %add3A_19 = arith.constant 384 : i32
    %add3A_20 = arith.addi %mul3A_1, %add3A_19 : i32
    %run_scoped3A_21 = arith.constant 0 : i32
    "tpu.region"() ({
      %run_scoped3A_135 = tpu.sem_alloc : memref<!tpu.dma_semaphore, #tpu.memory_space<semaphore_mem>>
      %dma_start3A = arith.constant 0 : i32
      %dma_start3A_136 = arith.constant 0 : i32
      %dma_start3A_137 = tpu.memref_slice %arg16[%run_scoped3A_21, %dma_start3A, %dma_start3A_136] : memref<2x128x128xf32, #tpu.memory_space<vmem>> -> memref<1x128x128xf32, #tpu.memory_space<vmem>>
      %dma_start3A_138 = tpu.memref_squeeze %dma_start3A_137 : memref<1x128x128xf32, #tpu.memory_space<vmem>> -> memref<128x128xf32, #tpu.memory_space<vmem>>
      %dma_start3A_139 = arith.constant 0 : i32
      %dma_start3A_140 = tpu.memref_slice %arg12[%add3A_20, %dma_start3A_139] : memref<10240x128xf32, #tpu.memory_space<vmem_shared>> -> memref<128x128xf32, #tpu.memory_space<vmem_shared>>
      %dma_start3A_141 = arith.constant 0 : i32
      %dma_start3A_142 = tpu.memref_slice %arg12[%add3A_20, %dma_start3A_141] : memref<10240x128xf32, #tpu.memory_space<vmem_shared>> -> memref<128x128xf32, #tpu.memory_space<vmem_shared>>
      %dma_start3A_143 = arith.constant 0 : i32
      %dma_start3A_144 = arith.constant 0 : i32
      %dma_start3A_145 = tpu.memref_slice %arg16[%run_scoped3A_21, %dma_start3A_143, %dma_start3A_144] : memref<2x128x128xf32, #tpu.memory_space<vmem>> -> memref<1x128x128xf32, #tpu.memory_space<vmem>>
      %dma_start3A_146 = tpu.memref_squeeze %dma_start3A_145 : memref<1x128x128xf32, #tpu.memory_space<vmem>> -> memref<128x128xf32, #tpu.memory_space<vmem>>
      tpu.enqueue_dma source(%dma_start3A_146 : memref<128x128xf32, #tpu.memory_space<vmem>>) target(%dma_start3A_142 : memref<128x128xf32, #tpu.memory_space<vmem_shared>>) target_semaphore(%run_scoped3A_135 : memref<!tpu.dma_semaphore, #tpu.memory_space<semaphore_mem>>)
      %dma_wait3A = arith.constant 0 : i32
      %dma_wait3A_147 = arith.constant 0 : i32
      %dma_wait3A_148 = tpu.memref_slice %arg16[%run_scoped3A_21, %dma_wait3A, %dma_wait3A_147] : memref<2x128x128xf32, #tpu.memory_space<vmem>> -> memref<1x128x128xf32, #tpu.memory_space<vmem>>
      %dma_wait3A_149 = tpu.memref_squeeze %dma_wait3A_148 : memref<1x128x128xf32, #tpu.memory_space<vmem>> -> memref<128x128xf32, #tpu.memory_space<vmem>>
      %dma_wait3A_150 = arith.constant 0 : i32
      %dma_wait3A_151 = tpu.memref_slice %arg12[%add3A_20, %dma_wait3A_150] : memref<10240x128xf32, #tpu.memory_space<vmem_shared>> -> memref<128x128xf32, #tpu.memory_space<vmem_shared>>
      %dma_wait3A_152 = arith.constant 0 : i32
      %dma_wait3A_153 = tpu.memref_slice %arg12[%add3A_20, %dma_wait3A_152] : memref<10240x128xf32, #tpu.memory_space<vmem_shared>> -> memref<128x128xf32, #tpu.memory_space<vmem_shared>>
      %dma_wait3A_154 = arith.constant 0 : i32
      %dma_wait3A_155 = arith.constant 0 : i32
      %dma_wait3A_156 = tpu.memref_slice %arg16[%run_scoped3A_21, %dma_wait3A_154, %dma_wait3A_155] : memref<2x128x128xf32, #tpu.memory_space<vmem>> -> memref<1x128x128xf32, #tpu.memory_space<vmem>>
      %dma_wait3A_157 = tpu.memref_squeeze %dma_wait3A_156 : memref<1x128x128xf32, #tpu.memory_space<vmem>> -> memref<128x128xf32, #tpu.memory_space<vmem>>
      tpu.wait_dma2 semaphore(%run_scoped3A_135 : memref<!tpu.dma_semaphore, #tpu.memory_space<semaphore_mem>>) src(%dma_wait3A_157 : memref<128x128xf32, #tpu.memory_space<vmem>>) dst(%dma_wait3A_153 : memref<128x128xf32, #tpu.memory_space<vmem_shared>>)
      tpu.yield
    }) : () -> ()
    %add3A_22 = arith.constant 512 : i32
    %add3A_23 = arith.addi %mul3A_1, %add3A_22 : i32
    %run_scoped3A_24 = arith.constant 0 : i32
    "tpu.region"() ({
      %run_scoped3A_135 = tpu.sem_alloc : memref<!tpu.dma_semaphore, #tpu.memory_space<semaphore_mem>>
      %dma_start3A = arith.constant 0 : i32
      %dma_start3A_136 = arith.constant 0 : i32
      %dma_start3A_137 = tpu.memref_slice %arg16[%run_scoped3A_24, %dma_start3A, %dma_start3A_136] : memref<2x128x128xf32, #tpu.memory_space<vmem>> -> memref<1x128x128xf32, #tpu.memory_space<vmem>>
      %dma_start3A_138 = tpu.memref_squeeze %dma_start3A_137 : memref<1x128x128xf32, #tpu.memory_space<vmem>> -> memref<128x128xf32, #tpu.memory_space<vmem>>
      %dma_start3A_139 = arith.constant 0 : i32
      %dma_start3A_140 = tpu.memref_slice %arg12[%add3A_23, %dma_start3A_139] : memref<10240x128xf32, #tpu.memory_space<vmem_shared>> -> memref<128x128xf32, #tpu.memory_space<vmem_shared>>
      %dma_start3A_141 = arith.constant 0 : i32
      %dma_start3A_142 = tpu.memref_slice %arg12[%add3A_23, %dma_start3A_141] : memref<10240x128xf32, #tpu.memory_space<vmem_shared>> -> memref<128x128xf32, #tpu.memory_space<vmem_shared>>
      %dma_start3A_143 = arith.constant 0 : i32
      %dma_start3A_144 = arith.constant 0 : i32
      %dma_start3A_145 = tpu.memref_slice %arg16[%run_scoped3A_24, %dma_start3A_143, %dma_start3A_144] : memref<2x128x128xf32, #tpu.memory_space<vmem>> -> memref<1x128x128xf32, #tpu.memory_space<vmem>>
      %dma_start3A_146 = tpu.memref_squeeze %dma_start3A_145 : memref<1x128x128xf32, #tpu.memory_space<vmem>> -> memref<128x128xf32, #tpu.memory_space<vmem>>
      tpu.enqueue_dma source(%dma_start3A_146 : memref<128x128xf32, #tpu.memory_space<vmem>>) target(%dma_start3A_142 : memref<128x128xf32, #tpu.memory_space<vmem_shared>>) target_semaphore(%run_scoped3A_135 : memref<!tpu.dma_semaphore, #tpu.memory_space<semaphore_mem>>)
      %dma_wait3A = arith.constant 0 : i32
      %dma_wait3A_147 = arith.constant 0 : i32
      %dma_wait3A_148 = tpu.memref_slice %arg16[%run_scoped3A_24, %dma_wait3A, %dma_wait3A_147] : memref<2x128x128xf32, #tpu.memory_space<vmem>> -> memref<1x128x128xf32, #tpu.memory_space<vmem>>
      %dma_wait3A_149 = tpu.memref_squeeze %dma_wait3A_148 : memref<1x128x128xf32, #tpu.memory_space<vmem>> -> memref<128x128xf32, #tpu.memory_space<vmem>>
      %dma_wait3A_150 = arith.constant 0 : i32
      %dma_wait3A_151 = tpu.memref_slice %arg12[%add3A_23, %dma_wait3A_150] : memref<10240x128xf32, #tpu.memory_space<vmem_shared>> -> memref<128x128xf32, #tpu.memory_space<vmem_shared>>
      %dma_wait3A_152 = arith.constant 0 : i32
      %dma_wait3A_153 = tpu.memref_slice %arg12[%add3A_23, %dma_wait3A_152] : memref<10240x128xf32, #tpu.memory_space<vmem_shared>> -> memref<128x128xf32, #tpu.memory_space<vmem_shared>>
      %dma_wait3A_154 = arith.constant 0 : i32
      %dma_wait3A_155 = arith.constant 0 : i32
      %dma_wait3A_156 = tpu.memref_slice %arg16[%run_scoped3A_24, %dma_wait3A_154, %dma_wait3A_155] : memref<2x128x128xf32, #tpu.memory_space<vmem>> -> memref<1x128x128xf32, #tpu.memory_space<vmem>>
      %dma_wait3A_157 = tpu.memref_squeeze %dma_wait3A_156 : memref<1x128x128xf32, #tpu.memory_space<vmem>> -> memref<128x128xf32, #tpu.memory_space<vmem>>
      tpu.wait_dma2 semaphore(%run_scoped3A_135 : memref<!tpu.dma_semaphore, #tpu.memory_space<semaphore_mem>>) src(%dma_wait3A_157 : memref<128x128xf32, #tpu.memory_space<vmem>>) dst(%dma_wait3A_153 : memref<128x128xf32, #tpu.memory_space<vmem_shared>>)
      tpu.yield
    }) : () -> ()
    %barrier3A = arith.constant 0 : index
    tpu.barrier barrier_id(%barrier3A)
    %add3A_25 = arith.constant 0 : i32
    %add3A_26 = arith.addi %mul3A_5, %add3A_25 : i32
    "tpu.region"() ({
      %run_scoped3A_135 = tpu.sem_alloc : memref<!tpu.dma_semaphore, #tpu.memory_space<semaphore_mem>>
      %dma_start3A = tpu.memref_slice %arg5[%add3A_26] : memref<327680xi32, #tpu.memory_space<hbm>> -> memref<5120xi32, #tpu.memory_space<hbm>>
      %dma_start3A_136 = tpu.memref_slice %arg5[%add3A_26] : memref<327680xi32, #tpu.memory_space<hbm>> -> memref<5120xi32, #tpu.memory_space<hbm>>
      tpu.enqueue_dma source(%dma_start3A_136 : memref<5120xi32, #tpu.memory_space<hbm>>) target(%arg13 : memref<5120xi32, #tpu.memory_space<vmem>>) target_semaphore(%run_scoped3A_135 : memref<!tpu.dma_semaphore, #tpu.memory_space<semaphore_mem>>)
      %dma_wait3A = tpu.memref_slice %arg5[%add3A_26] : memref<327680xi32, #tpu.memory_space<hbm>> -> memref<5120xi32, #tpu.memory_space<hbm>>
      %dma_wait3A_137 = tpu.memref_slice %arg5[%add3A_26] : memref<327680xi32, #tpu.memory_space<hbm>> -> memref<5120xi32, #tpu.memory_space<hbm>>
      tpu.wait_dma2 semaphore(%run_scoped3A_135 : memref<!tpu.dma_semaphore, #tpu.memory_space<semaphore_mem>>) src(%dma_wait3A_137 : memref<5120xi32, #tpu.memory_space<hbm>>) dst(%arg13 : memref<5120xi32, #tpu.memory_space<vmem>>)
      tpu.yield
    }) : () -> ()
    %scan3A_27 = arith.constant 0 : i32
    %scan3A_28 = arith.constant 0 : i32
    %scan3A_29 = arith.constant 40 : i32
    %scan3A_30 = arith.addi %scan3A_28, %scan3A_29 : i32
    %scan3A_31 = arith.constant 1 : i32
    scf.for %scan3A_135 = %scan3A_28 to %scan3A_30 step %scan3A_31  : i32 {
      %add3A_136 = arith.constant 0 : i32
      %add3A_137 = arith.addi %add3A_136, %scan3A_135 : i32
      %mul3A_138 = arith.constant 128 : i32
      %mul3A_139 = arith.muli %add3A_137, %mul3A_138 : i32
      %add3A_140 = arith.addi %mul3A_5, %mul3A_139 : i32
      "tpu.region"() ({
        %run_scoped3A_145 = tpu.sem_alloc : memref<!tpu.dma_semaphore, #tpu.memory_space<semaphore_mem>>
        %dma_start3A = tpu.memref_slice %arg6[%add3A_140] : memref<327680xi32, #tpu.memory_space<hbm>> -> memref<128xi32, #tpu.memory_space<hbm>>
        %dma_start3A_146 = tpu.memref_slice %arg6[%add3A_140] : memref<327680xi32, #tpu.memory_space<hbm>> -> memref<128xi32, #tpu.memory_space<hbm>>
        tpu.enqueue_dma source(%dma_start3A_146 : memref<128xi32, #tpu.memory_space<hbm>>) target(%arg14 : memref<128xi32, #tpu.memory_space<vmem>>) target_semaphore(%run_scoped3A_145 : memref<!tpu.dma_semaphore, #tpu.memory_space<semaphore_mem>>)
        %dma_wait3A = tpu.memref_slice %arg6[%add3A_140] : memref<327680xi32, #tpu.memory_space<hbm>> -> memref<128xi32, #tpu.memory_space<hbm>>
        %dma_wait3A_147 = tpu.memref_slice %arg6[%add3A_140] : memref<327680xi32, #tpu.memory_space<hbm>> -> memref<128xi32, #tpu.memory_space<hbm>>
        tpu.wait_dma2 semaphore(%run_scoped3A_145 : memref<!tpu.dma_semaphore, #tpu.memory_space<semaphore_mem>>) src(%dma_wait3A_147 : memref<128xi32, #tpu.memory_space<hbm>>) dst(%arg14 : memref<128xi32, #tpu.memory_space<vmem>>)
        tpu.yield
      }) : () -> ()
      %mul3A_141 = arith.constant 128 : i32
      %mul3A_142 = arith.muli %scan3A_135, %mul3A_141 : i32
      %run_scoped3A_143 = arith.constant 0 : i32
      "tpu.region"() ({
        %run_scoped3A_145 = tpu.sem_alloc : memref<!tpu.dma_semaphore, #tpu.memory_space<semaphore_mem>>
        %dma_start3A = arith.constant 0 : i32
        %dma_start3A_146 = arith.constant 0 : i32
        %dma_start3A_147 = tpu.memref_slice %arg16[%run_scoped3A_143, %dma_start3A, %dma_start3A_146] : memref<2x128x128xf32, #tpu.memory_space<vmem>> -> memref<1x128x128xf32, #tpu.memory_space<vmem>>
        %dma_start3A_148 = tpu.memref_squeeze %dma_start3A_147 : memref<1x128x128xf32, #tpu.memory_space<vmem>> -> memref<128x128xf32, #tpu.memory_space<vmem>>
        %dma_start3A_149 = tpu.memref_slice %arg13[%mul3A_142] : memref<5120xi32, #tpu.memory_space<vmem>> -> memref<128xi32, #tpu.memory_space<vmem>>
        %dma_start3A_150 = arith.constant 0 : i32
        %dma_start3A_151 = arith.constant 0 : i32
        %dma_start3A_152 = tpu.memref_slice %arg2[%dma_start3A_150, %dma_start3A_151] : memref<10000x128xf32, #tpu.memory_space<hbm>> -> memref<10000x128xf32, #tpu.memory_space<hbm>>
        tpu.enqueue_indirect_dma source(%dma_start3A_152 : memref<10000x128xf32, #tpu.memory_space<hbm>>) target(%dma_start3A_148 : memref<128x128xf32, #tpu.memory_space<vmem>>) offsets(%dma_start3A_149 : memref<128xi32, #tpu.memory_space<vmem>>) semaphore(%run_scoped3A_145 : memref<!tpu.dma_semaphore, #tpu.memory_space<semaphore_mem>>)
        %dma_wait3A = arith.constant 0 : i32
        %dma_wait3A_153 = arith.constant 0 : i32
        %dma_wait3A_154 = tpu.memref_slice %arg16[%run_scoped3A_143, %dma_wait3A, %dma_wait3A_153] : memref<2x128x128xf32, #tpu.memory_space<vmem>> -> memref<1x128x128xf32, #tpu.memory_space<vmem>>
        %dma_wait3A_155 = tpu.memref_squeeze %dma_wait3A_154 : memref<1x128x128xf32, #tpu.memory_space<vmem>> -> memref<128x128xf32, #tpu.memory_space<vmem>>
        %dma_wait3A_156 = tpu.memref_slice %arg13[%mul3A_142] : memref<5120xi32, #tpu.memory_space<vmem>> -> memref<128xi32, #tpu.memory_space<vmem>>
        %dma_wait3A_157 = arith.constant 0 : i32
        %dma_wait3A_158 = arith.constant 0 : i32
        %dma_wait3A_159 = tpu.memref_slice %arg2[%dma_wait3A_157, %dma_wait3A_158] : memref<10000x128xf32, #tpu.memory_space<hbm>> -> memref<10000x128xf32, #tpu.memory_space<hbm>>
        tpu.wait_indirect_dma semaphore(%run_scoped3A_145 : memref<!tpu.dma_semaphore, #tpu.memory_space<semaphore_mem>>) src(%dma_wait3A_159 : memref<10000x128xf32, #tpu.memory_space<hbm>>) dst(%dma_wait3A_155 : memref<128x128xf32, #tpu.memory_space<vmem>>)
        tpu.yield
      }) : () -> ()
      %run_scoped3A_144 = arith.constant 0 : i32
      "tpu.region"() ({
        %run_scoped3A_145 = tpu.sem_alloc : memref<!tpu.dma_semaphore, #tpu.memory_space<semaphore_mem>>
        %dma_start3A = arith.constant 0 : i32
        %dma_start3A_146 = arith.constant 0 : i32
        %dma_start3A_147 = tpu.memref_slice %arg16[%run_scoped3A_144, %dma_start3A, %dma_start3A_146] : memref<2x128x128xf32, #tpu.memory_space<vmem>> -> memref<1x128x128xf32, #tpu.memory_space<vmem>>
        %dma_start3A_148 = tpu.memref_squeeze %dma_start3A_147 : memref<1x128x128xf32, #tpu.memory_space<vmem>> -> memref<128x128xf32, #tpu.memory_space<vmem>>
        %dma_start3A_149 = arith.constant 0 : i32
        %dma_start3A_150 = arith.constant 0 : i32
        %dma_start3A_151 = tpu.memref_slice %arg12[%dma_start3A_149, %dma_start3A_150] : memref<10240x128xf32, #tpu.memory_space<vmem_shared>> -> memref<10240x128xf32, #tpu.memory_space<vmem_shared>>
        tpu.enqueue_indirect_dma source(%dma_start3A_148 : memref<128x128xf32, #tpu.memory_space<vmem>>) target(%dma_start3A_151 : memref<10240x128xf32, #tpu.memory_space<vmem_shared>>) offsets(%arg14 : memref<128xi32, #tpu.memory_space<vmem>>) semaphore(%run_scoped3A_145 : memref<!tpu.dma_semaphore, #tpu.memory_space<semaphore_mem>>) {add = true}
        %dma_wait3A = arith.constant 0 : i32
        %dma_wait3A_152 = arith.constant 0 : i32
        %dma_wait3A_153 = tpu.memref_slice %arg16[%run_scoped3A_144, %dma_wait3A, %dma_wait3A_152] : memref<2x128x128xf32, #tpu.memory_space<vmem>> -> memref<1x128x128xf32, #tpu.memory_space<vmem>>
        %dma_wait3A_154 = tpu.memref_squeeze %dma_wait3A_153 : memref<1x128x128xf32, #tpu.memory_space<vmem>> -> memref<128x128xf32, #tpu.memory_space<vmem>>
        %dma_wait3A_155 = arith.constant 0 : i32
        %dma_wait3A_156 = arith.constant 0 : i32
        %dma_wait3A_157 = tpu.memref_slice %arg12[%dma_wait3A_155, %dma_wait3A_156] : memref<10240x128xf32, #tpu.memory_space<vmem_shared>> -> memref<10240x128xf32, #tpu.memory_space<vmem_shared>>
        tpu.wait_indirect_dma semaphore(%run_scoped3A_145 : memref<!tpu.dma_semaphore, #tpu.memory_space<semaphore_mem>>) src(%dma_wait3A_154 : memref<128x128xf32, #tpu.memory_space<vmem>>) dst(%dma_wait3A_157 : memref<10240x128xf32, #tpu.memory_space<vmem_shared>>)
        tpu.yield
      }) : () -> ()
    }
    %scan3A_32 = arith.constant 40 : i32
    %add3A_33 = arith.constant 5120 : i32
    %add3A_34 = arith.addi %mul3A_5, %add3A_33 : i32
    "tpu.region"() ({
      %run_scoped3A_135 = tpu.sem_alloc : memref<!tpu.dma_semaphore, #tpu.memory_space<semaphore_mem>>
      %dma_start3A = tpu.memref_slice %arg5[%add3A_34] : memref<327680xi32, #tpu.memory_space<hbm>> -> memref<5120xi32, #tpu.memory_space<hbm>>
      %dma_start3A_136 = tpu.memref_slice %arg5[%add3A_34] : memref<327680xi32, #tpu.memory_space<hbm>> -> memref<5120xi32, #tpu.memory_space<hbm>>
      tpu.enqueue_dma source(%dma_start3A_136 : memref<5120xi32, #tpu.memory_space<hbm>>) target(%arg13 : memref<5120xi32, #tpu.memory_space<vmem>>) target_semaphore(%run_scoped3A_135 : memref<!tpu.dma_semaphore, #tpu.memory_space<semaphore_mem>>)
      %dma_wait3A = tpu.memref_slice %arg5[%add3A_34] : memref<327680xi32, #tpu.memory_space<hbm>> -> memref<5120xi32, #tpu.memory_space<hbm>>
      %dma_wait3A_137 = tpu.memref_slice %arg5[%add3A_34] : memref<327680xi32, #tpu.memory_space<hbm>> -> memref<5120xi32, #tpu.memory_space<hbm>>
      tpu.wait_dma2 semaphore(%run_scoped3A_135 : memref<!tpu.dma_semaphore, #tpu.memory_space<semaphore_mem>>) src(%dma_wait3A_137 : memref<5120xi32, #tpu.memory_space<hbm>>) dst(%arg13 : memref<5120xi32, #tpu.memory_space<vmem>>)
      tpu.yield
    }) : () -> ()
    %scan3A_35 = arith.constant 0 : i32
    %scan3A_36 = arith.constant 0 : i32
    %scan3A_37 = arith.constant 40 : i32
    %scan3A_38 = arith.addi %scan3A_36, %scan3A_37 : i32
    %scan3A_39 = arith.constant 1 : i32
    scf.for %scan3A_135 = %scan3A_36 to %scan3A_38 step %scan3A_39  : i32 {
      %add3A_136 = arith.constant 40 : i32
      %add3A_137 = arith.addi %add3A_136, %scan3A_135 : i32
      %mul3A_138 = arith.constant 128 : i32
      %mul3A_139 = arith.muli %add3A_137, %mul3A_138 : i32
      %add3A_140 = arith.addi %mul3A_5, %mul3A_139 : i32
      "tpu.region"() ({
        %run_scoped3A_145 = tpu.sem_alloc : memref<!tpu.dma_semaphore, #tpu.memory_space<semaphore_mem>>
        %dma_start3A = tpu.memref_slice %arg6[%add3A_140] : memref<327680xi32, #tpu.memory_space<hbm>> -> memref<128xi32, #tpu.memory_space<hbm>>
        %dma_start3A_146 = tpu.memref_slice %arg6[%add3A_140] : memref<327680xi32, #tpu.memory_space<hbm>> -> memref<128xi32, #tpu.memory_space<hbm>>
        tpu.enqueue_dma source(%dma_start3A_146 : memref<128xi32, #tpu.memory_space<hbm>>) target(%arg14 : memref<128xi32, #tpu.memory_space<vmem>>) target_semaphore(%run_scoped3A_145 : memref<!tpu.dma_semaphore, #tpu.memory_space<semaphore_mem>>)
        %dma_wait3A = tpu.memref_slice %arg6[%add3A_140] : memref<327680xi32, #tpu.memory_space<hbm>> -> memref<128xi32, #tpu.memory_space<hbm>>
        %dma_wait3A_147 = tpu.memref_slice %arg6[%add3A_140] : memref<327680xi32, #tpu.memory_space<hbm>> -> memref<128xi32, #tpu.memory_space<hbm>>
        tpu.wait_dma2 semaphore(%run_scoped3A_145 : memref<!tpu.dma_semaphore, #tpu.memory_space<semaphore_mem>>) src(%dma_wait3A_147 : memref<128xi32, #tpu.memory_space<hbm>>) dst(%arg14 : memref<128xi32, #tpu.memory_space<vmem>>)
        tpu.yield
      }) : () -> ()
      %mul3A_141 = arith.constant 128 : i32
      %mul3A_142 = arith.muli %scan3A_135, %mul3A_141 : i32
      %run_scoped3A_143 = arith.constant 0 : i32
      "tpu.region"() ({
        %run_scoped3A_145 = tpu.sem_alloc : memref<!tpu.dma_semaphore, #tpu.memory_space<semaphore_mem>>
        %dma_start3A = arith.constant 0 : i32
        %dma_start3A_146 = arith.constant 0 : i32
        %dma_start3A_147 = tpu.memref_slice %arg16[%run_scoped3A_143, %dma_start3A, %dma_start3A_146] : memref<2x128x128xf32, #tpu.memory_space<vmem>> -> memref<1x128x128xf32, #tpu.memory_space<vmem>>
        %dma_start3A_148 = tpu.memref_squeeze %dma_start3A_147 : memref<1x128x128xf32, #tpu.memory_space<vmem>> -> memref<128x128xf32, #tpu.memory_space<vmem>>
        %dma_start3A_149 = tpu.memref_slice %arg13[%mul3A_142] : memref<5120xi32, #tpu.memory_space<vmem>> -> memref<128xi32, #tpu.memory_space<vmem>>
        %dma_start3A_150 = arith.constant 0 : i32
        %dma_start3A_151 = arith.constant 0 : i32
        %dma_start3A_152 = tpu.memref_slice %arg2[%dma_start3A_150, %dma_start3A_151] : memref<10000x128xf32, #tpu.memory_space<hbm>> -> memref<10000x128xf32, #tpu.memory_space<hbm>>
        tpu.enqueue_indirect_dma source(%dma_start3A_152 : memref<10000x128xf32, #tpu.memory_space<hbm>>) target(%dma_start3A_148 : memref<128x128xf32, #tpu.memory_space<vmem>>) offsets(%dma_start3A_149 : memref<128xi32, #tpu.memory_space<vmem>>) semaphore(%run_scoped3A_145 : memref<!tpu.dma_semaphore, #tpu.memory_space<semaphore_mem>>)
        %dma_wait3A = arith.constant 0 : i32
        %dma_wait3A_153 = arith.constant 0 : i32
        %dma_wait3A_154 = tpu.memref_slice %arg16[%run_scoped3A_143, %dma_wait3A, %dma_wait3A_153] : memref<2x128x128xf32, #tpu.memory_space<vmem>> -> memref<1x128x128xf32, #tpu.memory_space<vmem>>
        %dma_wait3A_155 = tpu.memref_squeeze %dma_wait3A_154 : memref<1x128x128xf32, #tpu.memory_space<vmem>> -> memref<128x128xf32, #tpu.memory_space<vmem>>
        %dma_wait3A_156 = tpu.memref_slice %arg13[%mul3A_142] : memref<5120xi32, #tpu.memory_space<vmem>> -> memref<128xi32, #tpu.memory_space<vmem>>
        %dma_wait3A_157 = arith.constant 0 : i32
        %dma_wait3A_158 = arith.constant 0 : i32
        %dma_wait3A_159 = tpu.memref_slice %arg2[%dma_wait3A_157, %dma_wait3A_158] : memref<10000x128xf32, #tpu.memory_space<hbm>> -> memref<10000x128xf32, #tpu.memory_space<hbm>>
        tpu.wait_indirect_dma semaphore(%run_scoped3A_145 : memref<!tpu.dma_semaphore, #tpu.memory_space<semaphore_mem>>) src(%dma_wait3A_159 : memref<10000x128xf32, #tpu.memory_space<hbm>>) dst(%dma_wait3A_155 : memref<128x128xf32, #tpu.memory_space<vmem>>)
        tpu.yield
      }) : () -> ()
      %run_scoped3A_144 = arith.constant 0 : i32
      "tpu.region"() ({
        %run_scoped3A_145 = tpu.sem_alloc : memref<!tpu.dma_semaphore, #tpu.memory_space<semaphore_mem>>
        %dma_start3A = arith.constant 0 : i32
        %dma_start3A_146 = arith.constant 0 : i32
        %dma_start3A_147 = tpu.memref_slice %arg16[%run_scoped3A_144, %dma_start3A, %dma_start3A_146] : memref<2x128x128xf32, #tpu.memory_space<vmem>> -> memref<1x128x128xf32, #tpu.memory_space<vmem>>
        %dma_start3A_148 = tpu.memref_squeeze %dma_start3A_147 : memref<1x128x128xf32, #tpu.memory_space<vmem>> -> memref<128x128xf32, #tpu.memory_space<vmem>>
        %dma_start3A_149 = arith.constant 0 : i32
        %dma_start3A_150 = arith.constant 0 : i32
        %dma_start3A_151 = tpu.memref_slice %arg12[%dma_start3A_149, %dma_start3A_150] : memref<10240x128xf32, #tpu.memory_space<vmem_shared>> -> memref<10240x128xf32, #tpu.memory_space<vmem_shared>>
        tpu.enqueue_indirect_dma source(%dma_start3A_148 : memref<128x128xf32, #tpu.memory_space<vmem>>) target(%dma_start3A_151 : memref<10240x128xf32, #tpu.memory_space<vmem_shared>>) offsets(%arg14 : memref<128xi32, #tpu.memory_space<vmem>>) semaphore(%run_scoped3A_145 : memref<!tpu.dma_semaphore, #tpu.memory_space<semaphore_mem>>) {add = true}
        %dma_wait3A = arith.constant 0 : i32
        %dma_wait3A_152 = arith.constant 0 : i32
        %dma_wait3A_153 = tpu.memref_slice %arg16[%run_scoped3A_144, %dma_wait3A, %dma_wait3A_152] : memref<2x128x128xf32, #tpu.memory_space<vmem>> -> memref<1x128x128xf32, #tpu.memory_space<vmem>>
        %dma_wait3A_154 = tpu.memref_squeeze %dma_wait3A_153 : memref<1x128x128xf32, #tpu.memory_space<vmem>> -> memref<128x128xf32, #tpu.memory_space<vmem>>
        %dma_wait3A_155 = arith.constant 0 : i32
        %dma_wait3A_156 = arith.constant 0 : i32
        %dma_wait3A_157 = tpu.memref_slice %arg12[%dma_wait3A_155, %dma_wait3A_156] : memref<10240x128xf32, #tpu.memory_space<vmem_shared>> -> memref<10240x128xf32, #tpu.memory_space<vmem_shared>>
        tpu.wait_indirect_dma semaphore(%run_scoped3A_145 : memref<!tpu.dma_semaphore, #tpu.memory_space<semaphore_mem>>) src(%dma_wait3A_154 : memref<128x128xf32, #tpu.memory_space<vmem>>) dst(%dma_wait3A_157 : memref<10240x128xf32, #tpu.memory_space<vmem_shared>>)
        tpu.yield
      }) : () -> ()
    }
    %scan3A_40 = arith.constant 40 : i32
    %barrier3A_41 = arith.constant 0 : index
    tpu.barrier barrier_id(%barrier3A_41)
    %add3A_42 = arith.constant 0 : i32
    %add3A_43 = arith.addi %add3A_42, %arg0 : i32
    %mul3A_44 = arith.constant 10240 : i32
    %mul3A_45 = arith.muli %add3A_43, %mul3A_44 : i32
    %add3A_46 = arith.addi %mul3A_45, %mul3A_1 : i32
    "tpu.region"() ({
      %run_scoped3A_135 = tpu.sem_alloc : memref<!tpu.dma_semaphore, #tpu.memory_space<semaphore_mem>>
      %dma_start3A = arith.constant 0 : i32
      %dma_start3A_136 = tpu.memref_slice %arg11[%add3A_46, %dma_start3A] : memref<61440x128xf32, #tpu.memory_space<hbm>> -> memref<640x128xf32, #tpu.memory_space<hbm>>
      %dma_start3A_137 = arith.constant 0 : i32
      %dma_start3A_138 = tpu.memref_slice %arg12[%mul3A_1, %dma_start3A_137] : memref<10240x128xf32, #tpu.memory_space<vmem_shared>> -> memref<640x128xf32, #tpu.memory_space<vmem_shared>>
      tpu.enqueue_dma source(%dma_start3A_138 : memref<640x128xf32, #tpu.memory_space<vmem_shared>>) target(%dma_start3A_136 : memref<640x128xf32, #tpu.memory_space<hbm>>) target_semaphore(%run_scoped3A_135 : memref<!tpu.dma_semaphore, #tpu.memory_space<semaphore_mem>>)
      %dma_wait3A = arith.constant 0 : i32
      %dma_wait3A_139 = tpu.memref_slice %arg11[%add3A_46, %dma_wait3A] : memref<61440x128xf32, #tpu.memory_space<hbm>> -> memref<640x128xf32, #tpu.memory_space<hbm>>
      %dma_wait3A_140 = arith.constant 0 : i32
      %dma_wait3A_141 = tpu.memref_slice %arg12[%mul3A_1, %dma_wait3A_140] : memref<10240x128xf32, #tpu.memory_space<vmem_shared>> -> memref<640x128xf32, #tpu.memory_space<vmem_shared>>
      tpu.wait_dma2 semaphore(%run_scoped3A_135 : memref<!tpu.dma_semaphore, #tpu.memory_space<semaphore_mem>>) src(%dma_wait3A_141 : memref<640x128xf32, #tpu.memory_space<vmem_shared>>) dst(%dma_wait3A_139 : memref<640x128xf32, #tpu.memory_space<hbm>>)
      tpu.yield
    }) : () -> ()
    %scan3A_47 = arith.constant 0 : i32
    %scan3A_48 = arith.constant 0 : i32
    %scan3A_49 = arith.constant 1024 : i32
    %scan3A_50 = arith.addi %scan3A_48, %scan3A_49 : i32
    %scan3A_51 = arith.constant 1 : i32
    scf.for %scan3A_135 = %scan3A_48 to %scan3A_50 step %scan3A_51  : i32 {
      %jit3A = arith.constant 8 : i32
      %div3A = arith.divsi %scan3A_135, %jit3A : i32
      %sign3A = arith.constant 0 : i32
      %sign3A_136 = arith.cmpi sgt, %scan3A_135, %sign3A : i32
      %sign3A_137 = arith.extui %sign3A_136 : i1 to i32
      %sign3A_138 = arith.constant 0 : i32
      %sign3A_139 = arith.cmpi slt, %scan3A_135, %sign3A_138 : i32
      %sign3A_140 = arith.extui %sign3A_139 : i1 to i32
      %sign3A_141 = arith.subi %sign3A_137, %sign3A_140 : i32
      %sign3A_142 = arith.constant 0 : i32
      %sign3A_143 = arith.cmpi sgt, %jit3A, %sign3A_142 : i32
      %sign3A_144 = arith.extui %sign3A_143 : i1 to i32
      %sign3A_145 = arith.constant 0 : i32
      %sign3A_146 = arith.cmpi slt, %jit3A, %sign3A_145 : i32
      %sign3A_147 = arith.extui %sign3A_146 : i1 to i32
      %sign3A_148 = arith.subi %sign3A_144, %sign3A_147 : i32
      %ne3A = arith.cmpi ne, %sign3A_141, %sign3A_148 : i32
      %rem3A = arith.remsi %scan3A_135, %jit3A : i32
      %ne3A_149 = arith.constant 0 : i32
      %ne3A_150 = arith.cmpi ne, %rem3A, %ne3A_149 : i32
      %and3A = arith.andi %ne3A, %ne3A_150 : i1
      %sub3A = arith.constant 1 : i32
      %sub3A_151 = arith.subi %div3A, %sub3A : i32
      %select_n3A = arith.select %and3A, %sub3A_151, %div3A : i32
      %jit3A_152 = arith.constant 8 : i32
      %eq3A = arith.constant 0 : i32
      %eq3A_153 = arith.cmpi eq, %jit3A_152, %eq3A : i32
      %jit3A_154 = arith.constant 1 : i32
      %select_n3A_155 = arith.select %eq3A_153, %jit3A_154, %jit3A_152 : i32
      %rem3A_156 = arith.remsi %scan3A_135, %select_n3A_155 : i32
      %ne3A_157 = arith.constant 0 : i32
      %ne3A_158 = arith.cmpi ne, %rem3A_156, %ne3A_157 : i32
      %lt3A = arith.constant 0 : i32
      %lt3A_159 = arith.cmpi slt, %rem3A_156, %lt3A : i32
      %lt3A_160 = arith.constant 0 : i32
      %lt3A_161 = arith.cmpi slt, %select_n3A_155, %lt3A_160 : i32
      %ne3A_162 = arith.xori %lt3A_159, %lt3A_161 : i1
      %and3A_163 = arith.andi %ne3A_162, %ne3A_158 : i1
      %add3A_164 = arith.addi %rem3A_156, %select_n3A_155 : i32
      %select_n3A_165 = arith.select %and3A_163, %add3A_164, %rem3A_156 : i32
      %mul3A_166 = arith.constant 16 : i32
      %mul3A_167 = arith.muli %select_n3A_165, %mul3A_166 : i32
      %swap3A = arith.constant 0 : i32
      %swap3A_168 = arith.index_cast %swap3A : i32 to index
      %swap3A_169 = arith.index_cast %select_n3A : i32 to index
      %swap3A_170 = arith.index_cast %mul3A_167 : i32 to index
      %swap3A_171 = tpu.vector_load %arg16[%swap3A_168, %swap3A_169, %swap3A_170] {strides = array<i32>} : memref<2x128x128xf32, #tpu.memory_space<vmem>>, vector<1x1x16xf32>,
      %swap3A_172 = vector.shape_cast %swap3A_171 : vector<1x1x16xf32> to vector<16xf32>
      %swap3A_173 = vector.shape_cast %broadcast_in_dim3A_0 : vector<16xf32> to vector<1x1x16xf32>
      tpu.vector_store %arg16[%swap3A_168, %swap3A_169, %swap3A_170], %swap3A_173 {strides = array<i32>} : memref<2x128x128xf32, #tpu.memory_space<vmem>>, vector<1x1x16xf32>,
    }
    %scan3A_52 = arith.constant 1024 : i32
    %add3A_53 = arith.constant 0 : i32
    %add3A_54 = arith.addi %mul3A_1, %add3A_53 : i32
    %run_scoped3A_55 = arith.constant 0 : i32
    "tpu.region"() ({
      %run_scoped3A_135 = tpu.sem_alloc : memref<!tpu.dma_semaphore, #tpu.memory_space<semaphore_mem>>
      %dma_start3A = arith.constant 0 : i32
      %dma_start3A_136 = arith.constant 0 : i32
      %dma_start3A_137 = tpu.memref_slice %arg16[%run_scoped3A_55, %dma_start3A, %dma_start3A_136] : memref<2x128x128xf32, #tpu.memory_space<vmem>> -> memref<1x128x128xf32, #tpu.memory_space<vmem>>
      %dma_start3A_138 = tpu.memref_squeeze %dma_start3A_137 : memref<1x128x128xf32, #tpu.memory_space<vmem>> -> memref<128x128xf32, #tpu.memory_space<vmem>>
      %dma_start3A_139 = arith.constant 0 : i32
      %dma_start3A_140 = tpu.memref_slice %arg12[%add3A_54, %dma_start3A_139] : memref<10240x128xf32, #tpu.memory_space<vmem_shared>> -> memref<128x128xf32, #tpu.memory_space<vmem_shared>>
      %dma_start3A_141 = arith.constant 0 : i32
      %dma_start3A_142 = tpu.memref_slice %arg12[%add3A_54, %dma_start3A_141] : memref<10240x128xf32, #tpu.memory_space<vmem_shared>> -> memref<128x128xf32, #tpu.memory_space<vmem_shared>>
      %dma_start3A_143 = arith.constant 0 : i32
      %dma_start3A_144 = arith.constant 0 : i32
      %dma_start3A_145 = tpu.memref_slice %arg16[%run_scoped3A_55, %dma_start3A_143, %dma_start3A_144] : memref<2x128x128xf32, #tpu.memory_space<vmem>> -> memref<1x128x128xf32, #tpu.memory_space<vmem>>
      %dma_start3A_146 = tpu.memref_squeeze %dma_start3A_145 : memref<1x128x128xf32, #tpu.memory_space<vmem>> -> memref<128x128xf32, #tpu.memory_space<vmem>>
      tpu.enqueue_dma source(%dma_start3A_146 : memref<128x128xf32, #tpu.memory_space<vmem>>) target(%dma_start3A_142 : memref<128x128xf32, #tpu.memory_space<vmem_shared>>) target_semaphore(%run_scoped3A_135 : memref<!tpu.dma_semaphore, #tpu.memory_space<semaphore_mem>>)
      %dma_wait3A = arith.constant 0 : i32
      %dma_wait3A_147 = arith.constant 0 : i32
      %dma_wait3A_148 = tpu.memref_slice %arg16[%run_scoped3A_55, %dma_wait3A, %dma_wait3A_147] : memref<2x128x128xf32, #tpu.memory_space<vmem>> -> memref<1x128x128xf32, #tpu.memory_space<vmem>>
      %dma_wait3A_149 = tpu.memref_squeeze %dma_wait3A_148 : memref<1x128x128xf32, #tpu.memory_space<vmem>> -> memref<128x128xf32, #tpu.memory_space<vmem>>
      %dma_wait3A_150 = arith.constant 0 : i32
      %dma_wait3A_151 = tpu.memref_slice %arg12[%add3A_54, %dma_wait3A_150] : memref<10240x128xf32, #tpu.memory_space<vmem_shared>> -> memref<128x128xf32, #tpu.memory_space<vmem_shared>>
      %dma_wait3A_152 = arith.constant 0 : i32
      %dma_wait3A_153 = tpu.memref_slice %arg12[%add3A_54, %dma_wait3A_152] : memref<10240x128xf32, #tpu.memory_space<vmem_shared>> -> memref<128x128xf32, #tpu.memory_space<vmem_shared>>
      %dma_wait3A_154 = arith.constant 0 : i32
      %dma_wait3A_155 = arith.constant 0 : i32
      %dma_wait3A_156 = tpu.memref_slice %arg16[%run_scoped3A_55, %dma_wait3A_154, %dma_wait3A_155] : memref<2x128x128xf32, #tpu.memory_space<vmem>> -> memref<1x128x128xf32, #tpu.memory_space<vmem>>
      %dma_wait3A_157 = tpu.memref_squeeze %dma_wait3A_156 : memref<1x128x128xf32, #tpu.memory_space<vmem>> -> memref<128x128xf32, #tpu.memory_space<vmem>>
      tpu.wait_dma2 semaphore(%run_scoped3A_135 : memref<!tpu.dma_semaphore, #tpu.memory_space<semaphore_mem>>) src(%dma_wait3A_157 : memref<128x128xf32, #tpu.memory_space<vmem>>) dst(%dma_wait3A_153 : memref<128x128xf32, #tpu.memory_space<vmem_shared>>)
      tpu.yield
    }) : () -> ()
    %add3A_56 = arith.constant 128 : i32
    %add3A_57 = arith.addi %mul3A_1, %add3A_56 : i32
    %run_scoped3A_58 = arith.constant 0 : i32
    "tpu.region"() ({
      %run_scoped3A_135 = tpu.sem_alloc : memref<!tpu.dma_semaphore, #tpu.memory_space<semaphore_mem>>
      %dma_start3A = arith.constant 0 : i32
      %dma_start3A_136 = arith.constant 0 : i32
      %dma_start3A_137 = tpu.memref_slice %arg16[%run_scoped3A_58, %dma_start3A, %dma_start3A_136] : memref<2x128x128xf32, #tpu.memory_space<vmem>> -> memref<1x128x128xf32, #tpu.memory_space<vmem>>
      %dma_start3A_138 = tpu.memref_squeeze %dma_start3A_137 : memref<1x128x128xf32, #tpu.memory_space<vmem>> -> memref<128x128xf32, #tpu.memory_space<vmem>>
      %dma_start3A_139 = arith.constant 0 : i32
      %dma_start3A_140 = tpu.memref_slice %arg12[%add3A_57, %dma_start3A_139] : memref<10240x128xf32, #tpu.memory_space<vmem_shared>> -> memref<128x128xf32, #tpu.memory_space<vmem_shared>>
      %dma_start3A_141 = arith.constant 0 : i32
      %dma_start3A_142 = tpu.memref_slice %arg12[%add3A_57, %dma_start3A_141] : memref<10240x128xf32, #tpu.memory_space<vmem_shared>> -> memref<128x128xf32, #tpu.memory_space<vmem_shared>>
      %dma_start3A_143 = arith.constant 0 : i32
      %dma_start3A_144 = arith.constant 0 : i32
      %dma_start3A_145 = tpu.memref_slice %arg16[%run_scoped3A_58, %dma_start3A_143, %dma_start3A_144] : memref<2x128x128xf32, #tpu.memory_space<vmem>> -> memref<1x128x128xf32, #tpu.memory_space<vmem>>
      %dma_start3A_146 = tpu.memref_squeeze %dma_start3A_145 : memref<1x128x128xf32, #tpu.memory_space<vmem>> -> memref<128x128xf32, #tpu.memory_space<vmem>>
      tpu.enqueue_dma source(%dma_start3A_146 : memref<128x128xf32, #tpu.memory_space<vmem>>) target(%dma_start3A_142 : memref<128x128xf32, #tpu.memory_space<vmem_shared>>) target_semaphore(%run_scoped3A_135 : memref<!tpu.dma_semaphore, #tpu.memory_space<semaphore_mem>>)
      %dma_wait3A = arith.constant 0 : i32
      %dma_wait3A_147 = arith.constant 0 : i32
      %dma_wait3A_148 = tpu.memref_slice %arg16[%run_scoped3A_58, %dma_wait3A, %dma_wait3A_147] : memref<2x128x128xf32, #tpu.memory_space<vmem>> -> memref<1x128x128xf32, #tpu.memory_space<vmem>>
      %dma_wait3A_149 = tpu.memref_squeeze %dma_wait3A_148 : memref<1x128x128xf32, #tpu.memory_space<vmem>> -> memref<128x128xf32, #tpu.memory_space<vmem>>
      %dma_wait3A_150 = arith.constant 0 : i32
      %dma_wait3A_151 = tpu.memref_slice %arg12[%add3A_57, %dma_wait3A_150] : memref<10240x128xf32, #tpu.memory_space<vmem_shared>> -> memref<128x128xf32, #tpu.memory_space<vmem_shared>>
      %dma_wait3A_152 = arith.constant 0 : i32
      %dma_wait3A_153 = tpu.memref_slice %arg12[%add3A_57, %dma_wait3A_152] : memref<10240x128xf32, #tpu.memory_space<vmem_shared>> -> memref<128x128xf32, #tpu.memory_space<vmem_shared>>
      %dma_wait3A_154 = arith.constant 0 : i32
      %dma_wait3A_155 = arith.constant 0 : i32
      %dma_wait3A_156 = tpu.memref_slice %arg16[%run_scoped3A_58, %dma_wait3A_154, %dma_wait3A_155] : memref<2x128x128xf32, #tpu.memory_space<vmem>> -> memref<1x128x128xf32, #tpu.memory_space<vmem>>
      %dma_wait3A_157 = tpu.memref_squeeze %dma_wait3A_156 : memref<1x128x128xf32, #tpu.memory_space<vmem>> -> memref<128x128xf32, #tpu.memory_space<vmem>>
      tpu.wait_dma2 semaphore(%run_scoped3A_135 : memref<!tpu.dma_semaphore, #tpu.memory_space<semaphore_mem>>) src(%dma_wait3A_157 : memref<128x128xf32, #tpu.memory_space<vmem>>) dst(%dma_wait3A_153 : memref<128x128xf32, #tpu.memory_space<vmem_shared>>)
      tpu.yield
    }) : () -> ()
    %add3A_59 = arith.constant 256 : i32
    %add3A_60 = arith.addi %mul3A_1, %add3A_59 : i32
    %run_scoped3A_61 = arith.constant 0 : i32
    "tpu.region"() ({
      %run_scoped3A_135 = tpu.sem_alloc : memref<!tpu.dma_semaphore, #tpu.memory_space<semaphore_mem>>
      %dma_start3A = arith.constant 0 : i32
      %dma_start3A_136 = arith.constant 0 : i32
      %dma_start3A_137 = tpu.memref_slice %arg16[%run_scoped3A_61, %dma_start3A, %dma_start3A_136] : memref<2x128x128xf32, #tpu.memory_space<vmem>> -> memref<1x128x128xf32, #tpu.memory_space<vmem>>
      %dma_start3A_138 = tpu.memref_squeeze %dma_start3A_137 : memref<1x128x128xf32, #tpu.memory_space<vmem>> -> memref<128x128xf32, #tpu.memory_space<vmem>>
      %dma_start3A_139 = arith.constant 0 : i32
      %dma_start3A_140 = tpu.memref_slice %arg12[%add3A_60, %dma_start3A_139] : memref<10240x128xf32, #tpu.memory_space<vmem_shared>> -> memref<128x128xf32, #tpu.memory_space<vmem_shared>>
      %dma_start3A_141 = arith.constant 0 : i32
      %dma_start3A_142 = tpu.memref_slice %arg12[%add3A_60, %dma_start3A_141] : memref<10240x128xf32, #tpu.memory_space<vmem_shared>> -> memref<128x128xf32, #tpu.memory_space<vmem_shared>>
      %dma_start3A_143 = arith.constant 0 : i32
      %dma_start3A_144 = arith.constant 0 : i32
      %dma_start3A_145 = tpu.memref_slice %arg16[%run_scoped3A_61, %dma_start3A_143, %dma_start3A_144] : memref<2x128x128xf32, #tpu.memory_space<vmem>> -> memref<1x128x128xf32, #tpu.memory_space<vmem>>
      %dma_start3A_146 = tpu.memref_squeeze %dma_start3A_145 : memref<1x128x128xf32, #tpu.memory_space<vmem>> -> memref<128x128xf32, #tpu.memory_space<vmem>>
      tpu.enqueue_dma source(%dma_start3A_146 : memref<128x128xf32, #tpu.memory_space<vmem>>) target(%dma_start3A_142 : memref<128x128xf32, #tpu.memory_space<vmem_shared>>) target_semaphore(%run_scoped3A_135 : memref<!tpu.dma_semaphore, #tpu.memory_space<semaphore_mem>>)
      %dma_wait3A = arith.constant 0 : i32
      %dma_wait3A_147 = arith.constant 0 : i32
      %dma_wait3A_148 = tpu.memref_slice %arg16[%run_scoped3A_61, %dma_wait3A, %dma_wait3A_147] : memref<2x128x128xf32, #tpu.memory_space<vmem>> -> memref<1x128x128xf32, #tpu.memory_space<vmem>>
      %dma_wait3A_149 = tpu.memref_squeeze %dma_wait3A_148 : memref<1x128x128xf32, #tpu.memory_space<vmem>> -> memref<128x128xf32, #tpu.memory_space<vmem>>
      %dma_wait3A_150 = arith.constant 0 : i32
      %dma_wait3A_151 = tpu.memref_slice %arg12[%add3A_60, %dma_wait3A_150] : memref<10240x128xf32, #tpu.memory_space<vmem_shared>> -> memref<128x128xf32, #tpu.memory_space<vmem_shared>>
      %dma_wait3A_152 = arith.constant 0 : i32
      %dma_wait3A_153 = tpu.memref_slice %arg12[%add3A_60, %dma_wait3A_152] : memref<10240x128xf32, #tpu.memory_space<vmem_shared>> -> memref<128x128xf32, #tpu.memory_space<vmem_shared>>
      %dma_wait3A_154 = arith.constant 0 : i32
      %dma_wait3A_155 = arith.constant 0 : i32
      %dma_wait3A_156 = tpu.memref_slice %arg16[%run_scoped3A_61, %dma_wait3A_154, %dma_wait3A_155] : memref<2x128x128xf32, #tpu.memory_space<vmem>> -> memref<1x128x128xf32, #tpu.memory_space<vmem>>
      %dma_wait3A_157 = tpu.memref_squeeze %dma_wait3A_156 : memref<1x128x128xf32, #tpu.memory_space<vmem>> -> memref<128x128xf32, #tpu.memory_space<vmem>>
      tpu.wait_dma2 semaphore(%run_scoped3A_135 : memref<!tpu.dma_semaphore, #tpu.memory_space<semaphore_mem>>) src(%dma_wait3A_157 : memref<128x128xf32, #tpu.memory_space<vmem>>) dst(%dma_wait3A_153 : memref<128x128xf32, #tpu.memory_space<vmem_shared>>)
      tpu.yield
    }) : () -> ()
    %add3A_62 = arith.constant 384 : i32
    %add3A_63 = arith.addi %mul3A_1, %add3A_62 : i32
    %run_scoped3A_64 = arith.constant 0 : i32
    "tpu.region"() ({
      %run_scoped3A_135 = tpu.sem_alloc : memref<!tpu.dma_semaphore, #tpu.memory_space<semaphore_mem>>
      %dma_start3A = arith.constant 0 : i32
      %dma_start3A_136 = arith.constant 0 : i32
      %dma_start3A_137 = tpu.memref_slice %arg16[%run_scoped3A_64, %dma_start3A, %dma_start3A_136] : memref<2x128x128xf32, #tpu.memory_space<vmem>> -> memref<1x128x128xf32, #tpu.memory_space<vmem>>
      %dma_start3A_138 = tpu.memref_squeeze %dma_start3A_137 : memref<1x128x128xf32, #tpu.memory_space<vmem>> -> memref<128x128xf32, #tpu.memory_space<vmem>>
      %dma_start3A_139 = arith.constant 0 : i32
      %dma_start3A_140 = tpu.memref_slice %arg12[%add3A_63, %dma_start3A_139] : memref<10240x128xf32, #tpu.memory_space<vmem_shared>> -> memref<128x128xf32, #tpu.memory_space<vmem_shared>>
      %dma_start3A_141 = arith.constant 0 : i32
      %dma_start3A_142 = tpu.memref_slice %arg12[%add3A_63, %dma_start3A_141] : memref<10240x128xf32, #tpu.memory_space<vmem_shared>> -> memref<128x128xf32, #tpu.memory_space<vmem_shared>>
      %dma_start3A_143 = arith.constant 0 : i32
      %dma_start3A_144 = arith.constant 0 : i32
      %dma_start3A_145 = tpu.memref_slice %arg16[%run_scoped3A_64, %dma_start3A_143, %dma_start3A_144] : memref<2x128x128xf32, #tpu.memory_space<vmem>> -> memref<1x128x128xf32, #tpu.memory_space<vmem>>
      %dma_start3A_146 = tpu.memref_squeeze %dma_start3A_145 : memref<1x128x128xf32, #tpu.memory_space<vmem>> -> memref<128x128xf32, #tpu.memory_space<vmem>>
      tpu.enqueue_dma source(%dma_start3A_146 : memref<128x128xf32, #tpu.memory_space<vmem>>) target(%dma_start3A_142 : memref<128x128xf32, #tpu.memory_space<vmem_shared>>) target_semaphore(%run_scoped3A_135 : memref<!tpu.dma_semaphore, #tpu.memory_space<semaphore_mem>>)
      %dma_wait3A = arith.constant 0 : i32
      %dma_wait3A_147 = arith.constant 0 : i32
      %dma_wait3A_148 = tpu.memref_slice %arg16[%run_scoped3A_64, %dma_wait3A, %dma_wait3A_147] : memref<2x128x128xf32, #tpu.memory_space<vmem>> -> memref<1x128x128xf32, #tpu.memory_space<vmem>>
      %dma_wait3A_149 = tpu.memref_squeeze %dma_wait3A_148 : memref<1x128x128xf32, #tpu.memory_space<vmem>> -> memref<128x128xf32, #tpu.memory_space<vmem>>
      %dma_wait3A_150 = arith.constant 0 : i32
      %dma_wait3A_151 = tpu.memref_slice %arg12[%add3A_63, %dma_wait3A_150] : memref<10240x128xf32, #tpu.memory_space<vmem_shared>> -> memref<128x128xf32, #tpu.memory_space<vmem_shared>>
      %dma_wait3A_152 = arith.constant 0 : i32
      %dma_wait3A_153 = tpu.memref_slice %arg12[%add3A_63, %dma_wait3A_152] : memref<10240x128xf32, #tpu.memory_space<vmem_shared>> -> memref<128x128xf32, #tpu.memory_space<vmem_shared>>
      %dma_wait3A_154 = arith.constant 0 : i32
      %dma_wait3A_155 = arith.constant 0 : i32
      %dma_wait3A_156 = tpu.memref_slice %arg16[%run_scoped3A_64, %dma_wait3A_154, %dma_wait3A_155] : memref<2x128x128xf32, #tpu.memory_space<vmem>> -> memref<1x128x128xf32, #tpu.memory_space<vmem>>
      %dma_wait3A_157 = tpu.memref_squeeze %dma_wait3A_156 : memref<1x128x128xf32, #tpu.memory_space<vmem>> -> memref<128x128xf32, #tpu.memory_space<vmem>>
      tpu.wait_dma2 semaphore(%run_scoped3A_135 : memref<!tpu.dma_semaphore, #tpu.memory_space<semaphore_mem>>) src(%dma_wait3A_157 : memref<128x128xf32, #tpu.memory_space<vmem>>) dst(%dma_wait3A_153 : memref<128x128xf32, #tpu.memory_space<vmem_shared>>)
      tpu.yield
    }) : () -> ()
    %add3A_65 = arith.constant 512 : i32
    %add3A_66 = arith.addi %mul3A_1, %add3A_65 : i32
    %run_scoped3A_67 = arith.constant 0 : i32
    "tpu.region"() ({
      %run_scoped3A_135 = tpu.sem_alloc : memref<!tpu.dma_semaphore, #tpu.memory_space<semaphore_mem>>
      %dma_start3A = arith.constant 0 : i32
      %dma_start3A_136 = arith.constant 0 : i32
      %dma_start3A_137 = tpu.memref_slice %arg16[%run_scoped3A_67, %dma_start3A, %dma_start3A_136] : memref<2x128x128xf32, #tpu.memory_space<vmem>> -> memref<1x128x128xf32, #tpu.memory_space<vmem>>
      %dma_start3A_138 = tpu.memref_squeeze %dma_start3A_137 : memref<1x128x128xf32, #tpu.memory_space<vmem>> -> memref<128x128xf32, #tpu.memory_space<vmem>>
      %dma_start3A_139 = arith.constant 0 : i32
      %dma_start3A_140 = tpu.memref_slice %arg12[%add3A_66, %dma_start3A_139] : memref<10240x128xf32, #tpu.memory_space<vmem_shared>> -> memref<128x128xf32, #tpu.memory_space<vmem_shared>>
      %dma_start3A_141 = arith.constant 0 : i32
      %dma_start3A_142 = tpu.memref_slice %arg12[%add3A_66, %dma_start3A_141] : memref<10240x128xf32, #tpu.memory_space<vmem_shared>> -> memref<128x128xf32, #tpu.memory_space<vmem_shared>>
      %dma_start3A_143 = arith.constant 0 : i32
      %dma_start3A_144 = arith.constant 0 : i32
      %dma_start3A_145 = tpu.memref_slice %arg16[%run_scoped3A_67, %dma_start3A_143, %dma_start3A_144] : memref<2x128x128xf32, #tpu.memory_space<vmem>> -> memref<1x128x128xf32, #tpu.memory_space<vmem>>
      %dma_start3A_146 = tpu.memref_squeeze %dma_start3A_145 : memref<1x128x128xf32, #tpu.memory_space<vmem>> -> memref<128x128xf32, #tpu.memory_space<vmem>>
      tpu.enqueue_dma source(%dma_start3A_146 : memref<128x128xf32, #tpu.memory_space<vmem>>) target(%dma_start3A_142 : memref<128x128xf32, #tpu.memory_space<vmem_shared>>) target_semaphore(%run_scoped3A_135 : memref<!tpu.dma_semaphore, #tpu.memory_space<semaphore_mem>>)
      %dma_wait3A = arith.constant 0 : i32
      %dma_wait3A_147 = arith.constant 0 : i32
      %dma_wait3A_148 = tpu.memref_slice %arg16[%run_scoped3A_67, %dma_wait3A, %dma_wait3A_147] : memref<2x128x128xf32, #tpu.memory_space<vmem>> -> memref<1x128x128xf32, #tpu.memory_space<vmem>>
      %dma_wait3A_149 = tpu.memref_squeeze %dma_wait3A_148 : memref<1x128x128xf32, #tpu.memory_space<vmem>> -> memref<128x128xf32, #tpu.memory_space<vmem>>
      %dma_wait3A_150 = arith.constant 0 : i32
      %dma_wait3A_151 = tpu.memref_slice %arg12[%add3A_66, %dma_wait3A_150] : memref<10240x128xf32, #tpu.memory_space<vmem_shared>> -> memref<128x128xf32, #tpu.memory_space<vmem_shared>>
      %dma_wait3A_152 = arith.constant 0 : i32
      %dma_wait3A_153 = tpu.memref_slice %arg12[%add3A_66, %dma_wait3A_152] : memref<10240x128xf32, #tpu.memory_space<vmem_shared>> -> memref<128x128xf32, #tpu.memory_space<vmem_shared>>
      %dma_wait3A_154 = arith.constant 0 : i32
      %dma_wait3A_155 = arith.constant 0 : i32
      %dma_wait3A_156 = tpu.memref_slice %arg16[%run_scoped3A_67, %dma_wait3A_154, %dma_wait3A_155] : memref<2x128x128xf32, #tpu.memory_space<vmem>> -> memref<1x128x128xf32, #tpu.memory_space<vmem>>
      %dma_wait3A_157 = tpu.memref_squeeze %dma_wait3A_156 : memref<1x128x128xf32, #tpu.memory_space<vmem>> -> memref<128x128xf32, #tpu.memory_space<vmem>>
      tpu.wait_dma2 semaphore(%run_scoped3A_135 : memref<!tpu.dma_semaphore, #tpu.memory_space<semaphore_mem>>) src(%dma_wait3A_157 : memref<128x128xf32, #tpu.memory_space<vmem>>) dst(%dma_wait3A_153 : memref<128x128xf32, #tpu.memory_space<vmem_shared>>)
      tpu.yield
    }) : () -> ()
    %barrier3A_68 = arith.constant 0 : index
    tpu.barrier barrier_id(%barrier3A_68)
    %add3A_69 = arith.constant 0 : i32
    %add3A_70 = arith.addi %mul3A_5, %add3A_69 : i32
    "tpu.region"() ({
      %run_scoped3A_135 = tpu.sem_alloc : memref<!tpu.dma_semaphore, #tpu.memory_space<semaphore_mem>>
      %dma_start3A = tpu.memref_slice %arg7[%add3A_70] : memref<327680xi32, #tpu.memory_space<hbm>> -> memref<5120xi32, #tpu.memory_space<hbm>>
      %dma_start3A_136 = tpu.memref_slice %arg7[%add3A_70] : memref<327680xi32, #tpu.memory_space<hbm>> -> memref<5120xi32, #tpu.memory_space<hbm>>
      tpu.enqueue_dma source(%dma_start3A_136 : memref<5120xi32, #tpu.memory_space<hbm>>) target(%arg13 : memref<5120xi32, #tpu.memory_space<vmem>>) target_semaphore(%run_scoped3A_135 : memref<!tpu.dma_semaphore, #tpu.memory_space<semaphore_mem>>)
      %dma_wait3A = tpu.memref_slice %arg7[%add3A_70] : memref<327680xi32, #tpu.memory_space<hbm>> -> memref<5120xi32, #tpu.memory_space<hbm>>
      %dma_wait3A_137 = tpu.memref_slice %arg7[%add3A_70] : memref<327680xi32, #tpu.memory_space<hbm>> -> memref<5120xi32, #tpu.memory_space<hbm>>
      tpu.wait_dma2 semaphore(%run_scoped3A_135 : memref<!tpu.dma_semaphore, #tpu.memory_space<semaphore_mem>>) src(%dma_wait3A_137 : memref<5120xi32, #tpu.memory_space<hbm>>) dst(%arg13 : memref<5120xi32, #tpu.memory_space<vmem>>)
      tpu.yield
    }) : () -> ()
    %scan3A_71 = arith.constant 0 : i32
    %scan3A_72 = arith.constant 0 : i32
    %scan3A_73 = arith.constant 40 : i32
    %scan3A_74 = arith.addi %scan3A_72, %scan3A_73 : i32
    %scan3A_75 = arith.constant 1 : i32
    scf.for %scan3A_135 = %scan3A_72 to %scan3A_74 step %scan3A_75  : i32 {
      %add3A_136 = arith.constant 0 : i32
      %add3A_137 = arith.addi %add3A_136, %scan3A_135 : i32
      %mul3A_138 = arith.constant 128 : i32
      %mul3A_139 = arith.muli %add3A_137, %mul3A_138 : i32
      %add3A_140 = arith.addi %mul3A_5, %mul3A_139 : i32
      "tpu.region"() ({
        %run_scoped3A_145 = tpu.sem_alloc : memref<!tpu.dma_semaphore, #tpu.memory_space<semaphore_mem>>
        %dma_start3A = tpu.memref_slice %arg8[%add3A_140] : memref<327680xi32, #tpu.memory_space<hbm>> -> memref<128xi32, #tpu.memory_space<hbm>>
        %dma_start3A_146 = tpu.memref_slice %arg8[%add3A_140] : memref<327680xi32, #tpu.memory_space<hbm>> -> memref<128xi32, #tpu.memory_space<hbm>>
        tpu.enqueue_dma source(%dma_start3A_146 : memref<128xi32, #tpu.memory_space<hbm>>) target(%arg14 : memref<128xi32, #tpu.memory_space<vmem>>) target_semaphore(%run_scoped3A_145 : memref<!tpu.dma_semaphore, #tpu.memory_space<semaphore_mem>>)
        %dma_wait3A = tpu.memref_slice %arg8[%add3A_140] : memref<327680xi32, #tpu.memory_space<hbm>> -> memref<128xi32, #tpu.memory_space<hbm>>
        %dma_wait3A_147 = tpu.memref_slice %arg8[%add3A_140] : memref<327680xi32, #tpu.memory_space<hbm>> -> memref<128xi32, #tpu.memory_space<hbm>>
        tpu.wait_dma2 semaphore(%run_scoped3A_145 : memref<!tpu.dma_semaphore, #tpu.memory_space<semaphore_mem>>) src(%dma_wait3A_147 : memref<128xi32, #tpu.memory_space<hbm>>) dst(%arg14 : memref<128xi32, #tpu.memory_space<vmem>>)
        tpu.yield
      }) : () -> ()
      %mul3A_141 = arith.constant 128 : i32
      %mul3A_142 = arith.muli %scan3A_135, %mul3A_141 : i32
      %run_scoped3A_143 = arith.constant 0 : i32
      "tpu.region"() ({
        %run_scoped3A_145 = tpu.sem_alloc : memref<!tpu.dma_semaphore, #tpu.memory_space<semaphore_mem>>
        %dma_start3A = arith.constant 0 : i32
        %dma_start3A_146 = arith.constant 0 : i32
        %dma_start3A_147 = tpu.memref_slice %arg16[%run_scoped3A_143, %dma_start3A, %dma_start3A_146] : memref<2x128x128xf32, #tpu.memory_space<vmem>> -> memref<1x128x128xf32, #tpu.memory_space<vmem>>
        %dma_start3A_148 = tpu.memref_squeeze %dma_start3A_147 : memref<1x128x128xf32, #tpu.memory_space<vmem>> -> memref<128x128xf32, #tpu.memory_space<vmem>>
        %dma_start3A_149 = tpu.memref_slice %arg13[%mul3A_142] : memref<5120xi32, #tpu.memory_space<vmem>> -> memref<128xi32, #tpu.memory_space<vmem>>
        %dma_start3A_150 = arith.constant 0 : i32
        %dma_start3A_151 = arith.constant 0 : i32
        %dma_start3A_152 = tpu.memref_slice %arg3[%dma_start3A_150, %dma_start3A_151] : memref<10000x128xf32, #tpu.memory_space<hbm>> -> memref<10000x128xf32, #tpu.memory_space<hbm>>
        tpu.enqueue_indirect_dma source(%dma_start3A_152 : memref<10000x128xf32, #tpu.memory_space<hbm>>) target(%dma_start3A_148 : memref<128x128xf32, #tpu.memory_space<vmem>>) offsets(%dma_start3A_149 : memref<128xi32, #tpu.memory_space<vmem>>) semaphore(%run_scoped3A_145 : memref<!tpu.dma_semaphore, #tpu.memory_space<semaphore_mem>>)
        %dma_wait3A = arith.constant 0 : i32
        %dma_wait3A_153 = arith.constant 0 : i32
        %dma_wait3A_154 = tpu.memref_slice %arg16[%run_scoped3A_143, %dma_wait3A, %dma_wait3A_153] : memref<2x128x128xf32, #tpu.memory_space<vmem>> -> memref<1x128x128xf32, #tpu.memory_space<vmem>>
        %dma_wait3A_155 = tpu.memref_squeeze %dma_wait3A_154 : memref<1x128x128xf32, #tpu.memory_space<vmem>> -> memref<128x128xf32, #tpu.memory_space<vmem>>
        %dma_wait3A_156 = tpu.memref_slice %arg13[%mul3A_142] : memref<5120xi32, #tpu.memory_space<vmem>> -> memref<128xi32, #tpu.memory_space<vmem>>
        %dma_wait3A_157 = arith.constant 0 : i32
        %dma_wait3A_158 = arith.constant 0 : i32
        %dma_wait3A_159 = tpu.memref_slice %arg3[%dma_wait3A_157, %dma_wait3A_158] : memref<10000x128xf32, #tpu.memory_space<hbm>> -> memref<10000x128xf32, #tpu.memory_space<hbm>>
        tpu.wait_indirect_dma semaphore(%run_scoped3A_145 : memref<!tpu.dma_semaphore, #tpu.memory_space<semaphore_mem>>) src(%dma_wait3A_159 : memref<10000x128xf32, #tpu.memory_space<hbm>>) dst(%dma_wait3A_155 : memref<128x128xf32, #tpu.memory_space<vmem>>)
        tpu.yield
      }) : () -> ()
      %run_scoped3A_144 = arith.constant 0 : i32
      "tpu.region"() ({
        %run_scoped3A_145 = tpu.sem_alloc : memref<!tpu.dma_semaphore, #tpu.memory_space<semaphore_mem>>
        %dma_start3A = arith.constant 0 : i32
        %dma_start3A_146 = arith.constant 0 : i32
        %dma_start3A_147 = tpu.memref_slice %arg16[%run_scoped3A_144, %dma_start3A, %dma_start3A_146] : memref<2x128x128xf32, #tpu.memory_space<vmem>> -> memref<1x128x128xf32, #tpu.memory_space<vmem>>
        %dma_start3A_148 = tpu.memref_squeeze %dma_start3A_147 : memref<1x128x128xf32, #tpu.memory_space<vmem>> -> memref<128x128xf32, #tpu.memory_space<vmem>>
        %dma_start3A_149 = arith.constant 0 : i32
        %dma_start3A_150 = arith.constant 0 : i32
        %dma_start3A_151 = tpu.memref_slice %arg12[%dma_start3A_149, %dma_start3A_150] : memref<10240x128xf32, #tpu.memory_space<vmem_shared>> -> memref<10240x128xf32, #tpu.memory_space<vmem_shared>>
        tpu.enqueue_indirect_dma source(%dma_start3A_148 : memref<128x128xf32, #tpu.memory_space<vmem>>) target(%dma_start3A_151 : memref<10240x128xf32, #tpu.memory_space<vmem_shared>>) offsets(%arg14 : memref<128xi32, #tpu.memory_space<vmem>>) semaphore(%run_scoped3A_145 : memref<!tpu.dma_semaphore, #tpu.memory_space<semaphore_mem>>) {add = true}
        %dma_wait3A = arith.constant 0 : i32
        %dma_wait3A_152 = arith.constant 0 : i32
        %dma_wait3A_153 = tpu.memref_slice %arg16[%run_scoped3A_144, %dma_wait3A, %dma_wait3A_152] : memref<2x128x128xf32, #tpu.memory_space<vmem>> -> memref<1x128x128xf32, #tpu.memory_space<vmem>>
        %dma_wait3A_154 = tpu.memref_squeeze %dma_wait3A_153 : memref<1x128x128xf32, #tpu.memory_space<vmem>> -> memref<128x128xf32, #tpu.memory_space<vmem>>
        %dma_wait3A_155 = arith.constant 0 : i32
        %dma_wait3A_156 = arith.constant 0 : i32
        %dma_wait3A_157 = tpu.memref_slice %arg12[%dma_wait3A_155, %dma_wait3A_156] : memref<10240x128xf32, #tpu.memory_space<vmem_shared>> -> memref<10240x128xf32, #tpu.memory_space<vmem_shared>>
        tpu.wait_indirect_dma semaphore(%run_scoped3A_145 : memref<!tpu.dma_semaphore, #tpu.memory_space<semaphore_mem>>) src(%dma_wait3A_154 : memref<128x128xf32, #tpu.memory_space<vmem>>) dst(%dma_wait3A_157 : memref<10240x128xf32, #tpu.memory_space<vmem_shared>>)
        tpu.yield
      }) : () -> ()
    }
    %scan3A_76 = arith.constant 40 : i32
    %add3A_77 = arith.constant 5120 : i32
    %add3A_78 = arith.addi %mul3A_5, %add3A_77 : i32
    "tpu.region"() ({
      %run_scoped3A_135 = tpu.sem_alloc : memref<!tpu.dma_semaphore, #tpu.memory_space<semaphore_mem>>
      %dma_start3A = tpu.memref_slice %arg7[%add3A_78] : memref<327680xi32, #tpu.memory_space<hbm>> -> memref<5120xi32, #tpu.memory_space<hbm>>
      %dma_start3A_136 = tpu.memref_slice %arg7[%add3A_78] : memref<327680xi32, #tpu.memory_space<hbm>> -> memref<5120xi32, #tpu.memory_space<hbm>>
      tpu.enqueue_dma source(%dma_start3A_136 : memref<5120xi32, #tpu.memory_space<hbm>>) target(%arg13 : memref<5120xi32, #tpu.memory_space<vmem>>) target_semaphore(%run_scoped3A_135 : memref<!tpu.dma_semaphore, #tpu.memory_space<semaphore_mem>>)
      %dma_wait3A = tpu.memref_slice %arg7[%add3A_78] : memref<327680xi32, #tpu.memory_space<hbm>> -> memref<5120xi32, #tpu.memory_space<hbm>>
      %dma_wait3A_137 = tpu.memref_slice %arg7[%add3A_78] : memref<327680xi32, #tpu.memory_space<hbm>> -> memref<5120xi32, #tpu.memory_space<hbm>>
      tpu.wait_dma2 semaphore(%run_scoped3A_135 : memref<!tpu.dma_semaphore, #tpu.memory_space<semaphore_mem>>) src(%dma_wait3A_137 : memref<5120xi32, #tpu.memory_space<hbm>>) dst(%arg13 : memref<5120xi32, #tpu.memory_space<vmem>>)
      tpu.yield
    }) : () -> ()
    %scan3A_79 = arith.constant 0 : i32
    %scan3A_80 = arith.constant 0 : i32
    %scan3A_81 = arith.constant 40 : i32
    %scan3A_82 = arith.addi %scan3A_80, %scan3A_81 : i32
    %scan3A_83 = arith.constant 1 : i32
    scf.for %scan3A_135 = %scan3A_80 to %scan3A_82 step %scan3A_83  : i32 {
      %add3A_136 = arith.constant 40 : i32
      %add3A_137 = arith.addi %add3A_136, %scan3A_135 : i32
      %mul3A_138 = arith.constant 128 : i32
      %mul3A_139 = arith.muli %add3A_137, %mul3A_138 : i32
      %add3A_140 = arith.addi %mul3A_5, %mul3A_139 : i32
      "tpu.region"() ({
        %run_scoped3A_145 = tpu.sem_alloc : memref<!tpu.dma_semaphore, #tpu.memory_space<semaphore_mem>>
        %dma_start3A = tpu.memref_slice %arg8[%add3A_140] : memref<327680xi32, #tpu.memory_space<hbm>> -> memref<128xi32, #tpu.memory_space<hbm>>
        %dma_start3A_146 = tpu.memref_slice %arg8[%add3A_140] : memref<327680xi32, #tpu.memory_space<hbm>> -> memref<128xi32, #tpu.memory_space<hbm>>
        tpu.enqueue_dma source(%dma_start3A_146 : memref<128xi32, #tpu.memory_space<hbm>>) target(%arg14 : memref<128xi32, #tpu.memory_space<vmem>>) target_semaphore(%run_scoped3A_145 : memref<!tpu.dma_semaphore, #tpu.memory_space<semaphore_mem>>)
        %dma_wait3A = tpu.memref_slice %arg8[%add3A_140] : memref<327680xi32, #tpu.memory_space<hbm>> -> memref<128xi32, #tpu.memory_space<hbm>>
        %dma_wait3A_147 = tpu.memref_slice %arg8[%add3A_140] : memref<327680xi32, #tpu.memory_space<hbm>> -> memref<128xi32, #tpu.memory_space<hbm>>
        tpu.wait_dma2 semaphore(%run_scoped3A_145 : memref<!tpu.dma_semaphore, #tpu.memory_space<semaphore_mem>>) src(%dma_wait3A_147 : memref<128xi32, #tpu.memory_space<hbm>>) dst(%arg14 : memref<128xi32, #tpu.memory_space<vmem>>)
        tpu.yield
      }) : () -> ()
      %mul3A_141 = arith.constant 128 : i32
      %mul3A_142 = arith.muli %scan3A_135, %mul3A_141 : i32
      %run_scoped3A_143 = arith.constant 0 : i32
      "tpu.region"() ({
        %run_scoped3A_145 = tpu.sem_alloc : memref<!tpu.dma_semaphore, #tpu.memory_space<semaphore_mem>>
        %dma_start3A = arith.constant 0 : i32
        %dma_start3A_146 = arith.constant 0 : i32
        %dma_start3A_147 = tpu.memref_slice %arg16[%run_scoped3A_143, %dma_start3A, %dma_start3A_146] : memref<2x128x128xf32, #tpu.memory_space<vmem>> -> memref<1x128x128xf32, #tpu.memory_space<vmem>>
        %dma_start3A_148 = tpu.memref_squeeze %dma_start3A_147 : memref<1x128x128xf32, #tpu.memory_space<vmem>> -> memref<128x128xf32, #tpu.memory_space<vmem>>
        %dma_start3A_149 = tpu.memref_slice %arg13[%mul3A_142] : memref<5120xi32, #tpu.memory_space<vmem>> -> memref<128xi32, #tpu.memory_space<vmem>>
        %dma_start3A_150 = arith.constant 0 : i32
        %dma_start3A_151 = arith.constant 0 : i32
        %dma_start3A_152 = tpu.memref_slice %arg3[%dma_start3A_150, %dma_start3A_151] : memref<10000x128xf32, #tpu.memory_space<hbm>> -> memref<10000x128xf32, #tpu.memory_space<hbm>>
        tpu.enqueue_indirect_dma source(%dma_start3A_152 : memref<10000x128xf32, #tpu.memory_space<hbm>>) target(%dma_start3A_148 : memref<128x128xf32, #tpu.memory_space<vmem>>) offsets(%dma_start3A_149 : memref<128xi32, #tpu.memory_space<vmem>>) semaphore(%run_scoped3A_145 : memref<!tpu.dma_semaphore, #tpu.memory_space<semaphore_mem>>)
        %dma_wait3A = arith.constant 0 : i32
        %dma_wait3A_153 = arith.constant 0 : i32
        %dma_wait3A_154 = tpu.memref_slice %arg16[%run_scoped3A_143, %dma_wait3A, %dma_wait3A_153] : memref<2x128x128xf32, #tpu.memory_space<vmem>> -> memref<1x128x128xf32, #tpu.memory_space<vmem>>
        %dma_wait3A_155 = tpu.memref_squeeze %dma_wait3A_154 : memref<1x128x128xf32, #tpu.memory_space<vmem>> -> memref<128x128xf32, #tpu.memory_space<vmem>>
        %dma_wait3A_156 = tpu.memref_slice %arg13[%mul3A_142] : memref<5120xi32, #tpu.memory_space<vmem>> -> memref<128xi32, #tpu.memory_space<vmem>>
        %dma_wait3A_157 = arith.constant 0 : i32
        %dma_wait3A_158 = arith.constant 0 : i32
        %dma_wait3A_159 = tpu.memref_slice %arg3[%dma_wait3A_157, %dma_wait3A_158] : memref<10000x128xf32, #tpu.memory_space<hbm>> -> memref<10000x128xf32, #tpu.memory_space<hbm>>
        tpu.wait_indirect_dma semaphore(%run_scoped3A_145 : memref<!tpu.dma_semaphore, #tpu.memory_space<semaphore_mem>>) src(%dma_wait3A_159 : memref<10000x128xf32, #tpu.memory_space<hbm>>) dst(%dma_wait3A_155 : memref<128x128xf32, #tpu.memory_space<vmem>>)
        tpu.yield
      }) : () -> ()
      %run_scoped3A_144 = arith.constant 0 : i32
      "tpu.region"() ({
        %run_scoped3A_145 = tpu.sem_alloc : memref<!tpu.dma_semaphore, #tpu.memory_space<semaphore_mem>>
        %dma_start3A = arith.constant 0 : i32
        %dma_start3A_146 = arith.constant 0 : i32
        %dma_start3A_147 = tpu.memref_slice %arg16[%run_scoped3A_144, %dma_start3A, %dma_start3A_146] : memref<2x128x128xf32, #tpu.memory_space<vmem>> -> memref<1x128x128xf32, #tpu.memory_space<vmem>>
        %dma_start3A_148 = tpu.memref_squeeze %dma_start3A_147 : memref<1x128x128xf32, #tpu.memory_space<vmem>> -> memref<128x128xf32, #tpu.memory_space<vmem>>
        %dma_start3A_149 = arith.constant 0 : i32
        %dma_start3A_150 = arith.constant 0 : i32
        %dma_start3A_151 = tpu.memref_slice %arg12[%dma_start3A_149, %dma_start3A_150] : memref<10240x128xf32, #tpu.memory_space<vmem_shared>> -> memref<10240x128xf32, #tpu.memory_space<vmem_shared>>
        tpu.enqueue_indirect_dma source(%dma_start3A_148 : memref<128x128xf32, #tpu.memory_space<vmem>>) target(%dma_start3A_151 : memref<10240x128xf32, #tpu.memory_space<vmem_shared>>) offsets(%arg14 : memref<128xi32, #tpu.memory_space<vmem>>) semaphore(%run_scoped3A_145 : memref<!tpu.dma_semaphore, #tpu.memory_space<semaphore_mem>>) {add = true}
        %dma_wait3A = arith.constant 0 : i32
        %dma_wait3A_152 = arith.constant 0 : i32
        %dma_wait3A_153 = tpu.memref_slice %arg16[%run_scoped3A_144, %dma_wait3A, %dma_wait3A_152] : memref<2x128x128xf32, #tpu.memory_space<vmem>> -> memref<1x128x128xf32, #tpu.memory_space<vmem>>
        %dma_wait3A_154 = tpu.memref_squeeze %dma_wait3A_153 : memref<1x128x128xf32, #tpu.memory_space<vmem>> -> memref<128x128xf32, #tpu.memory_space<vmem>>
        %dma_wait3A_155 = arith.constant 0 : i32
        %dma_wait3A_156 = arith.constant 0 : i32
        %dma_wait3A_157 = tpu.memref_slice %arg12[%dma_wait3A_155, %dma_wait3A_156] : memref<10240x128xf32, #tpu.memory_space<vmem_shared>> -> memref<10240x128xf32, #tpu.memory_space<vmem_shared>>
        tpu.wait_indirect_dma semaphore(%run_scoped3A_145 : memref<!tpu.dma_semaphore, #tpu.memory_space<semaphore_mem>>) src(%dma_wait3A_154 : memref<128x128xf32, #tpu.memory_space<vmem>>) dst(%dma_wait3A_157 : memref<10240x128xf32, #tpu.memory_space<vmem_shared>>)
        tpu.yield
      }) : () -> ()
    }
    %scan3A_84 = arith.constant 40 : i32
    %barrier3A_85 = arith.constant 0 : index
    tpu.barrier barrier_id(%barrier3A_85)
    %add3A_86 = arith.constant 2 : i32
    %add3A_87 = arith.addi %add3A_86, %arg0 : i32
    %mul3A_88 = arith.constant 10240 : i32
    %mul3A_89 = arith.muli %add3A_87, %mul3A_88 : i32
    %add3A_90 = arith.addi %mul3A_89, %mul3A_1 : i32
    "tpu.region"() ({
      %run_scoped3A_135 = tpu.sem_alloc : memref<!tpu.dma_semaphore, #tpu.memory_space<semaphore_mem>>
      %dma_start3A = arith.constant 0 : i32
      %dma_start3A_136 = tpu.memref_slice %arg11[%add3A_90, %dma_start3A] : memref<61440x128xf32, #tpu.memory_space<hbm>> -> memref<640x128xf32, #tpu.memory_space<hbm>>
      %dma_start3A_137 = arith.constant 0 : i32
      %dma_start3A_138 = tpu.memref_slice %arg12[%mul3A_1, %dma_start3A_137] : memref<10240x128xf32, #tpu.memory_space<vmem_shared>> -> memref<640x128xf32, #tpu.memory_space<vmem_shared>>
      tpu.enqueue_dma source(%dma_start3A_138 : memref<640x128xf32, #tpu.memory_space<vmem_shared>>) target(%dma_start3A_136 : memref<640x128xf32, #tpu.memory_space<hbm>>) target_semaphore(%run_scoped3A_135 : memref<!tpu.dma_semaphore, #tpu.memory_space<semaphore_mem>>)
      %dma_wait3A = arith.constant 0 : i32
      %dma_wait3A_139 = tpu.memref_slice %arg11[%add3A_90, %dma_wait3A] : memref<61440x128xf32, #tpu.memory_space<hbm>> -> memref<640x128xf32, #tpu.memory_space<hbm>>
      %dma_wait3A_140 = arith.constant 0 : i32
      %dma_wait3A_141 = tpu.memref_slice %arg12[%mul3A_1, %dma_wait3A_140] : memref<10240x128xf32, #tpu.memory_space<vmem_shared>> -> memref<640x128xf32, #tpu.memory_space<vmem_shared>>
      tpu.wait_dma2 semaphore(%run_scoped3A_135 : memref<!tpu.dma_semaphore, #tpu.memory_space<semaphore_mem>>) src(%dma_wait3A_141 : memref<640x128xf32, #tpu.memory_space<vmem_shared>>) dst(%dma_wait3A_139 : memref<640x128xf32, #tpu.memory_space<hbm>>)
      tpu.yield
    }) : () -> ()
    %scan3A_91 = arith.constant 0 : i32
    %scan3A_92 = arith.constant 0 : i32
    %scan3A_93 = arith.constant 1024 : i32
    %scan3A_94 = arith.addi %scan3A_92, %scan3A_93 : i32
    %scan3A_95 = arith.constant 1 : i32
    scf.for %scan3A_135 = %scan3A_92 to %scan3A_94 step %scan3A_95  : i32 {
      %jit3A = arith.constant 8 : i32
      %div3A = arith.divsi %scan3A_135, %jit3A : i32
      %sign3A = arith.constant 0 : i32
      %sign3A_136 = arith.cmpi sgt, %scan3A_135, %sign3A : i32
      %sign3A_137 = arith.extui %sign3A_136 : i1 to i32
      %sign3A_138 = arith.constant 0 : i32
      %sign3A_139 = arith.cmpi slt, %scan3A_135, %sign3A_138 : i32
      %sign3A_140 = arith.extui %sign3A_139 : i1 to i32
      %sign3A_141 = arith.subi %sign3A_137, %sign3A_140 : i32
      %sign3A_142 = arith.constant 0 : i32
      %sign3A_143 = arith.cmpi sgt, %jit3A, %sign3A_142 : i32
      %sign3A_144 = arith.extui %sign3A_143 : i1 to i32
      %sign3A_145 = arith.constant 0 : i32
      %sign3A_146 = arith.cmpi slt, %jit3A, %sign3A_145 : i32
      %sign3A_147 = arith.extui %sign3A_146 : i1 to i32
      %sign3A_148 = arith.subi %sign3A_144, %sign3A_147 : i32
      %ne3A = arith.cmpi ne, %sign3A_141, %sign3A_148 : i32
      %rem3A = arith.remsi %scan3A_135, %jit3A : i32
      %ne3A_149 = arith.constant 0 : i32
      %ne3A_150 = arith.cmpi ne, %rem3A, %ne3A_149 : i32
      %and3A = arith.andi %ne3A, %ne3A_150 : i1
      %sub3A = arith.constant 1 : i32
      %sub3A_151 = arith.subi %div3A, %sub3A : i32
      %select_n3A = arith.select %and3A, %sub3A_151, %div3A : i32
      %jit3A_152 = arith.constant 8 : i32
      %eq3A = arith.constant 0 : i32
      %eq3A_153 = arith.cmpi eq, %jit3A_152, %eq3A : i32
      %jit3A_154 = arith.constant 1 : i32
      %select_n3A_155 = arith.select %eq3A_153, %jit3A_154, %jit3A_152 : i32
      %rem3A_156 = arith.remsi %scan3A_135, %select_n3A_155 : i32
      %ne3A_157 = arith.constant 0 : i32
      %ne3A_158 = arith.cmpi ne, %rem3A_156, %ne3A_157 : i32
      %lt3A = arith.constant 0 : i32
      %lt3A_159 = arith.cmpi slt, %rem3A_156, %lt3A : i32
      %lt3A_160 = arith.constant 0 : i32
      %lt3A_161 = arith.cmpi slt, %select_n3A_155, %lt3A_160 : i32
      %ne3A_162 = arith.xori %lt3A_159, %lt3A_161 : i1
      %and3A_163 = arith.andi %ne3A_162, %ne3A_158 : i1
      %add3A_164 = arith.addi %rem3A_156, %select_n3A_155 : i32
      %select_n3A_165 = arith.select %and3A_163, %add3A_164, %rem3A_156 : i32
      %mul3A_166 = arith.constant 16 : i32
      %mul3A_167 = arith.muli %select_n3A_165, %mul3A_166 : i32
      %swap3A = arith.constant 0 : i32
      %swap3A_168 = arith.index_cast %swap3A : i32 to index
      %swap3A_169 = arith.index_cast %select_n3A : i32 to index
      %swap3A_170 = arith.index_cast %mul3A_167 : i32 to index
      %swap3A_171 = tpu.vector_load %arg16[%swap3A_168, %swap3A_169, %swap3A_170] {strides = array<i32>} : memref<2x128x128xf32, #tpu.memory_space<vmem>>, vector<1x1x16xf32>,
      %swap3A_172 = vector.shape_cast %swap3A_171 : vector<1x1x16xf32> to vector<16xf32>
      %swap3A_173 = vector.shape_cast %broadcast_in_dim3A_0 : vector<16xf32> to vector<1x1x16xf32>
      tpu.vector_store %arg16[%swap3A_168, %swap3A_169, %swap3A_170], %swap3A_173 {strides = array<i32>} : memref<2x128x128xf32, #tpu.memory_space<vmem>>, vector<1x1x16xf32>,
    }
    %scan3A_96 = arith.constant 1024 : i32
    %add3A_97 = arith.constant 0 : i32
    %add3A_98 = arith.addi %mul3A_1, %add3A_97 : i32
    %run_scoped3A_99 = arith.constant 0 : i32
    "tpu.region"() ({
      %run_scoped3A_135 = tpu.sem_alloc : memref<!tpu.dma_semaphore, #tpu.memory_space<semaphore_mem>>
      %dma_start3A = arith.constant 0 : i32
      %dma_start3A_136 = arith.constant 0 : i32
      %dma_start3A_137 = tpu.memref_slice %arg16[%run_scoped3A_99, %dma_start3A, %dma_start3A_136] : memref<2x128x128xf32, #tpu.memory_space<vmem>> -> memref<1x128x128xf32, #tpu.memory_space<vmem>>
      %dma_start3A_138 = tpu.memref_squeeze %dma_start3A_137 : memref<1x128x128xf32, #tpu.memory_space<vmem>> -> memref<128x128xf32, #tpu.memory_space<vmem>>
      %dma_start3A_139 = arith.constant 0 : i32
      %dma_start3A_140 = tpu.memref_slice %arg12[%add3A_98, %dma_start3A_139] : memref<10240x128xf32, #tpu.memory_space<vmem_shared>> -> memref<128x128xf32, #tpu.memory_space<vmem_shared>>
      %dma_start3A_141 = arith.constant 0 : i32
      %dma_start3A_142 = tpu.memref_slice %arg12[%add3A_98, %dma_start3A_141] : memref<10240x128xf32, #tpu.memory_space<vmem_shared>> -> memref<128x128xf32, #tpu.memory_space<vmem_shared>>
      %dma_start3A_143 = arith.constant 0 : i32
      %dma_start3A_144 = arith.constant 0 : i32
      %dma_start3A_145 = tpu.memref_slice %arg16[%run_scoped3A_99, %dma_start3A_143, %dma_start3A_144] : memref<2x128x128xf32, #tpu.memory_space<vmem>> -> memref<1x128x128xf32, #tpu.memory_space<vmem>>
      %dma_start3A_146 = tpu.memref_squeeze %dma_start3A_145 : memref<1x128x128xf32, #tpu.memory_space<vmem>> -> memref<128x128xf32, #tpu.memory_space<vmem>>
      tpu.enqueue_dma source(%dma_start3A_146 : memref<128x128xf32, #tpu.memory_space<vmem>>) target(%dma_start3A_142 : memref<128x128xf32, #tpu.memory_space<vmem_shared>>) target_semaphore(%run_scoped3A_135 : memref<!tpu.dma_semaphore, #tpu.memory_space<semaphore_mem>>)
      %dma_wait3A = arith.constant 0 : i32
      %dma_wait3A_147 = arith.constant 0 : i32
      %dma_wait3A_148 = tpu.memref_slice %arg16[%run_scoped3A_99, %dma_wait3A, %dma_wait3A_147] : memref<2x128x128xf32, #tpu.memory_space<vmem>> -> memref<1x128x128xf32, #tpu.memory_space<vmem>>
      %dma_wait3A_149 = tpu.memref_squeeze %dma_wait3A_148 : memref<1x128x128xf32, #tpu.memory_space<vmem>> -> memref<128x128xf32, #tpu.memory_space<vmem>>
      %dma_wait3A_150 = arith.constant 0 : i32
      %dma_wait3A_151 = tpu.memref_slice %arg12[%add3A_98, %dma_wait3A_150] : memref<10240x128xf32, #tpu.memory_space<vmem_shared>> -> memref<128x128xf32, #tpu.memory_space<vmem_shared>>
      %dma_wait3A_152 = arith.constant 0 : i32
      %dma_wait3A_153 = tpu.memref_slice %arg12[%add3A_98, %dma_wait3A_152] : memref<10240x128xf32, #tpu.memory_space<vmem_shared>> -> memref<128x128xf32, #tpu.memory_space<vmem_shared>>
      %dma_wait3A_154 = arith.constant 0 : i32
      %dma_wait3A_155 = arith.constant 0 : i32
      %dma_wait3A_156 = tpu.memref_slice %arg16[%run_scoped3A_99, %dma_wait3A_154, %dma_wait3A_155] : memref<2x128x128xf32, #tpu.memory_space<vmem>> -> memref<1x128x128xf32, #tpu.memory_space<vmem>>
      %dma_wait3A_157 = tpu.memref_squeeze %dma_wait3A_156 : memref<1x128x128xf32, #tpu.memory_space<vmem>> -> memref<128x128xf32, #tpu.memory_space<vmem>>
      tpu.wait_dma2 semaphore(%run_scoped3A_135 : memref<!tpu.dma_semaphore, #tpu.memory_space<semaphore_mem>>) src(%dma_wait3A_157 : memref<128x128xf32, #tpu.memory_space<vmem>>) dst(%dma_wait3A_153 : memref<128x128xf32, #tpu.memory_space<vmem_shared>>)
      tpu.yield
    }) : () -> ()
    %add3A_100 = arith.constant 128 : i32
    %add3A_101 = arith.addi %mul3A_1, %add3A_100 : i32
    %run_scoped3A_102 = arith.constant 0 : i32
    "tpu.region"() ({
      %run_scoped3A_135 = tpu.sem_alloc : memref<!tpu.dma_semaphore, #tpu.memory_space<semaphore_mem>>
      %dma_start3A = arith.constant 0 : i32
      %dma_start3A_136 = arith.constant 0 : i32
      %dma_start3A_137 = tpu.memref_slice %arg16[%run_scoped3A_102, %dma_start3A, %dma_start3A_136] : memref<2x128x128xf32, #tpu.memory_space<vmem>> -> memref<1x128x128xf32, #tpu.memory_space<vmem>>
      %dma_start3A_138 = tpu.memref_squeeze %dma_start3A_137 : memref<1x128x128xf32, #tpu.memory_space<vmem>> -> memref<128x128xf32, #tpu.memory_space<vmem>>
      %dma_start3A_139 = arith.constant 0 : i32
      %dma_start3A_140 = tpu.memref_slice %arg12[%add3A_101, %dma_start3A_139] : memref<10240x128xf32, #tpu.memory_space<vmem_shared>> -> memref<128x128xf32, #tpu.memory_space<vmem_shared>>
      %dma_start3A_141 = arith.constant 0 : i32
      %dma_start3A_142 = tpu.memref_slice %arg12[%add3A_101, %dma_start3A_141] : memref<10240x128xf32, #tpu.memory_space<vmem_shared>> -> memref<128x128xf32, #tpu.memory_space<vmem_shared>>
      %dma_start3A_143 = arith.constant 0 : i32
      %dma_start3A_144 = arith.constant 0 : i32
      %dma_start3A_145 = tpu.memref_slice %arg16[%run_scoped3A_102, %dma_start3A_143, %dma_start3A_144] : memref<2x128x128xf32, #tpu.memory_space<vmem>> -> memref<1x128x128xf32, #tpu.memory_space<vmem>>
      %dma_start3A_146 = tpu.memref_squeeze %dma_start3A_145 : memref<1x128x128xf32, #tpu.memory_space<vmem>> -> memref<128x128xf32, #tpu.memory_space<vmem>>
      tpu.enqueue_dma source(%dma_start3A_146 : memref<128x128xf32, #tpu.memory_space<vmem>>) target(%dma_start3A_142 : memref<128x128xf32, #tpu.memory_space<vmem_shared>>) target_semaphore(%run_scoped3A_135 : memref<!tpu.dma_semaphore, #tpu.memory_space<semaphore_mem>>)
      %dma_wait3A = arith.constant 0 : i32
      %dma_wait3A_147 = arith.constant 0 : i32
      %dma_wait3A_148 = tpu.memref_slice %arg16[%run_scoped3A_102, %dma_wait3A, %dma_wait3A_147] : memref<2x128x128xf32, #tpu.memory_space<vmem>> -> memref<1x128x128xf32, #tpu.memory_space<vmem>>
      %dma_wait3A_149 = tpu.memref_squeeze %dma_wait3A_148 : memref<1x128x128xf32, #tpu.memory_space<vmem>> -> memref<128x128xf32, #tpu.memory_space<vmem>>
      %dma_wait3A_150 = arith.constant 0 : i32
      %dma_wait3A_151 = tpu.memref_slice %arg12[%add3A_101, %dma_wait3A_150] : memref<10240x128xf32, #tpu.memory_space<vmem_shared>> -> memref<128x128xf32, #tpu.memory_space<vmem_shared>>
      %dma_wait3A_152 = arith.constant 0 : i32
      %dma_wait3A_153 = tpu.memref_slice %arg12[%add3A_101, %dma_wait3A_152] : memref<10240x128xf32, #tpu.memory_space<vmem_shared>> -> memref<128x128xf32, #tpu.memory_space<vmem_shared>>
      %dma_wait3A_154 = arith.constant 0 : i32
      %dma_wait3A_155 = arith.constant 0 : i32
      %dma_wait3A_156 = tpu.memref_slice %arg16[%run_scoped3A_102, %dma_wait3A_154, %dma_wait3A_155] : memref<2x128x128xf32, #tpu.memory_space<vmem>> -> memref<1x128x128xf32, #tpu.memory_space<vmem>>
      %dma_wait3A_157 = tpu.memref_squeeze %dma_wait3A_156 : memref<1x128x128xf32, #tpu.memory_space<vmem>> -> memref<128x128xf32, #tpu.memory_space<vmem>>
      tpu.wait_dma2 semaphore(%run_scoped3A_135 : memref<!tpu.dma_semaphore, #tpu.memory_space<semaphore_mem>>) src(%dma_wait3A_157 : memref<128x128xf32, #tpu.memory_space<vmem>>) dst(%dma_wait3A_153 : memref<128x128xf32, #tpu.memory_space<vmem_shared>>)
      tpu.yield
    }) : () -> ()
    %add3A_103 = arith.constant 256 : i32
    %add3A_104 = arith.addi %mul3A_1, %add3A_103 : i32
    %run_scoped3A_105 = arith.constant 0 : i32
    "tpu.region"() ({
      %run_scoped3A_135 = tpu.sem_alloc : memref<!tpu.dma_semaphore, #tpu.memory_space<semaphore_mem>>
      %dma_start3A = arith.constant 0 : i32
      %dma_start3A_136 = arith.constant 0 : i32
      %dma_start3A_137 = tpu.memref_slice %arg16[%run_scoped3A_105, %dma_start3A, %dma_start3A_136] : memref<2x128x128xf32, #tpu.memory_space<vmem>> -> memref<1x128x128xf32, #tpu.memory_space<vmem>>
      %dma_start3A_138 = tpu.memref_squeeze %dma_start3A_137 : memref<1x128x128xf32, #tpu.memory_space<vmem>> -> memref<128x128xf32, #tpu.memory_space<vmem>>
      %dma_start3A_139 = arith.constant 0 : i32
      %dma_start3A_140 = tpu.memref_slice %arg12[%add3A_104, %dma_start3A_139] : memref<10240x128xf32, #tpu.memory_space<vmem_shared>> -> memref<128x128xf32, #tpu.memory_space<vmem_shared>>
      %dma_start3A_141 = arith.constant 0 : i32
      %dma_start3A_142 = tpu.memref_slice %arg12[%add3A_104, %dma_start3A_141] : memref<10240x128xf32, #tpu.memory_space<vmem_shared>> -> memref<128x128xf32, #tpu.memory_space<vmem_shared>>
      %dma_start3A_143 = arith.constant 0 : i32
      %dma_start3A_144 = arith.constant 0 : i32
      %dma_start3A_145 = tpu.memref_slice %arg16[%run_scoped3A_105, %dma_start3A_143, %dma_start3A_144] : memref<2x128x128xf32, #tpu.memory_space<vmem>> -> memref<1x128x128xf32, #tpu.memory_space<vmem>>
      %dma_start3A_146 = tpu.memref_squeeze %dma_start3A_145 : memref<1x128x128xf32, #tpu.memory_space<vmem>> -> memref<128x128xf32, #tpu.memory_space<vmem>>
      tpu.enqueue_dma source(%dma_start3A_146 : memref<128x128xf32, #tpu.memory_space<vmem>>) target(%dma_start3A_142 : memref<128x128xf32, #tpu.memory_space<vmem_shared>>) target_semaphore(%run_scoped3A_135 : memref<!tpu.dma_semaphore, #tpu.memory_space<semaphore_mem>>)
      %dma_wait3A = arith.constant 0 : i32
      %dma_wait3A_147 = arith.constant 0 : i32
      %dma_wait3A_148 = tpu.memref_slice %arg16[%run_scoped3A_105, %dma_wait3A, %dma_wait3A_147] : memref<2x128x128xf32, #tpu.memory_space<vmem>> -> memref<1x128x128xf32, #tpu.memory_space<vmem>>
      %dma_wait3A_149 = tpu.memref_squeeze %dma_wait3A_148 : memref<1x128x128xf32, #tpu.memory_space<vmem>> -> memref<128x128xf32, #tpu.memory_space<vmem>>
      %dma_wait3A_150 = arith.constant 0 : i32
      %dma_wait3A_151 = tpu.memref_slice %arg12[%add3A_104, %dma_wait3A_150] : memref<10240x128xf32, #tpu.memory_space<vmem_shared>> -> memref<128x128xf32, #tpu.memory_space<vmem_shared>>
      %dma_wait3A_152 = arith.constant 0 : i32
      %dma_wait3A_153 = tpu.memref_slice %arg12[%add3A_104, %dma_wait3A_152] : memref<10240x128xf32, #tpu.memory_space<vmem_shared>> -> memref<128x128xf32, #tpu.memory_space<vmem_shared>>
      %dma_wait3A_154 = arith.constant 0 : i32
      %dma_wait3A_155 = arith.constant 0 : i32
      %dma_wait3A_156 = tpu.memref_slice %arg16[%run_scoped3A_105, %dma_wait3A_154, %dma_wait3A_155] : memref<2x128x128xf32, #tpu.memory_space<vmem>> -> memref<1x128x128xf32, #tpu.memory_space<vmem>>
      %dma_wait3A_157 = tpu.memref_squeeze %dma_wait3A_156 : memref<1x128x128xf32, #tpu.memory_space<vmem>> -> memref<128x128xf32, #tpu.memory_space<vmem>>
      tpu.wait_dma2 semaphore(%run_scoped3A_135 : memref<!tpu.dma_semaphore, #tpu.memory_space<semaphore_mem>>) src(%dma_wait3A_157 : memref<128x128xf32, #tpu.memory_space<vmem>>) dst(%dma_wait3A_153 : memref<128x128xf32, #tpu.memory_space<vmem_shared>>)
      tpu.yield
    }) : () -> ()
    %add3A_106 = arith.constant 384 : i32
    %add3A_107 = arith.addi %mul3A_1, %add3A_106 : i32
    %run_scoped3A_108 = arith.constant 0 : i32
    "tpu.region"() ({
      %run_scoped3A_135 = tpu.sem_alloc : memref<!tpu.dma_semaphore, #tpu.memory_space<semaphore_mem>>
      %dma_start3A = arith.constant 0 : i32
      %dma_start3A_136 = arith.constant 0 : i32
      %dma_start3A_137 = tpu.memref_slice %arg16[%run_scoped3A_108, %dma_start3A, %dma_start3A_136] : memref<2x128x128xf32, #tpu.memory_space<vmem>> -> memref<1x128x128xf32, #tpu.memory_space<vmem>>
      %dma_start3A_138 = tpu.memref_squeeze %dma_start3A_137 : memref<1x128x128xf32, #tpu.memory_space<vmem>> -> memref<128x128xf32, #tpu.memory_space<vmem>>
      %dma_start3A_139 = arith.constant 0 : i32
      %dma_start3A_140 = tpu.memref_slice %arg12[%add3A_107, %dma_start3A_139] : memref<10240x128xf32, #tpu.memory_space<vmem_shared>> -> memref<128x128xf32, #tpu.memory_space<vmem_shared>>
      %dma_start3A_141 = arith.constant 0 : i32
      %dma_start3A_142 = tpu.memref_slice %arg12[%add3A_107, %dma_start3A_141] : memref<10240x128xf32, #tpu.memory_space<vmem_shared>> -> memref<128x128xf32, #tpu.memory_space<vmem_shared>>
      %dma_start3A_143 = arith.constant 0 : i32
      %dma_start3A_144 = arith.constant 0 : i32
      %dma_start3A_145 = tpu.memref_slice %arg16[%run_scoped3A_108, %dma_start3A_143, %dma_start3A_144] : memref<2x128x128xf32, #tpu.memory_space<vmem>> -> memref<1x128x128xf32, #tpu.memory_space<vmem>>
      %dma_start3A_146 = tpu.memref_squeeze %dma_start3A_145 : memref<1x128x128xf32, #tpu.memory_space<vmem>> -> memref<128x128xf32, #tpu.memory_space<vmem>>
      tpu.enqueue_dma source(%dma_start3A_146 : memref<128x128xf32, #tpu.memory_space<vmem>>) target(%dma_start3A_142 : memref<128x128xf32, #tpu.memory_space<vmem_shared>>) target_semaphore(%run_scoped3A_135 : memref<!tpu.dma_semaphore, #tpu.memory_space<semaphore_mem>>)
      %dma_wait3A = arith.constant 0 : i32
      %dma_wait3A_147 = arith.constant 0 : i32
      %dma_wait3A_148 = tpu.memref_slice %arg16[%run_scoped3A_108, %dma_wait3A, %dma_wait3A_147] : memref<2x128x128xf32, #tpu.memory_space<vmem>> -> memref<1x128x128xf32, #tpu.memory_space<vmem>>
      %dma_wait3A_149 = tpu.memref_squeeze %dma_wait3A_148 : memref<1x128x128xf32, #tpu.memory_space<vmem>> -> memref<128x128xf32, #tpu.memory_space<vmem>>
      %dma_wait3A_150 = arith.constant 0 : i32
      %dma_wait3A_151 = tpu.memref_slice %arg12[%add3A_107, %dma_wait3A_150] : memref<10240x128xf32, #tpu.memory_space<vmem_shared>> -> memref<128x128xf32, #tpu.memory_space<vmem_shared>>
      %dma_wait3A_152 = arith.constant 0 : i32
      %dma_wait3A_153 = tpu.memref_slice %arg12[%add3A_107, %dma_wait3A_152] : memref<10240x128xf32, #tpu.memory_space<vmem_shared>> -> memref<128x128xf32, #tpu.memory_space<vmem_shared>>
      %dma_wait3A_154 = arith.constant 0 : i32
      %dma_wait3A_155 = arith.constant 0 : i32
      %dma_wait3A_156 = tpu.memref_slice %arg16[%run_scoped3A_108, %dma_wait3A_154, %dma_wait3A_155] : memref<2x128x128xf32, #tpu.memory_space<vmem>> -> memref<1x128x128xf32, #tpu.memory_space<vmem>>
      %dma_wait3A_157 = tpu.memref_squeeze %dma_wait3A_156 : memref<1x128x128xf32, #tpu.memory_space<vmem>> -> memref<128x128xf32, #tpu.memory_space<vmem>>
      tpu.wait_dma2 semaphore(%run_scoped3A_135 : memref<!tpu.dma_semaphore, #tpu.memory_space<semaphore_mem>>) src(%dma_wait3A_157 : memref<128x128xf32, #tpu.memory_space<vmem>>) dst(%dma_wait3A_153 : memref<128x128xf32, #tpu.memory_space<vmem_shared>>)
      tpu.yield
    }) : () -> ()
    %add3A_109 = arith.constant 512 : i32
    %add3A_110 = arith.addi %mul3A_1, %add3A_109 : i32
    %run_scoped3A_111 = arith.constant 0 : i32
    "tpu.region"() ({
      %run_scoped3A_135 = tpu.sem_alloc : memref<!tpu.dma_semaphore, #tpu.memory_space<semaphore_mem>>
      %dma_start3A = arith.constant 0 : i32
      %dma_start3A_136 = arith.constant 0 : i32
      %dma_start3A_137 = tpu.memref_slice %arg16[%run_scoped3A_111, %dma_start3A, %dma_start3A_136] : memref<2x128x128xf32, #tpu.memory_space<vmem>> -> memref<1x128x128xf32, #tpu.memory_space<vmem>>
      %dma_start3A_138 = tpu.memref_squeeze %dma_start3A_137 : memref<1x128x128xf32, #tpu.memory_space<vmem>> -> memref<128x128xf32, #tpu.memory_space<vmem>>
      %dma_start3A_139 = arith.constant 0 : i32
      %dma_start3A_140 = tpu.memref_slice %arg12[%add3A_110, %dma_start3A_139] : memref<10240x128xf32, #tpu.memory_space<vmem_shared>> -> memref<128x128xf32, #tpu.memory_space<vmem_shared>>
      %dma_start3A_141 = arith.constant 0 : i32
      %dma_start3A_142 = tpu.memref_slice %arg12[%add3A_110, %dma_start3A_141] : memref<10240x128xf32, #tpu.memory_space<vmem_shared>> -> memref<128x128xf32, #tpu.memory_space<vmem_shared>>
      %dma_start3A_143 = arith.constant 0 : i32
      %dma_start3A_144 = arith.constant 0 : i32
      %dma_start3A_145 = tpu.memref_slice %arg16[%run_scoped3A_111, %dma_start3A_143, %dma_start3A_144] : memref<2x128x128xf32, #tpu.memory_space<vmem>> -> memref<1x128x128xf32, #tpu.memory_space<vmem>>
      %dma_start3A_146 = tpu.memref_squeeze %dma_start3A_145 : memref<1x128x128xf32, #tpu.memory_space<vmem>> -> memref<128x128xf32, #tpu.memory_space<vmem>>
      tpu.enqueue_dma source(%dma_start3A_146 : memref<128x128xf32, #tpu.memory_space<vmem>>) target(%dma_start3A_142 : memref<128x128xf32, #tpu.memory_space<vmem_shared>>) target_semaphore(%run_scoped3A_135 : memref<!tpu.dma_semaphore, #tpu.memory_space<semaphore_mem>>)
      %dma_wait3A = arith.constant 0 : i32
      %dma_wait3A_147 = arith.constant 0 : i32
      %dma_wait3A_148 = tpu.memref_slice %arg16[%run_scoped3A_111, %dma_wait3A, %dma_wait3A_147] : memref<2x128x128xf32, #tpu.memory_space<vmem>> -> memref<1x128x128xf32, #tpu.memory_space<vmem>>
      %dma_wait3A_149 = tpu.memref_squeeze %dma_wait3A_148 : memref<1x128x128xf32, #tpu.memory_space<vmem>> -> memref<128x128xf32, #tpu.memory_space<vmem>>
      %dma_wait3A_150 = arith.constant 0 : i32
      %dma_wait3A_151 = tpu.memref_slice %arg12[%add3A_110, %dma_wait3A_150] : memref<10240x128xf32, #tpu.memory_space<vmem_shared>> -> memref<128x128xf32, #tpu.memory_space<vmem_shared>>
      %dma_wait3A_152 = arith.constant 0 : i32
      %dma_wait3A_153 = tpu.memref_slice %arg12[%add3A_110, %dma_wait3A_152] : memref<10240x128xf32, #tpu.memory_space<vmem_shared>> -> memref<128x128xf32, #tpu.memory_space<vmem_shared>>
      %dma_wait3A_154 = arith.constant 0 : i32
      %dma_wait3A_155 = arith.constant 0 : i32
      %dma_wait3A_156 = tpu.memref_slice %arg16[%run_scoped3A_111, %dma_wait3A_154, %dma_wait3A_155] : memref<2x128x128xf32, #tpu.memory_space<vmem>> -> memref<1x128x128xf32, #tpu.memory_space<vmem>>
      %dma_wait3A_157 = tpu.memref_squeeze %dma_wait3A_156 : memref<1x128x128xf32, #tpu.memory_space<vmem>> -> memref<128x128xf32, #tpu.memory_space<vmem>>
      tpu.wait_dma2 semaphore(%run_scoped3A_135 : memref<!tpu.dma_semaphore, #tpu.memory_space<semaphore_mem>>) src(%dma_wait3A_157 : memref<128x128xf32, #tpu.memory_space<vmem>>) dst(%dma_wait3A_153 : memref<128x128xf32, #tpu.memory_space<vmem_shared>>)
      tpu.yield
    }) : () -> ()
    %barrier3A_112 = arith.constant 0 : index
    tpu.barrier barrier_id(%barrier3A_112)
    %add3A_113 = arith.constant 0 : i32
    %add3A_114 = arith.addi %mul3A_5, %add3A_113 : i32
    "tpu.region"() ({
      %run_scoped3A_135 = tpu.sem_alloc : memref<!tpu.dma_semaphore, #tpu.memory_space<semaphore_mem>>
      %dma_start3A = tpu.memref_slice %arg9[%add3A_114] : memref<327680xi32, #tpu.memory_space<hbm>> -> memref<5120xi32, #tpu.memory_space<hbm>>
      %dma_start3A_136 = tpu.memref_slice %arg9[%add3A_114] : memref<327680xi32, #tpu.memory_space<hbm>> -> memref<5120xi32, #tpu.memory_space<hbm>>
      tpu.enqueue_dma source(%dma_start3A_136 : memref<5120xi32, #tpu.memory_space<hbm>>) target(%arg13 : memref<5120xi32, #tpu.memory_space<vmem>>) target_semaphore(%run_scoped3A_135 : memref<!tpu.dma_semaphore, #tpu.memory_space<semaphore_mem>>)
      %dma_wait3A = tpu.memref_slice %arg9[%add3A_114] : memref<327680xi32, #tpu.memory_space<hbm>> -> memref<5120xi32, #tpu.memory_space<hbm>>
      %dma_wait3A_137 = tpu.memref_slice %arg9[%add3A_114] : memref<327680xi32, #tpu.memory_space<hbm>> -> memref<5120xi32, #tpu.memory_space<hbm>>
      tpu.wait_dma2 semaphore(%run_scoped3A_135 : memref<!tpu.dma_semaphore, #tpu.memory_space<semaphore_mem>>) src(%dma_wait3A_137 : memref<5120xi32, #tpu.memory_space<hbm>>) dst(%arg13 : memref<5120xi32, #tpu.memory_space<vmem>>)
      tpu.yield
    }) : () -> ()
    %scan3A_115 = arith.constant 0 : i32
    %scan3A_116 = arith.constant 0 : i32
    %scan3A_117 = arith.constant 40 : i32
    %scan3A_118 = arith.addi %scan3A_116, %scan3A_117 : i32
    %scan3A_119 = arith.constant 1 : i32
    scf.for %scan3A_135 = %scan3A_116 to %scan3A_118 step %scan3A_119  : i32 {
      %add3A_136 = arith.constant 0 : i32
      %add3A_137 = arith.addi %add3A_136, %scan3A_135 : i32
      %mul3A_138 = arith.constant 128 : i32
      %mul3A_139 = arith.muli %add3A_137, %mul3A_138 : i32
      %add3A_140 = arith.addi %mul3A_5, %mul3A_139 : i32
      "tpu.region"() ({
        %run_scoped3A_145 = tpu.sem_alloc : memref<!tpu.dma_semaphore, #tpu.memory_space<semaphore_mem>>
        %dma_start3A = tpu.memref_slice %arg10[%add3A_140] : memref<327680xi32, #tpu.memory_space<hbm>> -> memref<128xi32, #tpu.memory_space<hbm>>
        %dma_start3A_146 = tpu.memref_slice %arg10[%add3A_140] : memref<327680xi32, #tpu.memory_space<hbm>> -> memref<128xi32, #tpu.memory_space<hbm>>
        tpu.enqueue_dma source(%dma_start3A_146 : memref<128xi32, #tpu.memory_space<hbm>>) target(%arg14 : memref<128xi32, #tpu.memory_space<vmem>>) target_semaphore(%run_scoped3A_145 : memref<!tpu.dma_semaphore, #tpu.memory_space<semaphore_mem>>)
        %dma_wait3A = tpu.memref_slice %arg10[%add3A_140] : memref<327680xi32, #tpu.memory_space<hbm>> -> memref<128xi32, #tpu.memory_space<hbm>>
        %dma_wait3A_147 = tpu.memref_slice %arg10[%add3A_140] : memref<327680xi32, #tpu.memory_space<hbm>> -> memref<128xi32, #tpu.memory_space<hbm>>
        tpu.wait_dma2 semaphore(%run_scoped3A_145 : memref<!tpu.dma_semaphore, #tpu.memory_space<semaphore_mem>>) src(%dma_wait3A_147 : memref<128xi32, #tpu.memory_space<hbm>>) dst(%arg14 : memref<128xi32, #tpu.memory_space<vmem>>)
        tpu.yield
      }) : () -> ()
      %mul3A_141 = arith.constant 128 : i32
      %mul3A_142 = arith.muli %scan3A_135, %mul3A_141 : i32
      %run_scoped3A_143 = arith.constant 0 : i32
      "tpu.region"() ({
        %run_scoped3A_145 = tpu.sem_alloc : memref<!tpu.dma_semaphore, #tpu.memory_space<semaphore_mem>>
        %dma_start3A = arith.constant 0 : i32
        %dma_start3A_146 = arith.constant 0 : i32
        %dma_start3A_147 = tpu.memref_slice %arg16[%run_scoped3A_143, %dma_start3A, %dma_start3A_146] : memref<2x128x128xf32, #tpu.memory_space<vmem>> -> memref<1x128x128xf32, #tpu.memory_space<vmem>>
        %dma_start3A_148 = tpu.memref_squeeze %dma_start3A_147 : memref<1x128x128xf32, #tpu.memory_space<vmem>> -> memref<128x128xf32, #tpu.memory_space<vmem>>
        %dma_start3A_149 = tpu.memref_slice %arg13[%mul3A_142] : memref<5120xi32, #tpu.memory_space<vmem>> -> memref<128xi32, #tpu.memory_space<vmem>>
        %dma_start3A_150 = arith.constant 0 : i32
        %dma_start3A_151 = arith.constant 0 : i32
        %dma_start3A_152 = tpu.memref_slice %arg4[%dma_start3A_150, %dma_start3A_151] : memref<10000x128xf32, #tpu.memory_space<hbm>> -> memref<10000x128xf32, #tpu.memory_space<hbm>>
        tpu.enqueue_indirect_dma source(%dma_start3A_152 : memref<10000x128xf32, #tpu.memory_space<hbm>>) target(%dma_start3A_148 : memref<128x128xf32, #tpu.memory_space<vmem>>) offsets(%dma_start3A_149 : memref<128xi32, #tpu.memory_space<vmem>>) semaphore(%run_scoped3A_145 : memref<!tpu.dma_semaphore, #tpu.memory_space<semaphore_mem>>)
        %dma_wait3A = arith.constant 0 : i32
        %dma_wait3A_153 = arith.constant 0 : i32
        %dma_wait3A_154 = tpu.memref_slice %arg16[%run_scoped3A_143, %dma_wait3A, %dma_wait3A_153] : memref<2x128x128xf32, #tpu.memory_space<vmem>> -> memref<1x128x128xf32, #tpu.memory_space<vmem>>
        %dma_wait3A_155 = tpu.memref_squeeze %dma_wait3A_154 : memref<1x128x128xf32, #tpu.memory_space<vmem>> -> memref<128x128xf32, #tpu.memory_space<vmem>>
        %dma_wait3A_156 = tpu.memref_slice %arg13[%mul3A_142] : memref<5120xi32, #tpu.memory_space<vmem>> -> memref<128xi32, #tpu.memory_space<vmem>>
        %dma_wait3A_157 = arith.constant 0 : i32
        %dma_wait3A_158 = arith.constant 0 : i32
        %dma_wait3A_159 = tpu.memref_slice %arg4[%dma_wait3A_157, %dma_wait3A_158] : memref<10000x128xf32, #tpu.memory_space<hbm>> -> memref<10000x128xf32, #tpu.memory_space<hbm>>
        tpu.wait_indirect_dma semaphore(%run_scoped3A_145 : memref<!tpu.dma_semaphore, #tpu.memory_space<semaphore_mem>>) src(%dma_wait3A_159 : memref<10000x128xf32, #tpu.memory_space<hbm>>) dst(%dma_wait3A_155 : memref<128x128xf32, #tpu.memory_space<vmem>>)
        tpu.yield
      }) : () -> ()
      %run_scoped3A_144 = arith.constant 0 : i32
      "tpu.region"() ({
        %run_scoped3A_145 = tpu.sem_alloc : memref<!tpu.dma_semaphore, #tpu.memory_space<semaphore_mem>>
        %dma_start3A = arith.constant 0 : i32
        %dma_start3A_146 = arith.constant 0 : i32
        %dma_start3A_147 = tpu.memref_slice %arg16[%run_scoped3A_144, %dma_start3A, %dma_start3A_146] : memref<2x128x128xf32, #tpu.memory_space<vmem>> -> memref<1x128x128xf32, #tpu.memory_space<vmem>>
        %dma_start3A_148 = tpu.memref_squeeze %dma_start3A_147 : memref<1x128x128xf32, #tpu.memory_space<vmem>> -> memref<128x128xf32, #tpu.memory_space<vmem>>
        %dma_start3A_149 = arith.constant 0 : i32
        %dma_start3A_150 = arith.constant 0 : i32
        %dma_start3A_151 = tpu.memref_slice %arg12[%dma_start3A_149, %dma_start3A_150] : memref<10240x128xf32, #tpu.memory_space<vmem_shared>> -> memref<10240x128xf32, #tpu.memory_space<vmem_shared>>
        tpu.enqueue_indirect_dma source(%dma_start3A_148 : memref<128x128xf32, #tpu.memory_space<vmem>>) target(%dma_start3A_151 : memref<10240x128xf32, #tpu.memory_space<vmem_shared>>) offsets(%arg14 : memref<128xi32, #tpu.memory_space<vmem>>) semaphore(%run_scoped3A_145 : memref<!tpu.dma_semaphore, #tpu.memory_space<semaphore_mem>>) {add = true}
        %dma_wait3A = arith.constant 0 : i32
        %dma_wait3A_152 = arith.constant 0 : i32
        %dma_wait3A_153 = tpu.memref_slice %arg16[%run_scoped3A_144, %dma_wait3A, %dma_wait3A_152] : memref<2x128x128xf32, #tpu.memory_space<vmem>> -> memref<1x128x128xf32, #tpu.memory_space<vmem>>
        %dma_wait3A_154 = tpu.memref_squeeze %dma_wait3A_153 : memref<1x128x128xf32, #tpu.memory_space<vmem>> -> memref<128x128xf32, #tpu.memory_space<vmem>>
        %dma_wait3A_155 = arith.constant 0 : i32
        %dma_wait3A_156 = arith.constant 0 : i32
        %dma_wait3A_157 = tpu.memref_slice %arg12[%dma_wait3A_155, %dma_wait3A_156] : memref<10240x128xf32, #tpu.memory_space<vmem_shared>> -> memref<10240x128xf32, #tpu.memory_space<vmem_shared>>
        tpu.wait_indirect_dma semaphore(%run_scoped3A_145 : memref<!tpu.dma_semaphore, #tpu.memory_space<semaphore_mem>>) src(%dma_wait3A_154 : memref<128x128xf32, #tpu.memory_space<vmem>>) dst(%dma_wait3A_157 : memref<10240x128xf32, #tpu.memory_space<vmem_shared>>)
        tpu.yield
      }) : () -> ()
    }
    %scan3A_120 = arith.constant 40 : i32
    %add3A_121 = arith.constant 5120 : i32
    %add3A_122 = arith.addi %mul3A_5, %add3A_121 : i32
    "tpu.region"() ({
      %run_scoped3A_135 = tpu.sem_alloc : memref<!tpu.dma_semaphore, #tpu.memory_space<semaphore_mem>>
      %dma_start3A = tpu.memref_slice %arg9[%add3A_122] : memref<327680xi32, #tpu.memory_space<hbm>> -> memref<5120xi32, #tpu.memory_space<hbm>>
      %dma_start3A_136 = tpu.memref_slice %arg9[%add3A_122] : memref<327680xi32, #tpu.memory_space<hbm>> -> memref<5120xi32, #tpu.memory_space<hbm>>
      tpu.enqueue_dma source(%dma_start3A_136 : memref<5120xi32, #tpu.memory_space<hbm>>) target(%arg13 : memref<5120xi32, #tpu.memory_space<vmem>>) target_semaphore(%run_scoped3A_135 : memref<!tpu.dma_semaphore, #tpu.memory_space<semaphore_mem>>)
      %dma_wait3A = tpu.memref_slice %arg9[%add3A_122] : memref<327680xi32, #tpu.memory_space<hbm>> -> memref<5120xi32, #tpu.memory_space<hbm>>
      %dma_wait3A_137 = tpu.memref_slice %arg9[%add3A_122] : memref<327680xi32, #tpu.memory_space<hbm>> -> memref<5120xi32, #tpu.memory_space<hbm>>
      tpu.wait_dma2 semaphore(%run_scoped3A_135 : memref<!tpu.dma_semaphore, #tpu.memory_space<semaphore_mem>>) src(%dma_wait3A_137 : memref<5120xi32, #tpu.memory_space<hbm>>) dst(%arg13 : memref<5120xi32, #tpu.memory_space<vmem>>)
      tpu.yield
    }) : () -> ()
    %scan3A_123 = arith.constant 0 : i32
    %scan3A_124 = arith.constant 0 : i32
    %scan3A_125 = arith.constant 40 : i32
    %scan3A_126 = arith.addi %scan3A_124, %scan3A_125 : i32
    %scan3A_127 = arith.constant 1 : i32
    scf.for %scan3A_135 = %scan3A_124 to %scan3A_126 step %scan3A_127  : i32 {
      %add3A_136 = arith.constant 40 : i32
      %add3A_137 = arith.addi %add3A_136, %scan3A_135 : i32
      %mul3A_138 = arith.constant 128 : i32
      %mul3A_139 = arith.muli %add3A_137, %mul3A_138 : i32
      %add3A_140 = arith.addi %mul3A_5, %mul3A_139 : i32
      "tpu.region"() ({
        %run_scoped3A_145 = tpu.sem_alloc : memref<!tpu.dma_semaphore, #tpu.memory_space<semaphore_mem>>
        %dma_start3A = tpu.memref_slice %arg10[%add3A_140] : memref<327680xi32, #tpu.memory_space<hbm>> -> memref<128xi32, #tpu.memory_space<hbm>>
        %dma_start3A_146 = tpu.memref_slice %arg10[%add3A_140] : memref<327680xi32, #tpu.memory_space<hbm>> -> memref<128xi32, #tpu.memory_space<hbm>>
        tpu.enqueue_dma source(%dma_start3A_146 : memref<128xi32, #tpu.memory_space<hbm>>) target(%arg14 : memref<128xi32, #tpu.memory_space<vmem>>) target_semaphore(%run_scoped3A_145 : memref<!tpu.dma_semaphore, #tpu.memory_space<semaphore_mem>>)
        %dma_wait3A = tpu.memref_slice %arg10[%add3A_140] : memref<327680xi32, #tpu.memory_space<hbm>> -> memref<128xi32, #tpu.memory_space<hbm>>
        %dma_wait3A_147 = tpu.memref_slice %arg10[%add3A_140] : memref<327680xi32, #tpu.memory_space<hbm>> -> memref<128xi32, #tpu.memory_space<hbm>>
        tpu.wait_dma2 semaphore(%run_scoped3A_145 : memref<!tpu.dma_semaphore, #tpu.memory_space<semaphore_mem>>) src(%dma_wait3A_147 : memref<128xi32, #tpu.memory_space<hbm>>) dst(%arg14 : memref<128xi32, #tpu.memory_space<vmem>>)
        tpu.yield
      }) : () -> ()
      %mul3A_141 = arith.constant 128 : i32
      %mul3A_142 = arith.muli %scan3A_135, %mul3A_141 : i32
      %run_scoped3A_143 = arith.constant 0 : i32
      "tpu.region"() ({
        %run_scoped3A_145 = tpu.sem_alloc : memref<!tpu.dma_semaphore, #tpu.memory_space<semaphore_mem>>
        %dma_start3A = arith.constant 0 : i32
        %dma_start3A_146 = arith.constant 0 : i32
        %dma_start3A_147 = tpu.memref_slice %arg16[%run_scoped3A_143, %dma_start3A, %dma_start3A_146] : memref<2x128x128xf32, #tpu.memory_space<vmem>> -> memref<1x128x128xf32, #tpu.memory_space<vmem>>
        %dma_start3A_148 = tpu.memref_squeeze %dma_start3A_147 : memref<1x128x128xf32, #tpu.memory_space<vmem>> -> memref<128x128xf32, #tpu.memory_space<vmem>>
        %dma_start3A_149 = tpu.memref_slice %arg13[%mul3A_142] : memref<5120xi32, #tpu.memory_space<vmem>> -> memref<128xi32, #tpu.memory_space<vmem>>
        %dma_start3A_150 = arith.constant 0 : i32
        %dma_start3A_151 = arith.constant 0 : i32
        %dma_start3A_152 = tpu.memref_slice %arg4[%dma_start3A_150, %dma_start3A_151] : memref<10000x128xf32, #tpu.memory_space<hbm>> -> memref<10000x128xf32, #tpu.memory_space<hbm>>
        tpu.enqueue_indirect_dma source(%dma_start3A_152 : memref<10000x128xf32, #tpu.memory_space<hbm>>) target(%dma_start3A_148 : memref<128x128xf32, #tpu.memory_space<vmem>>) offsets(%dma_start3A_149 : memref<128xi32, #tpu.memory_space<vmem>>) semaphore(%run_scoped3A_145 : memref<!tpu.dma_semaphore, #tpu.memory_space<semaphore_mem>>)
        %dma_wait3A = arith.constant 0 : i32
        %dma_wait3A_153 = arith.constant 0 : i32
        %dma_wait3A_154 = tpu.memref_slice %arg16[%run_scoped3A_143, %dma_wait3A, %dma_wait3A_153] : memref<2x128x128xf32, #tpu.memory_space<vmem>> -> memref<1x128x128xf32, #tpu.memory_space<vmem>>
        %dma_wait3A_155 = tpu.memref_squeeze %dma_wait3A_154 : memref<1x128x128xf32, #tpu.memory_space<vmem>> -> memref<128x128xf32, #tpu.memory_space<vmem>>
        %dma_wait3A_156 = tpu.memref_slice %arg13[%mul3A_142] : memref<5120xi32, #tpu.memory_space<vmem>> -> memref<128xi32, #tpu.memory_space<vmem>>
        %dma_wait3A_157 = arith.constant 0 : i32
        %dma_wait3A_158 = arith.constant 0 : i32
        %dma_wait3A_159 = tpu.memref_slice %arg4[%dma_wait3A_157, %dma_wait3A_158] : memref<10000x128xf32, #tpu.memory_space<hbm>> -> memref<10000x128xf32, #tpu.memory_space<hbm>>
        tpu.wait_indirect_dma semaphore(%run_scoped3A_145 : memref<!tpu.dma_semaphore, #tpu.memory_space<semaphore_mem>>) src(%dma_wait3A_159 : memref<10000x128xf32, #tpu.memory_space<hbm>>) dst(%dma_wait3A_155 : memref<128x128xf32, #tpu.memory_space<vmem>>)
        tpu.yield
      }) : () -> ()
      %run_scoped3A_144 = arith.constant 0 : i32
      "tpu.region"() ({
        %run_scoped3A_145 = tpu.sem_alloc : memref<!tpu.dma_semaphore, #tpu.memory_space<semaphore_mem>>
        %dma_start3A = arith.constant 0 : i32
        %dma_start3A_146 = arith.constant 0 : i32
        %dma_start3A_147 = tpu.memref_slice %arg16[%run_scoped3A_144, %dma_start3A, %dma_start3A_146] : memref<2x128x128xf32, #tpu.memory_space<vmem>> -> memref<1x128x128xf32, #tpu.memory_space<vmem>>
        %dma_start3A_148 = tpu.memref_squeeze %dma_start3A_147 : memref<1x128x128xf32, #tpu.memory_space<vmem>> -> memref<128x128xf32, #tpu.memory_space<vmem>>
        %dma_start3A_149 = arith.constant 0 : i32
        %dma_start3A_150 = arith.constant 0 : i32
        %dma_start3A_151 = tpu.memref_slice %arg12[%dma_start3A_149, %dma_start3A_150] : memref<10240x128xf32, #tpu.memory_space<vmem_shared>> -> memref<10240x128xf32, #tpu.memory_space<vmem_shared>>
        tpu.enqueue_indirect_dma source(%dma_start3A_148 : memref<128x128xf32, #tpu.memory_space<vmem>>) target(%dma_start3A_151 : memref<10240x128xf32, #tpu.memory_space<vmem_shared>>) offsets(%arg14 : memref<128xi32, #tpu.memory_space<vmem>>) semaphore(%run_scoped3A_145 : memref<!tpu.dma_semaphore, #tpu.memory_space<semaphore_mem>>) {add = true}
        %dma_wait3A = arith.constant 0 : i32
        %dma_wait3A_152 = arith.constant 0 : i32
        %dma_wait3A_153 = tpu.memref_slice %arg16[%run_scoped3A_144, %dma_wait3A, %dma_wait3A_152] : memref<2x128x128xf32, #tpu.memory_space<vmem>> -> memref<1x128x128xf32, #tpu.memory_space<vmem>>
        %dma_wait3A_154 = tpu.memref_squeeze %dma_wait3A_153 : memref<1x128x128xf32, #tpu.memory_space<vmem>> -> memref<128x128xf32, #tpu.memory_space<vmem>>
        %dma_wait3A_155 = arith.constant 0 : i32
        %dma_wait3A_156 = arith.constant 0 : i32
        %dma_wait3A_157 = tpu.memref_slice %arg12[%dma_wait3A_155, %dma_wait3A_156] : memref<10240x128xf32, #tpu.memory_space<vmem_shared>> -> memref<10240x128xf32, #tpu.memory_space<vmem_shared>>
        tpu.wait_indirect_dma semaphore(%run_scoped3A_145 : memref<!tpu.dma_semaphore, #tpu.memory_space<semaphore_mem>>) src(%dma_wait3A_154 : memref<128x128xf32, #tpu.memory_space<vmem>>) dst(%dma_wait3A_157 : memref<10240x128xf32, #tpu.memory_space<vmem_shared>>)
        tpu.yield
      }) : () -> ()
    }
    %scan3A_128 = arith.constant 40 : i32
    %barrier3A_129 = arith.constant 0 : index
    tpu.barrier barrier_id(%barrier3A_129)
    %add3A_130 = arith.constant 4 : i32
    %add3A_131 = arith.addi %add3A_130, %arg0 : i32
    %mul3A_132 = arith.constant 10240 : i32
    %mul3A_133 = arith.muli %add3A_131, %mul3A_132 : i32
    %add3A_134 = arith.addi %mul3A_133, %mul3A_1 : i32
    "tpu.region"() ({
      %run_scoped3A_135 = tpu.sem_alloc : memref<!tpu.dma_semaphore, #tpu.memory_space<semaphore_mem>>
      %dma_start3A = arith.constant 0 : i32
      %dma_start3A_136 = tpu.memref_slice %arg11[%add3A_134, %dma_start3A] : memref<61440x128xf32, #tpu.memory_space<hbm>> -> memref<640x128xf32, #tpu.memory_space<hbm>>
      %dma_start3A_137 = arith.constant 0 : i32
      %dma_start3A_138 = tpu.memref_slice %arg12[%mul3A_1, %dma_start3A_137] : memref<10240x128xf32, #tpu.memory_space<vmem_shared>> -> memref<640x128xf32, #tpu.memory_space<vmem_shared>>
      tpu.enqueue_dma source(%dma_start3A_138 : memref<640x128xf32, #tpu.memory_space<vmem_shared>>) target(%dma_start3A_136 : memref<640x128xf32, #tpu.memory_space<hbm>>) target_semaphore(%run_scoped3A_135 : memref<!tpu.dma_semaphore, #tpu.memory_space<semaphore_mem>>)
      %dma_wait3A = arith.constant 0 : i32
      %dma_wait3A_139 = tpu.memref_slice %arg11[%add3A_134, %dma_wait3A] : memref<61440x128xf32, #tpu.memory_space<hbm>> -> memref<640x128xf32, #tpu.memory_space<hbm>>
      %dma_wait3A_140 = arith.constant 0 : i32
      %dma_wait3A_141 = tpu.memref_slice %arg12[%mul3A_1, %dma_wait3A_140] : memref<10240x128xf32, #tpu.memory_space<vmem_shared>> -> memref<640x128xf32, #tpu.memory_space<vmem_shared>>
      tpu.wait_dma2 semaphore(%run_scoped3A_135 : memref<!tpu.dma_semaphore, #tpu.memory_space<semaphore_mem>>) src(%dma_wait3A_141 : memref<640x128xf32, #tpu.memory_space<vmem_shared>>) dst(%dma_wait3A_139 : memref<640x128xf32, #tpu.memory_space<hbm>>)
      tpu.yield
    }) : () -> ()
    return
  }
}

module attributes {stable_mosaic.version = 14 : i64} {
  func.func @_scale_body(%arg0: i32, %arg1: memref<1000x128xf32, #tpu.memory_space<vmem>>, %arg2: memref<1000x128xf32, #tpu.memory_space<vmem>>, %arg3: memref<1000x1xf32, #tpu.memory_space<vmem>>, %arg4: memref<1000x1xf32, #tpu.memory_space<vmem>>, %arg5: memref<1000x128xf32, #tpu.memory_space<vmem>>, %arg6: memref<1000x128xf32, #tpu.memory_space<vmem>>) attributes {dimension_semantics = [#tpu.dimension_semantics<arbitrary>], iteration_bounds = array<i64: 10>, scalar_prefetch = 0 : i64, scratch_operands = 0 : i64, tpu.core_type = #tpu.core_type<tc>, window_params = [{transform_indices = @transform_0, window_bounds = array<i64: 1000, 128>}, {transform_indices = @transform_1, window_bounds = array<i64: 1000, 128>}, {transform_indices = @transform_2, window_bounds = array<i64: 1000, 1>}, {transform_indices = @transform_3, window_bounds = array<i64: 1000, 1>}, {transform_indices = @transform_4, window_bounds = array<i64: 1000, 128>}, {transform_indices = @transform_5, window_bounds = array<i64: 1000, 128>}]} {
    %get3A = arith.constant 0 : index
    %get3A_0 = arith.constant 0 : index
    %get3A_1 = vector.load %arg1[%get3A, %get3A_0] : memref<1000x128xf32, #tpu.memory_space<vmem>>, vector<1000x128xf32>
    %get3A_2 = arith.constant 0 : index
    %get3A_3 = arith.constant 0 : index
    %get3A_4 = vector.load %arg3[%get3A_2, %get3A_3] : memref<1000x1xf32, #tpu.memory_space<vmem>>, vector<1000x1xf32>
    %rsqrt3A = math.rsqrt %get3A_4 : vector<1000x1xf32>
    %mul3A = vector.broadcast %rsqrt3A : vector<1000x1xf32> to vector<1000x128xf32>
    %mul3A_5 = arith.mulf %get3A_1, %mul3A : vector<1000x128xf32>
    %swap3A = arith.constant 0 : index
    %swap3A_6 = arith.constant 0 : index
    %swap3A_7 = vector.load %arg5[%swap3A, %swap3A_6] : memref<1000x128xf32, #tpu.memory_space<vmem>>, vector<1000x128xf32>
    tpu.vector_store %arg5[%swap3A, %swap3A_6], %mul3A_5 {strides = array<i32>} : memref<1000x128xf32, #tpu.memory_space<vmem>>, vector<1000x128xf32>,
    %get3A_8 = arith.constant 0 : index
    %get3A_9 = arith.constant 0 : index
    %get3A_10 = vector.load %arg2[%get3A_8, %get3A_9] : memref<1000x128xf32, #tpu.memory_space<vmem>>, vector<1000x128xf32>
    %get3A_11 = arith.constant 0 : index
    %get3A_12 = arith.constant 0 : index
    %get3A_13 = vector.load %arg4[%get3A_11, %get3A_12] : memref<1000x1xf32, #tpu.memory_space<vmem>>, vector<1000x1xf32>
    %rsqrt3A_14 = math.rsqrt %get3A_13 : vector<1000x1xf32>
    %mul3A_15 = vector.broadcast %rsqrt3A_14 : vector<1000x1xf32> to vector<1000x128xf32>
    %mul3A_16 = arith.mulf %get3A_10, %mul3A_15 : vector<1000x128xf32>
    %swap3A_17 = arith.constant 0 : index
    %swap3A_18 = arith.constant 0 : index
    %swap3A_19 = vector.load %arg6[%swap3A_17, %swap3A_18] : memref<1000x128xf32, #tpu.memory_space<vmem>>, vector<1000x128xf32>
    tpu.vector_store %arg6[%swap3A_17, %swap3A_18], %mul3A_16 {strides = array<i32>} : memref<1000x128xf32, #tpu.memory_space<vmem>>, vector<1000x128xf32>,
    return
  }
  func.func @transform_0(%arg0: i32) -> (i32, i32) {
    %c0_i32 = arith.constant 0 : i32
    %c0_i32_0 = arith.constant 0 : i32
    return %arg0, %c0_i32 : i32, i32
  }
  func.func @transform_1(%arg0: i32) -> (i32, i32) {
    %c0_i32 = arith.constant 0 : i32
    %c0_i32_0 = arith.constant 0 : i32
    return %arg0, %c0_i32 : i32, i32
  }
  func.func @transform_2(%arg0: i32) -> (i32, i32) {
    %c0_i32 = arith.constant 0 : i32
    %c0_i32_0 = arith.constant 0 : i32
    return %arg0, %c0_i32 : i32, i32
  }
  func.func @transform_3(%arg0: i32) -> (i32, i32) {
    %c0_i32 = arith.constant 0 : i32
    %c0_i32_0 = arith.constant 0 : i32
    return %arg0, %c0_i32 : i32, i32
  }
  func.func @transform_4(%arg0: i32) -> (i32, i32) {
    %c0_i32 = arith.constant 0 : i32
    %c0_i32_0 = arith.constant 0 : i32
    return %arg0, %c0_i32 : i32, i32
  }
  func.func @transform_5(%arg0: i32) -> (i32, i32) {
    %c0_i32 = arith.constant 0 : i32
    %c0_i32_0 = arith.constant 0 : i32
    return %arg0, %c0_i32 : i32, i32
  }
}

module attributes {stable_mosaic.version = 14 : i64} {
  func.func @_final_body(%arg0: i32, %arg1: memref<3x2x1000x128xf32, #tpu.memory_space<vmem>>, %arg2: memref<1000x128xf32, #tpu.memory_space<vmem>>, %arg3: memref<1000x128xf32, #tpu.memory_space<vmem>>, %arg4: memref<1000x1xf32, #tpu.memory_space<vmem>>, %arg5: memref<1000x1xf32, #tpu.memory_space<vmem>>, %arg6: memref<1000x1xf32, #tpu.memory_space<vmem>>, %arg7: memref<128x128xf32, #tpu.memory_space<vmem>>, %arg8: memref<128x128xf32, #tpu.memory_space<vmem>>, %arg9: memref<128x128xf32, #tpu.memory_space<vmem>>, %arg10: memref<128x128xf32, #tpu.memory_space<vmem>>, %arg11: memref<1x128xf32, #tpu.memory_space<vmem>>, %arg12: memref<1x128xf32, #tpu.memory_space<vmem>>, %arg13: memref<1x128xf32, #tpu.memory_space<vmem>>, %arg14: memref<1000x128xf32, #tpu.memory_space<vmem>>, %arg15: memref<1000x128xf32, #tpu.memory_space<vmem>>) attributes {dimension_semantics = [#tpu.dimension_semantics<arbitrary>], iteration_bounds = array<i64: 10>, scalar_prefetch = 0 : i64, scratch_operands = 0 : i64, tpu.core_type = #tpu.core_type<tc>, window_params = [{transform_indices = @transform_0, window_bounds = array<i64: 3, 2, 1000, 128>}, {transform_indices = @transform_1, window_bounds = array<i64: 1000, 128>}, {transform_indices = @transform_2, window_bounds = array<i64: 1000, 128>}, {transform_indices = @transform_3, window_bounds = array<i64: 1000, 1>}, {transform_indices = @transform_4, window_bounds = array<i64: 1000, 1>}, {transform_indices = @transform_5, window_bounds = array<i64: 1000, 1>}, {pipeline_mode = #tpu.pipeline_mode<synchronous>, transform_indices = @transform_6, window_bounds = array<i64: 128, 128>}, {pipeline_mode = #tpu.pipeline_mode<synchronous>, transform_indices = @transform_7, window_bounds = array<i64: 128, 128>}, {pipeline_mode = #tpu.pipeline_mode<synchronous>, transform_indices = @transform_8, window_bounds = array<i64: 128, 128>}, {pipeline_mode = #tpu.pipeline_mode<synchronous>, transform_indices = @transform_9, window_bounds = array<i64: 128, 128>}, {pipeline_mode = #tpu.pipeline_mode<synchronous>, transform_indices = @transform_10, window_bounds = array<i64: 1, 128>}, {pipeline_mode = #tpu.pipeline_mode<synchronous>, transform_indices = @transform_11, window_bounds = array<i64: 1, 128>}, {pipeline_mode = #tpu.pipeline_mode<synchronous>, transform_indices = @transform_12, window_bounds = array<i64: 1, 128>}, {transform_indices = @transform_13, window_bounds = array<i64: 1000, 128>}, {transform_indices = @transform_14, window_bounds = array<i64: 1000, 128>}]} {
    %get3A = arith.constant 0 : index
    %get3A_0 = arith.constant 0 : index
    %get3A_1 = arith.constant 0 : index
    %get3A_2 = arith.constant 0 : index
    %get3A_3 = vector.load %arg1[%get3A, %get3A_0, %get3A_1, %get3A_2] : memref<3x2x1000x128xf32, #tpu.memory_space<vmem>>, vector<1x1x1000x128xf32>
    %get3A_4 = vector.shape_cast %get3A_3 : vector<1x1x1000x128xf32> to vector<1000x128xf32>
    %get3A_5 = arith.constant 0 : index
    %get3A_6 = arith.constant 1 : index
    %get3A_7 = arith.constant 0 : index
    %get3A_8 = arith.constant 0 : index
    %get3A_9 = vector.load %arg1[%get3A_5, %get3A_6, %get3A_7, %get3A_8] : memref<3x2x1000x128xf32, #tpu.memory_space<vmem>>, vector<1x1x1000x128xf32>
    %get3A_10 = vector.shape_cast %get3A_9 : vector<1x1x1000x128xf32> to vector<1000x128xf32>
    %add3A = arith.addf %get3A_4, %get3A_10 : vector<1000x128xf32>
    %get3A_11 = arith.constant 1 : index
    %get3A_12 = arith.constant 0 : index
    %get3A_13 = arith.constant 0 : index
    %get3A_14 = arith.constant 0 : index
    %get3A_15 = vector.load %arg1[%get3A_11, %get3A_12, %get3A_13, %get3A_14] : memref<3x2x1000x128xf32, #tpu.memory_space<vmem>>, vector<1x1x1000x128xf32>
    %get3A_16 = vector.shape_cast %get3A_15 : vector<1x1x1000x128xf32> to vector<1000x128xf32>
    %get3A_17 = arith.constant 1 : index
    %get3A_18 = arith.constant 1 : index
    %get3A_19 = arith.constant 0 : index
    %get3A_20 = arith.constant 0 : index
    %get3A_21 = vector.load %arg1[%get3A_17, %get3A_18, %get3A_19, %get3A_20] : memref<3x2x1000x128xf32, #tpu.memory_space<vmem>>, vector<1x1x1000x128xf32>
    %get3A_22 = vector.shape_cast %get3A_21 : vector<1x1x1000x128xf32> to vector<1000x128xf32>
    %add3A_23 = arith.addf %get3A_16, %get3A_22 : vector<1000x128xf32>
    %get3A_24 = arith.constant 2 : index
    %get3A_25 = arith.constant 0 : index
    %get3A_26 = arith.constant 0 : index
    %get3A_27 = arith.constant 0 : index
    %get3A_28 = vector.load %arg1[%get3A_24, %get3A_25, %get3A_26, %get3A_27] : memref<3x2x1000x128xf32, #tpu.memory_space<vmem>>, vector<1x1x1000x128xf32>
    %get3A_29 = vector.shape_cast %get3A_28 : vector<1x1x1000x128xf32> to vector<1000x128xf32>
    %get3A_30 = arith.constant 2 : index
    %get3A_31 = arith.constant 1 : index
    %get3A_32 = arith.constant 0 : index
    %get3A_33 = arith.constant 0 : index
    %get3A_34 = vector.load %arg1[%get3A_30, %get3A_31, %get3A_32, %get3A_33] : memref<3x2x1000x128xf32, #tpu.memory_space<vmem>>, vector<1x1x1000x128xf32>
    %get3A_35 = vector.shape_cast %get3A_34 : vector<1x1x1000x128xf32> to vector<1000x128xf32>
    %add3A_36 = arith.addf %get3A_29, %get3A_35 : vector<1000x128xf32>
    %get3A_37 = arith.constant 0 : index
    %get3A_38 = arith.constant 0 : index
    %get3A_39 = vector.load %arg4[%get3A_37, %get3A_38] : memref<1000x1xf32, #tpu.memory_space<vmem>>, vector<1000x1xf32>
    %rsqrt3A = math.rsqrt %get3A_39 : vector<1000x1xf32>
    %get3A_40 = arith.constant 0 : index
    %get3A_41 = arith.constant 0 : index
    %get3A_42 = vector.load %arg5[%get3A_40, %get3A_41] : memref<1000x1xf32, #tpu.memory_space<vmem>>, vector<1000x1xf32>
    %rsqrt3A_43 = math.rsqrt %get3A_42 : vector<1000x1xf32>
    %get3A_44 = arith.constant 0 : index
    %get3A_45 = arith.constant 0 : index
    %get3A_46 = vector.load %arg2[%get3A_44, %get3A_45] : memref<1000x128xf32, #tpu.memory_space<vmem>>, vector<1000x128xf32>
    %get3A_47 = arith.constant 0 : index
    %get3A_48 = arith.constant 0 : index
    %get3A_49 = vector.load %arg3[%get3A_47, %get3A_48] : memref<1000x128xf32, #tpu.memory_space<vmem>>, vector<1000x128xf32>
    %mul3A = vector.broadcast %rsqrt3A : vector<1000x1xf32> to vector<1000x128xf32>
    %mul3A_50 = arith.mulf %mul3A, %get3A_46 : vector<1000x128xf32>
    %add3A_51 = arith.addf %add3A, %mul3A_50 : vector<1000x128xf32>
    %mul3A_52 = vector.broadcast %rsqrt3A : vector<1000x1xf32> to vector<1000x128xf32>
    %mul3A_53 = arith.mulf %mul3A_52, %add3A_51 : vector<1000x128xf32>
    %get3A_54 = arith.constant 0 : index
    %get3A_55 = arith.constant 0 : index
    %get3A_56 = vector.load %arg7[%get3A_54, %get3A_55] : memref<128x128xf32, #tpu.memory_space<vmem>>, vector<128x128xf32>
    %dot_general3A = arith.constant dense<0.000000e+00> : vector<1000x128xf32>
    %dot_general3A_57 = tpu.matmul %mul3A_53, %get3A_56, %dot_general3A {dimension_numbers = #tpu.dot_dimension_numbers<[1], [0], [0], [1], [0, 0, 1, 1], [], []>, transpose_lhs_hint = false} : vector<1000x128xf32>, vector<128x128xf32>, vector<1000x128xf32> -> vector<1000x128xf32>
    %get3A_58 = arith.constant 0 : index
    %get3A_59 = arith.constant 0 : index
    %get3A_60 = vector.load %arg11[%get3A_58, %get3A_59] : memref<1x128xf32, #tpu.memory_space<vmem>>, vector<1x128xf32>
    %add3A_61 = vector.broadcast %get3A_60 : vector<1x128xf32> to vector<1000x128xf32>
    %add3A_62 = arith.addf %dot_general3A_57, %add3A_61 : vector<1000x128xf32>
    %get3A_63 = arith.constant 0 : index
    %get3A_64 = arith.constant 0 : index
    %get3A_65 = vector.load %arg6[%get3A_63, %get3A_64] : memref<1000x1xf32, #tpu.memory_space<vmem>>, vector<1000x1xf32>
    %max3A = arith.constant 1.000000e+00 : f32
    %max3A_66 = vector.broadcast %max3A : f32 to vector<1000x1xf32>
    %max3A_67 = arith.maximumf %get3A_65, %max3A_66 : vector<1000x1xf32>
    %div3A = vector.broadcast %max3A_67 : vector<1000x1xf32> to vector<1000x128xf32>
    %div3A_68 = arith.divf %add3A_36, %div3A : vector<1000x128xf32>
    %get3A_69 = arith.constant 0 : index
    %get3A_70 = arith.constant 0 : index
    %get3A_71 = vector.load %arg9[%get3A_69, %get3A_70] : memref<128x128xf32, #tpu.memory_space<vmem>>, vector<128x128xf32>
    %dot_general3A_72 = arith.constant dense<0.000000e+00> : vector<1000x128xf32>
    %dot_general3A_73 = tpu.matmul %div3A_68, %get3A_71, %dot_general3A_72 {dimension_numbers = #tpu.dot_dimension_numbers<[1], [0], [0], [1], [0, 0, 1, 1], [], []>, transpose_lhs_hint = false} : vector<1000x128xf32>, vector<128x128xf32>, vector<1000x128xf32> -> vector<1000x128xf32>
    %get3A_74 = arith.constant 0 : index
    %get3A_75 = arith.constant 0 : index
    %get3A_76 = vector.load %arg13[%get3A_74, %get3A_75] : memref<1x128xf32, #tpu.memory_space<vmem>>, vector<1x128xf32>
    %add3A_77 = vector.broadcast %get3A_76 : vector<1x128xf32> to vector<1000x128xf32>
    %add3A_78 = arith.addf %dot_general3A_73, %add3A_77 : vector<1000x128xf32>
    %get3A_79 = arith.constant 0 : index
    %get3A_80 = arith.constant 0 : index
    %get3A_81 = vector.load %arg10[%get3A_79, %get3A_80] : memref<128x128xf32, #tpu.memory_space<vmem>>, vector<128x128xf32>
    %dot_general3A_82 = arith.constant dense<0.000000e+00> : vector<1000x128xf32>
    %dot_general3A_83 = tpu.matmul %get3A_46, %get3A_81, %dot_general3A_82 {dimension_numbers = #tpu.dot_dimension_numbers<[1], [0], [0], [1], [0, 0, 1, 1], [], []>, transpose_lhs_hint = false} : vector<1000x128xf32>, vector<128x128xf32>, vector<1000x128xf32> -> vector<1000x128xf32>
    %add3A_84 = arith.addf %add3A_78, %dot_general3A_83 : vector<1000x128xf32>
    %add3A_85 = arith.addf %add3A_62, %add3A_84 : vector<1000x128xf32>
    %mul3A_86 = arith.constant 5.000000e-01 : f32
    %mul3A_87 = vector.broadcast %mul3A_86 : f32 to vector<1000x128xf32>
    %mul3A_88 = arith.mulf %mul3A_87, %add3A_85 : vector<1000x128xf32>
    %max3A_89 = arith.constant 0.000000e+00 : f32
    %max3A_90 = vector.broadcast %max3A_89 : f32 to vector<1000x128xf32>
    %max3A_91 = arith.maximumf %mul3A_88, %max3A_90 : vector<1000x128xf32>
    %swap3A = arith.constant 0 : index
    %swap3A_92 = arith.constant 0 : index
    %swap3A_93 = vector.load %arg14[%swap3A, %swap3A_92] : memref<1000x128xf32, #tpu.memory_space<vmem>>, vector<1000x128xf32>
    tpu.vector_store %arg14[%swap3A, %swap3A_92], %max3A_91 {strides = array<i32>} : memref<1000x128xf32, #tpu.memory_space<vmem>>, vector<1000x128xf32>,
    %mul3A_94 = vector.broadcast %rsqrt3A_43 : vector<1000x1xf32> to vector<1000x128xf32>
    %mul3A_95 = arith.mulf %mul3A_94, %get3A_49 : vector<1000x128xf32>
    %add3A_96 = arith.addf %add3A_23, %mul3A_95 : vector<1000x128xf32>
    %mul3A_97 = vector.broadcast %rsqrt3A_43 : vector<1000x1xf32> to vector<1000x128xf32>
    %mul3A_98 = arith.mulf %mul3A_97, %add3A_96 : vector<1000x128xf32>
    %get3A_99 = arith.constant 0 : index
    %get3A_100 = arith.constant 0 : index
    %get3A_101 = vector.load %arg8[%get3A_99, %get3A_100] : memref<128x128xf32, #tpu.memory_space<vmem>>, vector<128x128xf32>
    %dot_general3A_102 = arith.constant dense<0.000000e+00> : vector<1000x128xf32>
    %dot_general3A_103 = tpu.matmul %mul3A_98, %get3A_101, %dot_general3A_102 {dimension_numbers = #tpu.dot_dimension_numbers<[1], [0], [0], [1], [0, 0, 1, 1], [], []>, transpose_lhs_hint = false} : vector<1000x128xf32>, vector<128x128xf32>, vector<1000x128xf32> -> vector<1000x128xf32>
    %get3A_104 = arith.constant 0 : index
    %get3A_105 = arith.constant 0 : index
    %get3A_106 = vector.load %arg12[%get3A_104, %get3A_105] : memref<1x128xf32, #tpu.memory_space<vmem>>, vector<1x128xf32>
    %add3A_107 = vector.broadcast %get3A_106 : vector<1x128xf32> to vector<1000x128xf32>
    %add3A_108 = arith.addf %dot_general3A_103, %add3A_107 : vector<1000x128xf32>
    %max3A_109 = arith.constant 0.000000e+00 : f32
    %max3A_110 = vector.broadcast %max3A_109 : f32 to vector<1000x128xf32>
    %max3A_111 = arith.maximumf %add3A_108, %max3A_110 : vector<1000x128xf32>
    %swap3A_112 = arith.constant 0 : index
    %swap3A_113 = arith.constant 0 : index
    %swap3A_114 = vector.load %arg15[%swap3A_112, %swap3A_113] : memref<1000x128xf32, #tpu.memory_space<vmem>>, vector<1000x128xf32>
    tpu.vector_store %arg15[%swap3A_112, %swap3A_113], %max3A_111 {strides = array<i32>} : memref<1000x128xf32, #tpu.memory_space<vmem>>, vector<1000x128xf32>,
    return
  }
  func.func @transform_0(%arg0: i32) -> (i32, i32, i32, i32) {
    %c0_i32 = arith.constant 0 : i32
    %c0_i32_0 = arith.constant 0 : i32
    %c0_i32_1 = arith.constant 0 : i32
    %c0_i32_2 = arith.constant 0 : i32
    return %c0_i32, %c0_i32_0, %arg0, %c0_i32_1 : i32, i32, i32, i32
  }
  func.func @transform_1(%arg0: i32) -> (i32, i32) {
    %c0_i32 = arith.constant 0 : i32
    %c0_i32_0 = arith.constant 0 : i32
    return %arg0, %c0_i32 : i32, i32
  }
  func.func @transform_2(%arg0: i32) -> (i32, i32) {
    %c0_i32 = arith.constant 0 : i32
    %c0_i32_0 = arith.constant 0 : i32
    return %arg0, %c0_i32 : i32, i32
  }
  func.func @transform_3(%arg0: i32) -> (i32, i32) {
    %c0_i32 = arith.constant 0 : i32
    %c0_i32_0 = arith.constant 0 : i32
    return %arg0, %c0_i32 : i32, i32
  }
  func.func @transform_4(%arg0: i32) -> (i32, i32) {
    %c0_i32 = arith.constant 0 : i32
    %c0_i32_0 = arith.constant 0 : i32
    return %arg0, %c0_i32 : i32, i32
  }
  func.func @transform_5(%arg0: i32) -> (i32, i32) {
    %c0_i32 = arith.constant 0 : i32
    %c0_i32_0 = arith.constant 0 : i32
    return %arg0, %c0_i32 : i32, i32
  }
  func.func @transform_6(%arg0: i32) -> (i32, i32) {
    %c0_i32 = arith.constant 0 : i32
    %c0_i32_0 = arith.constant 0 : i32
    %c0_i32_1 = arith.constant 0 : i32
    return %c0_i32, %c0_i32_0 : i32, i32
  }
  func.func @transform_7(%arg0: i32) -> (i32, i32) {
    %c0_i32 = arith.constant 0 : i32
    %c0_i32_0 = arith.constant 0 : i32
    %c0_i32_1 = arith.constant 0 : i32
    return %c0_i32, %c0_i32_0 : i32, i32
  }
  func.func @transform_8(%arg0: i32) -> (i32, i32) {
    %c0_i32 = arith.constant 0 : i32
    %c0_i32_0 = arith.constant 0 : i32
    %c0_i32_1 = arith.constant 0 : i32
    return %c0_i32, %c0_i32_0 : i32, i32
  }
  func.func @transform_9(%arg0: i32) -> (i32, i32) {
    %c0_i32 = arith.constant 0 : i32
    %c0_i32_0 = arith.constant 0 : i32
    %c0_i32_1 = arith.constant 0 : i32
    return %c0_i32, %c0_i32_0 : i32, i32
  }
  func.func @transform_10(%arg0: i32) -> (i32, i32) {
    %c0_i32 = arith.constant 0 : i32
    %c0_i32_0 = arith.constant 0 : i32
    %c0_i32_1 = arith.constant 0 : i32
    return %c0_i32, %c0_i32_0 : i32, i32
  }
  func.func @transform_11(%arg0: i32) -> (i32, i32) {
    %c0_i32 = arith.constant 0 : i32
    %c0_i32_0 = arith.constant 0 : i32
    %c0_i32_1 = arith.constant 0 : i32
    return %c0_i32, %c0_i32_0 : i32, i32
  }
  func.func @transform_12(%arg0: i32) -> (i32, i32) {
    %c0_i32 = arith.constant 0 : i32
    %c0_i32_0 = arith.constant 0 : i32
    %c0_i32_1 = arith.constant 0 : i32
    return %c0_i32, %c0_i32_0 : i32, i32
  }
  func.func @transform_13(%arg0: i32) -> (i32, i32) {
    %c0_i32 = arith.constant 0 : i32
    %c0_i32_0 = arith.constant 0 : i32
    return %arg0, %c0_i32 : i32, i32
  }
  func.func @transform_14(%arg0: i32) -> (i32, i32) {
    %c0_i32 = arith.constant 0 : i32
    %c0_i32_0 = arith.constant 0 : i32
    return %arg0, %c0_i32 : i32, i32
  }
}

</mosaic_0001>

<sc_bundles>
// kernel: kernel.6.cloned.1.call-start
scs
__scs_entry_jumppad:
0x0: {  	(pc) =	sbr.rel $0x88, $3  }
0x1: {  	(tag) =	ssettag $0x0;
	lr =	simm.s32 $0x1  }
0x2: {  	[smem:$0x3F95] =	sst lr;
	_ =	strace $0xD0000000  }
0x3: {  	_ = 	snop  }
0x4: {  	_ = 	snop  }
0x5: {  	_ = 	snop  }
0x6: {  	_ = 	snop  }
0x7: {  	_ = 	snop  }
__scs_overlays_trampoline_lowered:
0x8: {  	[smem:$0x3FA4] =	sst s0  }
0x9: {  	[smem:$0x3FA5] =	sst s1  }
0xa: {  	[smem:$0x3FA6] =	sst s2  }
0xb: {  	[smem:$0x3FA7] =	sst s3  }
0xc: {  	[smem:$0x3FA8] =	sst s4  }
0xd: {  	[smem:$0x3FA9] =	sst s5  }
0xe: {  	[smem:$0x3FAA] =	sst s6  }
0xf: {  	[smem:$0x3FAB] =	sst s7  }
0x10: {  	[smem:$0x3FAC] =	sst s8  }
0x11: {  	[smem:$0x3FAD] =	sst s9;
	s0 =	simm.s32 @!p0 $0x0  }
0x12: {  	s1 =	sld [smem:$0x3F93];
	s0 =	simm.s32 @p0 $0x1  }
0x13: {  	[smem:$0x3FAE] =	sst s0;
	s0 =	simm.s32 @!p1 $0x0  }
0x14: {  	s2 =	sld [smem:$0x3F92];
	s0 =	simm.s32 @p1 $0x1  }
0x15: {  	[smem:$0x3FAF] =	sst s0;
	s0 =	simm.s32 @!p2 $0x0  }
0x16: {  	s3 =	sld [smem:$0x3FDB];
	s0 =	simm.s32 @p2 $0x1  }
0x17: {  	s4 =	simm.s32 $0x1BF5;
	[smem:$0x3FB1] =	sst s0  }
0x18: {  	s0 =	sld [smem:$0x3F94];
	_ =	swait.ge [sflag:s4], $0x0  }
0x19: {  	s7 =	sld [smem:$0x3F95]  }
0x1a: {  	s8 =	sadd.s32 $0xFFFFE003, lr  }
0x1b: {  	s9 =	sadd.s32 $0xFFFFFEF7, lr;
	s5 =	simm.s32 $0xFFFFFFFF;
	p2 =	slt.u32 s8, $0xFFFFF086  }
0x1c: {  	p1 =	slt.u32 s9, $0xF7A;
	s5 =	simm.s32 @!p2 $0x0  }
0x1d: {  	s5 =	simm.s32 @p1 $0x1;
	p0 =	seq.s32 s7, s2  }
0x1e: {  	s7 =	smul.u32 @!p0 $0xF7A, s2;
	p2 =	seq.s32 @!p0 s5, $0x0  }
0x1f: {  	s9 =	smul.u32 $0xF7A, s1;
	s8 =	simm.s32 @!p0 $0x1BF5;
	p2 =	por !p2, p0  }
0x20: {  	[sflag:s8] =	ssyncset.s32 @!p0 $0xFFFFF086;
	s6 =	sadd.s32 @!p0 s3, s7;
	s7 =	simm.s32 @!p0 $0x108  }
0x21: {  	s3 =	sadd.s32 s3, s9;
	s6 =	sadd.s32 @!p0 $0x88, s6;
	s7 =	simm.s32 @p2 $0x1082  }
0x22: {  	[simem:s7], [sflag:s8] =	dma.local @!p0 [hbm:s6], $0xF7A  }
0x23: {  	s9 =	sor.u32 $0xD0000000, s2;
	s6 =	simm.s32 $0x108;
	_ =	swait.ge @!p0 [sflag:s8], $0x0  }
0x24: {  	s3 =	sadd.s32 $0x88, s3;
	s6 =	simm.s32 @!p1 $0x1082;
	[sflag:s4] =	ssyncset.s32 $0xFFFFF086  }
0x25: {  	[simem:s6], [sflag:s4] =	dma.local [hbm:s3], $0xF7A  }
0x26: {  	[smem:$0x3F95] =	sst s1;
	(tag) =	ssettag s2;
	_ =	strace s9  }
0x27: {  	s1 =	sld [smem:$0x3FA5]  }
0x28: {  	s2 =	sld [smem:$0x3FA6]  }
0x29: {  	s4 =	sld [smem:$0x3FA8]  }
0x2a: {  	p0 =	seq.s32 s5, $0x0;
	s5 =	sld [smem:$0x3FA9]  }
0x2b: {  	s6 =	sld [smem:$0x3FAA]  }
0x2c: {  	s7 =	sld [smem:$0x3FAB]  }
0x2d: {  	s3 =	simm.s32 $0x108;
	s8 =	sld [smem:$0x3FAC]  }
0x2e: {  	s3 =	simm.s32 @!p0 $0x1082;
	s9 =	sld [smem:$0x3FAD]  }
0x2f: {  	lr =	sadd.s32 s0, s3;
	s0 =	sld [smem:$0x3FA4]  }
0x30: {  	s3 =	sld [smem:$0x3FA7]  }
0x31: {  	[smem:$0x3FB0] =	sst s10  }
0x32: {  	s10 =	sld [smem:$0x3FAE];
	_ =	sdelay $0x3  }
0x33: {  	p0 =	seq.s32 s10, $0x1;
	s10 =	sld [smem:$0x3FB0];
	_ =	sdelay $0x3  }
0x34: {  	[smem:$0x3FB0] =	sst s10  }
0x35: {  	s10 =	sld [smem:$0x3FAF];
	_ =	sdelay $0x3  }
0x36: {  	p1 =	seq.s32 s10, $0x1;
	s10 =	sld [smem:$0x3FB0];
	_ =	sdelay $0x3  }
0x37: {  	[smem:$0x3FB0] =	sst s10  }
0x38: {  	s10 =	sld [smem:$0x3FB1]  }
0x39: {  	_ = 	snop;
	(pc) =	sbr.ind lr, $3  }
0x3a: {  	_ = 	snop  }
0x3b: {  	_ = 	snop  }
0x3c: {  	p2 =	seq.s32 s10, $0x1;
	s10 =	sld [smem:$0x3FB0]  }
0x3d: {  	_ =	shalt  }
0x3e: {  	_ =	shalt  }
0x3f: {  	_ =	shalt  }
0x40: {  	_ =	shalt  }
0x41: {  	_ =	shalt  }
0x42: {  	_ =	shalt  }
0x43: {  	_ =	shalt  }
0x44: {  	_ =	shalt  }
0x45: {  	_ =	shalt  }
0x46: {  	_ =	shalt  }
0x47: {  	_ =	shalt  }
0x48: {  	_ =	shalt  }
0x49: {  	_ =	shalt  }
0x4a: {  	_ =	shalt  }
0x4b: {  	_ =	shalt  }
0x4c: {  	_ =	shalt  }
0x4d: {  	_ =	shalt  }
0x4e: {  	_ =	shalt  }
0x4f: {  	_ =	shalt  }
0x50: {  	_ =	shalt  }
0x51: {  	_ =	shalt  }
0x52: {  	_ =	shalt  }
0x53: {  	_ =	shalt  }
0x54: {  	_ =	shalt  }
0x55: {  	_ =	shalt  }
0x56: {  	_ =	shalt  }
0x57: {  	_ =	shalt  }
0x58: {  	_ =	shalt  }
0x59: {  	_ =	shalt  }
0x5a: {  	_ =	shalt  }
0x5b: {  	_ =	shalt  }
0x5c: {  	_ =	shalt  }
0x5d: {  	_ =	shalt  }
0x5e: {  	_ =	shalt  }
0x5f: {  	_ =	shalt  }
0x60: {  	_ =	shalt  }
0x61: {  	_ =	shalt  }
0x62: {  	_ =	shalt  }
0x63: {  	_ =	shalt  }
0x64: {  	_ =	shalt  }
0x65: {  	_ =	shalt  }
0x66: {  	_ =	shalt  }
0x67: {  	_ =	shalt  }
0x68: {  	_ =	shalt  }
0x69: {  	_ =	shalt  }
0x6a: {  	_ =	shalt  }
0x6b: {  	_ =	shalt  }
0x6c: {  	_ =	shalt  }
0x6d: {  	_ =	shalt  }
0x6e: {  	_ =	shalt  }
0x6f: {  	_ =	shalt  }
0x70: {  	_ =	shalt  }
0x71: {  	_ =	shalt  }
0x72: {  	_ =	shalt  }
0x73: {  	_ =	shalt  }
0x74: {  	_ =	shalt  }
0x75: {  	_ =	shalt  }
0x76: {  	_ =	shalt  }
0x77: {  	_ =	shalt  }
0x78: {  	_ =	shalt  }
0x79: {  	_ =	shalt  }
0x7a: {  	_ =	shalt  }
0x7b: {  	_ =	shalt  }
0x7c: {  	_ =	shalt  }
0x7d: {  	_ =	shalt  }
0x7e: {  	_ =	shalt  }
0x7f: {  	_ =	shalt  }
0x80: {  	_ =	shalt  }
0x81: {  	_ =	shalt  }
0x82: {  	_ =	shalt  }
0x83: {  	_ =	shalt  }
0x84: {  	_ =	shalt  }
0x85: {  	_ =	shalt  }
0x86: {  	_ =	shalt  }
0x87: {  	_ =	shalt  }
.Lfunc_end0:
.L_simem_size_0:
called_computation_lowered:
.L_overlay_start_0:
0x88: {  	s2 =	sld [smem:$0x3FD9]  }
0x89: {  	s3 =	sld [smem:$0x3FFE];
	_ =	sdelay $0x1  }
0x8a: {  	s1 =	srdreg.scid  }
0x8b: {  	s0 =	sand.u32 $0x1, s1  }
0x8c: {  	s16 =	sshll.u32 s0, $0xA;
	s2 =	sadd.s32 s3, s2  }
0x8d: {  	s2 =	sadd.s32 s2, s16  }
0x8e: {  	[smem:$0x3FBC] =	sst s2  }
0x8f: {  	_ = 	snop  }
0x90: {  	(tm) =	ssettm $0x1  }
0x91: {  	s17 =	sld [smem:$0x3FFB];
	_ =	sdelay $0x3  }
0x92: {  	_ =	strace s17  }
0x93: {  	s2 =	sld [smem:$0x3FFC];
	_ =	sdelay $0x3  }
0x94: {  	_ =	strace s2  }
0x95: {  	s2 =	sld [smem:$0x3FFD];
	_ =	sdelay $0x3  }
0x96: {  	_ =	strace s2  }
0x97: {  	_ =	strace $0x8FFFFFFF  }
0x98: {  	s18 =	sld [smem:$0x3FDB];
	_ =	sdelay $0x1  }
0x99: {  	s19 =	simm.s32 $_scs_section_size  }
0x9a: {  	s4 =	simm.s32 $_size__tile_overlayer_lowered;
	s5 =	simm.s32 $_tile_overlayer_lowered  }
0x9b: {  	s22 =	simm.s32 $0x1BFF;
	s21 =	sshll.u32 s5, $0x1;
	s2 =	sadd.s32 s19, s18  }
0x9c: {  	s6 =	simm.s32 $0x0;
	s20 =	sshll.u32 s4, $0x1;
	s4 =	sadd.s32 s21, s2  }
0x9d: {  	[timem:s6], [sflag:s22] =	dma.local [hbm:s4], s20  }
0x9e: {  	_ =	swait.ge [sflag:s22], s20  }
0x9f: {  	s3 =	ssub.s32 $0x0, s20;
	[sflag:s22] =	ssyncset.done $0x0  }
0xa0: {  	[sflag:s22] =	ssyncadd.s32 s3;
	_ =	sdelay $0x1  }
0xa1: {  	s23 =	simm.s32 $0x1B8B  }
0xa2: {  	_ =	swait.ge [sflag:s23], $0x1  }
0xa3: {  	[sflag:s23] =	ssyncset.done $0x0  }
0xa4: {  	s25 =	simm.s32 $0x1B8E;
	s24 =	sld [smem:$0x3FFE];
	[sflag:s23] =	ssyncadd.s32 $0xFFFFFFFF  }
0xa5: {  	s26 =	simm.s32 $execute0_lowered;
	[smem:$0x3FD2] =	sst s25  }
0xa6: {  	s4 =	sshll.u32 s26, $0x1;
	_ =	strace $0x80000046;
	[dreg:$0x1] =	wrdreg $0xFFFFFFFF  }
0xa7: {  	s28 =	simm.s32 $_size_execute0_lowered;
	s2 =	sadd.s32 s2, s4;
	[dreg:$0x0] =	wrdreg $0x0  }
0xa8: {  	s4 =	sshll.u32 s28, $0x1;
	[dreg:$0x2] =	wrdreg s2  }
0xa9: {  	[dreg:$0x3] =	wrdreg s4  }
0xaa: {  	[dreg:$0x4] =	wrdreg $0xC0  }
0xab: {  	_ =	task [dreg:s6], $0x5FFFF  }
0xac: {  	[dreg:$0x1] =	wrdreg $0xFFFFFFFF  }
0xad: {  	[dreg:$0x0] =	wrdreg $0x60  }
0xae: {  	[dreg:$0x2] =	wrdreg s24  }
0xaf: {  	[dreg:$0x3] =	wrdreg $0x0  }
0xb0: {  	[dreg:$0x4] =	wrdreg $0x28000  }
0xb1: {  	[dreg:$0x5] =	wrdreg $0x50000  }
0xb2: {  	[dreg:$0x6] =	wrdreg $0x9  }
0xb3: {  	_ =	task.clear_ibuf [dreg:s6], $0x7FFFF;
	_ =	strace $0x90000046  }
0xb4: {  	s29 =	simm.s32 $0x9;
	_ =	strace $0x80000048  }
0xb5: {  	_ =	swait.ge [sflag:s29], $0x1  }
0xb6: {  	[sflag:s29] =	ssyncadd.s32 $0xFFFFFFFF  }
0xb7: {  	_ =	strace $0x90000048  }
0xb8: {  	_ =	sfence  }
0xb9: {  	s30 =	sld [smem:$0x0];
	_ =	sdelay $0x2  }
0xba: {  	s31 =	sshll.u32 s1, $0xD;
	s1 =	sshrl.u32 s1, $0x2  }
0xbb: {  	s3 =	sand.u32 $0x4000, s31;
	s1 =	sadd.s32 s1, s30  }
0xbc: {  	s0 =	sor.u32 s3, s0;
	s1 =	sshll.u32 s1, $0x11  }
0xbd: {  	s0 =	sor.u32 s1, s0  }
0xbe: {  	s0 =	sadd.s32 $0x8F2B, s0  }
0xbf: {  	[sflag:s0] =	ssyncadd.remote.s32 $0x1  }
0xc0: {  	_ =	sfence.sel $0xFFFF  }
0xc1: {  	[dreg:$0x0] =	wrdreg $0xFFFFFFFF;
	(pc) =	sbr.abs _section_cstart, $3  }
0xc2: {  	[dreg:$0x1] =	wrdreg $0xFFFFFFFF  }
0xc3: {  	_ =	task.clear_ibuf [dreg:s6], $0x2FFFF;
	_ =	strace $0x9FFFFFFF  }
0xc4: {  	(tm) =	ssettm $0x7FFFFFFF  }
0xc5: {  	_ =	shalt  }
tec
execute0_lowered:
.L_overlay_start_1:
0x0: {  	(tag) =	ssettag $0x1  }
0x1: {  	s6 =	rddreg [dreg:$0x0]  }
0x2: {  	s1 =	rddreg [dreg:$0x1]  }
0x3: {  	s3 =	rddreg [dreg:$0x2]  }
0x4: {  	s0 =	srdreg.scid;
	s4 =	rddreg [dreg:$0x3]  }
0x5: {  	s2 =	rddreg [dreg:$0x4];
	s5 =	simm.s32 $0x0;
	s7 =	sand.u32 $0x1, s0  }
0x6: {  	s16 =	simm.s32 $0xB800;
	s0 =	stileid.u32;
	s8 =	smul.u32 $0x28000, s7  }
0x7: {  	s17 =	simm.s32 $0x1;
	s18 =	simm.s32 $0x1F800;
	s9 =	smul.u32 $0x2800, s0  }
0x8: {  	s19 =	simm.s32 $0x80;
	s20 =	simm.s32 $0x7800;
	s10 =	smul.u32 $0x280, s0  }
0x9: {  	s21 =	simm.s32 $0x0;
	[smem:$0x7FF] =	sst s5;
	s28 =	smul.u32 $0x7800, s7  }
0xa: {  	_ =	strace $0x80000047;
	s7 =	ssub.s32 $0x2, s7;
	s29 =	smul.u32 $0x14000, s0  }
0xb: {  	s31 =	sshrl.u32 s7, $0x1;
	s8 =	sadd.s32 s9, s8;
	s9 =	sadd.s32 s10, s28  }
0xc: {  	s12 =	ssub.s32 s7, s31;
	s7 =	sadd.s32 s29, s3;
	s8 =	sshrl.u32 s8, $0x3  }
0xd: {  	s30 =	sshll.u32 s9, $0x4;
	s12 =	smax.u32 s12, $0x1;
	s15 =	sadd.s32 s8, s6  }
0xe: {  	s11 =	sadd.s32 s30, s6;
	s6 =	sadd.s32 s29, s1;
	s8 =	sadd.s32 s29, s4  }
0xf: {  	v0 =	vimm.f32 $0.0e+00;
	vm0 =	vcmask $0x300;
	s9 =	sadd.s32 $0x20E00, s11;
	s10 =	sadd.s32 $0x48E00, s11;
	s11 =	sadd.s32 $0x70E00, s11  }
0x10: {  	v1 =	vsel vm0, $0x3F800000, v0;
	s13 =	sadd.s32 $0x2E00, s15;
	s14 =	sadd.s32 $0xCE00, s15;
	s15 =	sadd.s32 $0x16E00, s15  }
.LBB2_1:
0x11: {  	s22 =	simm.s32 $0x0  }
.LBB2_2:
0x12: {  	p0 =	sne.s32 s22, $0xFE00  }
.Ltmp0:
0x13: {  	_ = 	snop;
	(pc) =	sbr.rel @p0 .LBB2_2-.Ltmp0, $3  }
0x14: {  	_ =	sdelay $0x1  }
0x15: {  	s23 =	sshra.s32 s22, $0x2  }
0x16: {  	s22 =	sadd.s32 $0x200, s22;
	[tilespmem:s23+$0x7800] =	vst v1  }
0x17: {  	s22 =	simm.s32 $0x200;
	s23 =	simm.s32 $0x0  }
.LBB2_4:
0x18: {  	p0 =	sne.s32 s22, $0x4FE00;
	[tilespmem:s23+$0xB800] =	vst v0;
	s23 =	smov.u32 s22;
	s22 =	sadd.s32 $0x200, s22  }
.Ltmp1:
0x19: {  	(pc) =	sbr.rel @p0 .LBB2_4-.Ltmp1, $2  }
0x1a: {  	_ =	sdelay $0x2  }
0x1b: {  	s23 =	sshra.s32 s23, $0x2  }
0x1c: {  	[tilespmem:s23+$0xB800] =	vst v0  }
0x1d: {  	[spmem:s6] =	stream.linear.scatter [tilespmem:s16], [sflag:$0x1], $0x14000, $0x38;
	[tilespmem:$0x1F880] =	vst v63  }
0x1e: {  	_ =	swait.ge [sflag:s17], $0x14000  }
0x1f: {  	[sflag:s17] =	ssyncset.done $0x0  }
0x20: {  	[sflag:s17] =	ssyncadd.s32 $0xFFFEC000  }
0x21: {  	[spmem:s7] =	stream.linear.scatter [tilespmem:s16], [sflag:$0x1], $0x14000, $0x38;
	[tilespmem:$0x1F880] =	vst v63  }
0x22: {  	_ =	swait.ge [sflag:s17], $0x14000  }
0x23: {  	[sflag:s17] =	ssyncset.done $0x0  }
0x24: {  	[sflag:s17] =	ssyncadd.s32 $0xFFFEC000  }
0x25: {  	[spmem:s8] =	stream.linear.scatter [tilespmem:s16], [sflag:$0x1], $0x14000, $0x38;
	[tilespmem:$0x1F880] =	vst v63  }
0x26: {  	_ =	swait.ge [sflag:s17], $0x14000  }
0x27: {  	[sflag:s17] =	ssyncset.done $0x0  }
0x28: {  	[sflag:s17] =	ssyncadd.s32 $0xFFFEC000  }
0x29: {  	s22 =	simm.s32 $0x0;
	s31 =	sadd.s32 $0x0, s13;
	[bflag:$0x0] =	sbarrier.arrive $0xFFFF  }
0x2a: {  	[tilespmem:s18], [sflag:$0x1] =	stream.linear.gather [hbm4b:s31+s22], $0x80, $0x38;
	[tilespmem:$0x1F880] =	vst v63  }
0x2b: {  	_ =	swait.ge [sflag:s17], $0x80  }
0x2c: {  	[sflag:s17] =	ssyncset.done $0x0  }
0x2d: {  	[sflag:s17] =	ssyncadd.s32 $0xFFFFFF80  }
0x2e: {  	[spmem:s1] =	stream.indirect.scatter.add.f32 [tilespmem:s20], [sflag:$0x1], $0x10, s18, s19, $0xb8;
	[tilespmem:$0x1F880] =	vst v63  }
0x2f: {  	_ =	swait.ge [sflag:s17], $0x800  }
0x30: {  	s23 =	simm.s32 $0x10;
	s24 =	simm.s32 $0x20;
	[sflag:s17] =	ssyncset.done $0x0  }
.LBB2_6:
0x31: {  	s25 =	sadd.s32 s23, s13  }
0x32: {  	[sflag:s17] =	ssyncadd.s32 $0xFFFFF800;
	s23 =	smov.u32 s24;
	s26 =	sadd.s32 $0x10, s24  }
0x33: {  	[tilespmem:s18], [sflag:$0x1] =	stream.linear.gather [hbm4b:s25+s22], $0x80, $0x38;
	[tilespmem:$0x1F880] =	vst v63  }
0x34: {  	p0 =	sne.s32 s24, $0x4F0;
	_ =	swait.ge [sflag:s17], $0x80  }
.Ltmp2:
0x35: {  	[sflag:s17] =	ssyncset.done $0x0;
	(pc) =	sbr.rel @p0 .LBB2_6-.Ltmp2, $4  }
0x36: {  	[sflag:s17] =	ssyncadd.s32 $0xFFFFFF80  }
0x37: {  	[spmem:s1] =	stream.indirect.scatter.add.f32 [tilespmem:s20], [sflag:$0x1], $0x10, s18, s19, $0xb8;
	[tilespmem:$0x1F880] =	vst v63  }
0x38: {  	_ =	swait.ge [sflag:s17], $0x800  }
0x39: {  	s24 =	smov.u32 s26;
	[sflag:s17] =	ssyncset.done $0x0  }
0x3a: {  	s23 =	sadd.s32 s23, s13;
	[sflag:s17] =	ssyncadd.s32 $0xFFFFF800  }
0x3b: {  	[tilespmem:s18], [sflag:$0x1] =	stream.linear.gather [hbm4b:s23+s22], $0x80, $0x38;
	[tilespmem:$0x1F880] =	vst v63  }
0x3c: {  	_ =	swait.ge [sflag:s17], $0x80  }
0x3d: {  	[sflag:s17] =	ssyncset.done $0x0  }
0x3e: {  	[sflag:s17] =	ssyncadd.s32 $0xFFFFFF80  }
0x3f: {  	[spmem:s1] =	stream.indirect.scatter.add.f32 [tilespmem:s20], [sflag:$0x1], $0x10, s18, s19, $0xb8;
	[tilespmem:$0x1F880] =	vst v63  }
0x40: {  	_ =	swait.ge [sflag:s17], $0x800  }
0x41: {  	[sflag:s17] =	ssyncset.done $0x0  }
0x42: {  	s31 =	sadd.s32 $0x0, s14;
	s22 =	simm.s32 $0x0;
	[sflag:s17] =	ssyncadd.s32 $0xFFFFF800  }
0x43: {  	[tilespmem:s18], [sflag:$0x1] =	stream.linear.gather [hbm4b:s31+s22], $0x80, $0x38;
	[tilespmem:$0x1F880] =	vst v63  }
0x44: {  	_ =	swait.ge [sflag:s17], $0x80  }
0x45: {  	[sflag:s17] =	ssyncset.done $0x0  }
0x46: {  	[sflag:s17] =	ssyncadd.s32 $0xFFFFFF80  }
0x47: {  	[spmem:s3] =	stream.indirect.scatter.add.f32 [tilespmem:s20], [sflag:$0x1], $0x10, s18, s19, $0xb8;
	[tilespmem:$0x1F880] =	vst v63  }
0x48: {  	_ =	swait.ge [sflag:s17], $0x800  }
0x49: {  	s24 =	sadd.s32 $0x10, s14;
	s23 =	simm.s32 $0x20;
	[sflag:s17] =	ssyncset.done $0x0  }
.LBB2_8:
0x4a: {  	s25 =	sadd.s32 s23, s14;
	[sflag:s17] =	ssyncadd.s32 $0xFFFFF800  }
0x4b: {  	[tilespmem:s18], [sflag:$0x1] =	stream.linear.gather [hbm4b:s24+s22], $0x80, $0x38;
	[tilespmem:$0x1F880] =	vst v63  }
0x4c: {  	p0 =	sne.s32 s23, $0x4F0;
	s23 =	sadd.s32 $0x10, s23;
	_ =	swait.ge [sflag:s17], $0x80  }
.Ltmp3:
0x4d: {  	s24 =	smov.u32 s25;
	[sflag:s17] =	ssyncset.done $0x0;
	(pc) =	sbr.rel @p0 .LBB2_8-.Ltmp3, $4  }
0x4e: {  	[sflag:s17] =	ssyncadd.s32 $0xFFFFFF80  }
0x4f: {  	[spmem:s3] =	stream.indirect.scatter.add.f32 [tilespmem:s20], [sflag:$0x1], $0x10, s18, s19, $0xb8;
	[tilespmem:$0x1F880] =	vst v63  }
0x50: {  	_ =	swait.ge [sflag:s17], $0x800  }
0x51: {  	[sflag:s17] =	ssyncset.done $0x0  }
0x52: {  	s23 =	simm.s32 $0x0;
	[sflag:s17] =	ssyncadd.s32 $0xFFFFF800  }
0x53: {  	[tilespmem:s18], [sflag:$0x1] =	stream.linear.gather [hbm4b:s24+s23], $0x80, $0x38;
	[tilespmem:$0x1F880] =	vst v63  }
0x54: {  	_ =	swait.ge [sflag:s17], $0x80  }
0x55: {  	p1 =	por $0x1, $0x1;
	[sflag:s17] =	ssyncset.done $0x0  }
.Ltmp4:
0x56: {  	[sflag:s17] =	ssyncadd.s32 $0xFFFFFF80;
	(pc) =	sbr.rel @!p1 .LBB2_14-.Ltmp4, $4  }
0x57: {  	[spmem:s3] =	stream.indirect.scatter.add.f32 [tilespmem:s20], [sflag:$0x1], $0x10, s18, s19, $0xb8;
	[tilespmem:$0x1F880] =	vst v63  }
0x58: {  	_ =	swait.ge [sflag:s17], $0x800  }
0x59: {  	[sflag:s17] =	ssyncset.done $0x0  }
0x5a: {  	s22 =	simm.s32 $0x10;
	p0 =	por $0x0, $0x0;
	[sflag:s17] =	ssyncadd.s32 $0xFFFFF800  }
0x5b: {  	s23 =	sadd.s32 $0x0, s15  }
0x5c: {  	[tilespmem:s18], [sflag:$0x1] =	stream.linear.gather [hbm4b:s23+s5], $0x80, $0x38;
	[tilespmem:$0x1F880] =	vst v63  }
0x5d: {  	p1 =	por $0x1, $0x1;
	_ =	swait.ge [sflag:s17], $0x80  }
.Ltmp5:
0x5e: {  	[sflag:s17] =	ssyncset.done $0x0;
	(pc) =	sbr.rel @!p1 .LBB2_11-.Ltmp5, $4  }
0x5f: {  	[sflag:s17] =	ssyncadd.s32 $0xFFFFFF80  }
0x60: {  	[spmem:s4] =	stream.indirect.scatter.add.f32 [tilespmem:s20], [sflag:$0x1], $0x10, s18, s19, $0xb8;
	[tilespmem:$0x1F880] =	vst v63  }
0x61: {  	_ =	swait.ge [sflag:s17], $0x800  }
0x62: {  	p0 =	por $0x1, $0x1;
	s23 =	simm.s32 $0x20;
	[sflag:s17] =	ssyncset.done $0x0  }
.LBB2_12:
0x63: {  	s24 =	sadd.s32 s22, s15  }
0x64: {  	[sflag:s17] =	ssyncadd.s32 $0xFFFFF800;
	s22 =	smov.u32 s23;
	s25 =	sadd.s32 $0x10, s23  }
0x65: {  	[tilespmem:s18], [sflag:$0x1] =	stream.linear.gather [hbm4b:s24+s5], $0x80, $0x38;
	[tilespmem:$0x1F880] =	vst v63  }
0x66: {  	p1 =	sne.s32 s23, $0x4F0;
	_ =	swait.ge [sflag:s17], $0x80  }
.Ltmp6:
0x67: {  	[sflag:s17] =	ssyncset.done $0x0;
	(pc) =	sbr.rel @p1 .LBB2_12-.Ltmp6, $4  }
0x68: {  	[sflag:s17] =	ssyncadd.s32 $0xFFFFFF80  }
0x69: {  	[spmem:s4] =	stream.indirect.scatter.add.f32 [tilespmem:s20], [sflag:$0x1], $0x10, s18, s19, $0xb8;
	[tilespmem:$0x1F880] =	vst v63  }
0x6a: {  	_ =	swait.ge [sflag:s17], $0x800  }
0x6b: {  	s23 =	smov.u32 s25;
	[sflag:s17] =	ssyncset.done $0x0  }
0x6c: {  	s23 =	smov.u32 s22  }
.LBB2_14:
0x6d: {  	s22 =	sadd.s32 s23, s15;
	[sflag:s17] =	ssyncadd.s32 @p0 $0xFFFFF800  }
0x6e: {  	[tilespmem:s18], [sflag:$0x1] =	stream.linear.gather [hbm4b:s22+s5], $0x80, $0x38;
	[tilespmem:$0x1F880] =	vst v63  }
0x6f: {  	_ =	swait.ge [sflag:s17], $0x80  }
0x70: {  	[sflag:s17] =	ssyncset.done $0x0  }
0x71: {  	[sflag:s17] =	ssyncadd.s32 $0xFFFFFF80  }
0x72: {  	[spmem:s4] =	stream.indirect.scatter.add.f32 [tilespmem:s20], [sflag:$0x1], $0x10, s18, s19, $0xb8;
	[tilespmem:$0x1F880] =	vst v63  }
0x73: {  	_ =	swait.ge [sflag:s17], $0x800  }
0x74: {  	[sflag:s17] =	ssyncset.done $0x0  }
0x75: {  	s28 =	sshll.u32 s0, $0x6;
	[sflag:s17] =	ssyncadd.s32 $0xFFFFF800  }
0x76: {  	s29 =	sshrl.u32 s6, $0x3;
	s22 =	sor.u32 $0x1C01, s28;
	[bflag:$0x0] =	sbarrier.arrive $0xFFFF  }
0x77: {  	[hbm:s9], [sflag:s22] =	dma.local [spmem:s29], $0x2800  }
0x78: {  	_ =	swait.ge [sflag:s17], $0x2800  }
0x79: {  	[sflag:s17] =	ssyncset.done $0x0  }
0x7a: {  	s30 =	sshrl.u32 s7, $0x3;
	[sflag:s17] =	ssyncadd.s32 $0xFFFFD800  }
0x7b: {  	[hbm:s10], [sflag:s22] =	dma.local [spmem:s30], $0x2800  }
0x7c: {  	_ =	swait.ge [sflag:s17], $0x2800  }
0x7d: {  	s21 =	sadd.s32 $0x1, s21;
	[sflag:s17] =	ssyncset.done $0x0  }
0x7e: {  	s31 =	sshrl.u32 s8, $0x3;
	p0 =	sne.s32 s21, s12;
	[sflag:s17] =	ssyncadd.s32 $0xFFFFD800  }
0x7f: {  	[hbm:s11], [sflag:s22] =	dma.local [spmem:s31], $0x2800  }
.Ltmp7:
0x80: {  	_ = 	snop;
	(pc) =	sbr.rel @p0 .LBB2_1-.Ltmp7, $4  }
.Ltmp8:
0x81: {  	_ = 	snop;
	(pc) =	sbr.rel @!p0 .LBB2_15-.Ltmp8, $4  }
0x82: {  	_ =	swait.ge [sflag:s17], $0x2800  }
0x83: {  	[sflag:s17] =	ssyncset.done $0x0  }
0x84: {  	[sflag:s17] =	ssyncadd.s32 $0xFFFFD800  }
0x85: {  	_ = 	snop  }
.LBB2_11:
.Ltmp9:
0x86: {  	(pc) =	sbr.rel .LBB2_14-.Ltmp9, $2  }
0x87: {  	_ =	sdelay $0x2  }
0x88: {  	s23 =	simm.s32 $0x10  }
.LBB2_15:
0x89: {  	_ =	sfence.sel $0x180000  }
0x8a: {  	[bflag:$0x0] =	sbarrier.arrive $0xFFFF  }
0x8b: {  	p0 =	sne.s32 s0, $0x0;
	_ =	strace $0x90000047  }
0x8c: {  	s0 =	sadd.s32 @!p0 $0x100000, s2;
	[bflag:$0x2] =	sbarrier.arrive $0xFFFF  }
0x8d: {  	[sflag:s0] =	ssyncadd.tile.s32 @!p0 $0x1;
	_ =	shalt  }
.Lfunc_end2:
_tile_overlayer_lowered:
.L_overlay_start_2:
0x8e: {  	(tag) =	ssettag $0x2  }
0x8f: {  	s0 =	rddreg [dreg:$0x0];
	s2 =	stileid.u32  }
0x90: {  	s1 =	rddreg [dreg:$0x1];
	p0 =	sne.s32 s2, $0x0  }
0x91: {  	s3 =	rddreg [dreg:$0x2];
	[bflag:$0x3] =	sbarrier.arrive $0xFFFF;
	s2 =	simm.s32 @!p0 $0x1C01  }
0x92: {  	[timem:s3], [sflag:s2] =	dma.local @!p0 [hbm:s0], s1  }
0x93: {  	s0 =	simm.s32 @!p0 $0x1  }
0x94: {  	_ =	swait.ge @!p0 [sflag:s0], s1  }
0x95: {  	s1 =	ssub.s32 @!p0 $0x0, s1;
	[sflag:s0] =	ssyncset.done @!p0 $0x0  }
0x96: {  	[sflag:s0] =	ssyncadd.s32 @!p0 s1  }
0x97: {  	[bflag:$0x3] =	sbarrier.arrive $0xFFFF  }
0x98: {  	_ =	shalt  }

// kernel: kernel.9.cloned.1.call-start
scs
__scs_entry_jumppad:
0x0: {  	(pc) =	sbr.rel $0x88, $3  }
0x1: {  	(tag) =	ssettag $0x0;
	lr =	simm.s32 $0x1  }
0x2: {  	[smem:$0x3F95] =	sst lr;
	_ =	strace $0xD0000000  }
0x3: {  	_ = 	snop  }
0x4: {  	_ = 	snop  }
0x5: {  	_ = 	snop  }
0x6: {  	_ = 	snop  }
0x7: {  	_ = 	snop  }
__scs_overlays_trampoline_lowered:
0x8: {  	[smem:$0x3FA4] =	sst s0  }
0x9: {  	[smem:$0x3FA5] =	sst s1  }
0xa: {  	[smem:$0x3FA6] =	sst s2  }
0xb: {  	[smem:$0x3FA7] =	sst s3  }
0xc: {  	[smem:$0x3FA8] =	sst s4  }
0xd: {  	[smem:$0x3FA9] =	sst s5  }
0xe: {  	[smem:$0x3FAA] =	sst s6  }
0xf: {  	[smem:$0x3FAB] =	sst s7  }
0x10: {  	[smem:$0x3FAC] =	sst s8  }
0x11: {  	[smem:$0x3FAD] =	sst s9;
	s0 =	simm.s32 @!p0 $0x0  }
0x12: {  	s1 =	sld [smem:$0x3F93];
	s0 =	simm.s32 @p0 $0x1  }
0x13: {  	[smem:$0x3FAE] =	sst s0;
	s0 =	simm.s32 @!p1 $0x0  }
0x14: {  	s2 =	sld [smem:$0x3F92];
	s0 =	simm.s32 @p1 $0x1  }
0x15: {  	[smem:$0x3FAF] =	sst s0;
	s0 =	simm.s32 @!p2 $0x0  }
0x16: {  	s3 =	sld [smem:$0x3FDB];
	s0 =	simm.s32 @p2 $0x1  }
0x17: {  	s4 =	simm.s32 $0x1BF5;
	[smem:$0x3FB1] =	sst s0  }
0x18: {  	s0 =	sld [smem:$0x3F94];
	_ =	swait.ge [sflag:s4], $0x0  }
0x19: {  	s7 =	sld [smem:$0x3F95]  }
0x1a: {  	s8 =	sadd.s32 $0xFFFFE003, lr  }
0x1b: {  	s9 =	sadd.s32 $0xFFFFFEF7, lr;
	s5 =	simm.s32 $0xFFFFFFFF;
	p2 =	slt.u32 s8, $0xFFFFF086  }
0x1c: {  	p1 =	slt.u32 s9, $0xF7A;
	s5 =	simm.s32 @!p2 $0x0  }
0x1d: {  	s5 =	simm.s32 @p1 $0x1;
	p0 =	seq.s32 s7, s2  }
0x1e: {  	s7 =	smul.u32 @!p0 $0xF7A, s2;
	p2 =	seq.s32 @!p0 s5, $0x0  }
0x1f: {  	s9 =	smul.u32 $0xF7A, s1;
	s8 =	simm.s32 @!p0 $0x1BF5;
	p2 =	por !p2, p0  }
0x20: {  	[sflag:s8] =	ssyncset.s32 @!p0 $0xFFFFF086;
	s6 =	sadd.s32 @!p0 s3, s7;
	s7 =	simm.s32 @!p0 $0x108  }
0x21: {  	s3 =	sadd.s32 s3, s9;
	s6 =	sadd.s32 @!p0 $0x88, s6;
	s7 =	simm.s32 @p2 $0x1082  }
0x22: {  	[simem:s7], [sflag:s8] =	dma.local @!p0 [hbm:s6], $0xF7A  }
0x23: {  	s9 =	sor.u32 $0xD0000000, s2;
	s6 =	simm.s32 $0x108;
	_ =	swait.ge @!p0 [sflag:s8], $0x0  }
0x24: {  	s3 =	sadd.s32 $0x88, s3;
	s6 =	simm.s32 @!p1 $0x1082;
	[sflag:s4] =	ssyncset.s32 $0xFFFFF086  }
0x25: {  	[simem:s6], [sflag:s4] =	dma.local [hbm:s3], $0xF7A  }
0x26: {  	[smem:$0x3F95] =	sst s1;
	(tag) =	ssettag s2;
	_ =	strace s9  }
0x27: {  	s1 =	sld [smem:$0x3FA5]  }
0x28: {  	s2 =	sld [smem:$0x3FA6]  }
0x29: {  	s4 =	sld [smem:$0x3FA8]  }
0x2a: {  	p0 =	seq.s32 s5, $0x0;
	s5 =	sld [smem:$0x3FA9]  }
0x2b: {  	s6 =	sld [smem:$0x3FAA]  }
0x2c: {  	s7 =	sld [smem:$0x3FAB]  }
0x2d: {  	s3 =	simm.s32 $0x108;
	s8 =	sld [smem:$0x3FAC]  }
0x2e: {  	s3 =	simm.s32 @!p0 $0x1082;
	s9 =	sld [smem:$0x3FAD]  }
0x2f: {  	lr =	sadd.s32 s0, s3;
	s0 =	sld [smem:$0x3FA4]  }
0x30: {  	s3 =	sld [smem:$0x3FA7]  }
0x31: {  	[smem:$0x3FB0] =	sst s10  }
0x32: {  	s10 =	sld [smem:$0x3FAE];
	_ =	sdelay $0x3  }
0x33: {  	p0 =	seq.s32 s10, $0x1;
	s10 =	sld [smem:$0x3FB0];
	_ =	sdelay $0x3  }
0x34: {  	[smem:$0x3FB0] =	sst s10  }
0x35: {  	s10 =	sld [smem:$0x3FAF];
	_ =	sdelay $0x3  }
0x36: {  	p1 =	seq.s32 s10, $0x1;
	s10 =	sld [smem:$0x3FB0];
	_ =	sdelay $0x3  }
0x37: {  	[smem:$0x3FB0] =	sst s10  }
0x38: {  	s10 =	sld [smem:$0x3FB1]  }
0x39: {  	_ = 	snop;
	(pc) =	sbr.ind lr, $3  }
0x3a: {  	_ = 	snop  }
0x3b: {  	_ = 	snop  }
0x3c: {  	p2 =	seq.s32 s10, $0x1;
	s10 =	sld [smem:$0x3FB0]  }
0x3d: {  	_ =	shalt  }
0x3e: {  	_ =	shalt  }
0x3f: {  	_ =	shalt  }
0x40: {  	_ =	shalt  }
0x41: {  	_ =	shalt  }
0x42: {  	_ =	shalt  }
0x43: {  	_ =	shalt  }
0x44: {  	_ =	shalt  }
0x45: {  	_ =	shalt  }
0x46: {  	_ =	shalt  }
0x47: {  	_ =	shalt  }
0x48: {  	_ =	shalt  }
0x49: {  	_ =	shalt  }
0x4a: {  	_ =	shalt  }
0x4b: {  	_ =	shalt  }
0x4c: {  	_ =	shalt  }
0x4d: {  	_ =	shalt  }
0x4e: {  	_ =	shalt  }
0x4f: {  	_ =	shalt  }
0x50: {  	_ =	shalt  }
0x51: {  	_ =	shalt  }
0x52: {  	_ =	shalt  }
0x53: {  	_ =	shalt  }
0x54: {  	_ =	shalt  }
0x55: {  	_ =	shalt  }
0x56: {  	_ =	shalt  }
0x57: {  	_ =	shalt  }
0x58: {  	_ =	shalt  }
0x59: {  	_ =	shalt  }
0x5a: {  	_ =	shalt  }
0x5b: {  	_ =	shalt  }
0x5c: {  	_ =	shalt  }
0x5d: {  	_ =	shalt  }
0x5e: {  	_ =	shalt  }
0x5f: {  	_ =	shalt  }
0x60: {  	_ =	shalt  }
0x61: {  	_ =	shalt  }
0x62: {  	_ =	shalt  }
0x63: {  	_ =	shalt  }
0x64: {  	_ =	shalt  }
0x65: {  	_ =	shalt  }
0x66: {  	_ =	shalt  }
0x67: {  	_ =	shalt  }
0x68: {  	_ =	shalt  }
0x69: {  	_ =	shalt  }
0x6a: {  	_ =	shalt  }
0x6b: {  	_ =	shalt  }
0x6c: {  	_ =	shalt  }
0x6d: {  	_ =	shalt  }
0x6e: {  	_ =	shalt  }
0x6f: {  	_ =	shalt  }
0x70: {  	_ =	shalt  }
0x71: {  	_ =	shalt  }
0x72: {  	_ =	shalt  }
0x73: {  	_ =	shalt  }
0x74: {  	_ =	shalt  }
0x75: {  	_ =	shalt  }
0x76: {  	_ =	shalt  }
0x77: {  	_ =	shalt  }
0x78: {  	_ =	shalt  }
0x79: {  	_ =	shalt  }
0x7a: {  	_ =	shalt  }
0x7b: {  	_ =	shalt  }
0x7c: {  	_ =	shalt  }
0x7d: {  	_ =	shalt  }
0x7e: {  	_ =	shalt  }
0x7f: {  	_ =	shalt  }
0x80: {  	_ =	shalt  }
0x81: {  	_ =	shalt  }
0x82: {  	_ =	shalt  }
0x83: {  	_ =	shalt  }
0x84: {  	_ =	shalt  }
0x85: {  	_ =	shalt  }
0x86: {  	_ =	shalt  }
0x87: {  	_ =	shalt  }
.Lfunc_end0:
.L_simem_size_0:
called_computation.1_lowered:
.L_overlay_start_0:
0x88: {  	s2 =	sld [smem:$0x3FD9]  }
0x89: {  	s3 =	sld [smem:$0x3FFE];
	_ =	sdelay $0x1  }
0x8a: {  	s1 =	srdreg.scid  }
0x8b: {  	s0 =	sand.u32 $0x1, s1  }
0x8c: {  	s17 =	sshll.u32 s0, $0xA;
	s2 =	sadd.s32 s3, s2  }
0x8d: {  	s2 =	sadd.s32 s2, s17  }
0x8e: {  	[smem:$0x3FBC] =	sst s2  }
0x8f: {  	_ = 	snop  }
0x90: {  	s2 =	sld [smem:$0x3FC8];
	(tm) =	ssettm $0x1  }
0x91: {  	s18 =	sld [smem:$0x3FFB];
	_ =	sdelay $0x3  }
0x92: {  	_ =	strace s18  }
0x93: {  	s3 =	sld [smem:$0x3FFC];
	_ =	sdelay $0x3  }
0x94: {  	_ =	strace s3  }
0x95: {  	s3 =	sld [smem:$0x3FFD];
	_ =	sdelay $0x3  }
0x96: {  	_ =	strace s3  }
0x97: {  	_ =	strace $0x8FFFFFFF  }
0x98: {  	s19 =	sld [smem:$0x3FDB];
	_ =	sdelay $0x1  }
0x99: {  	s4 =	simm.s32 $_scs_section_size  }
0x9a: {  	s5 =	simm.s32 $_size__tile_overlayer_lowered;
	s6 =	simm.s32 $_tile_overlayer_lowered  }
0x9b: {  	s22 =	simm.s32 $0x1BFF;
	s21 =	sshll.u32 s6, $0x1;
	s3 =	sadd.s32 s4, s19  }
0x9c: {  	s7 =	simm.s32 $0x0;
	s20 =	sshll.u32 s5, $0x1;
	s5 =	sadd.s32 s21, s3  }
0x9d: {  	[timem:s7], [sflag:s22] =	dma.local [hbm:s5], s20  }
0x9e: {  	_ =	swait.ge [sflag:s22], s20  }
0x9f: {  	s4 =	ssub.s32 $0x0, s20;
	[sflag:s22] =	ssyncset.done $0x0  }
0xa0: {  	[sflag:s22] =	ssyncadd.s32 s4;
	_ =	sdelay $0x1  }
0xa1: {  	s23 =	simm.s32 $0x1B8B  }
0xa2: {  	_ =	swait.ge [sflag:s23], $0x1  }
0xa3: {  	[sflag:s23] =	ssyncset.done $0x0  }
0xa4: {  	s25 =	simm.s32 $0x1B8E;
	s24 =	sld [smem:$0x3FFE];
	[sflag:s23] =	ssyncadd.s32 $0xFFFFFFFF  }
0xa5: {  	s26 =	simm.s32 $execute0_lowered;
	[smem:$0x3FD2] =	sst s25  }
0xa6: {  	s5 =	sshll.u32 s26, $0x1;
	_ =	strace $0x80000049;
	[dreg:$0x1] =	wrdreg $0xFFFFFFFF  }
0xa7: {  	s28 =	simm.s32 $_size_execute0_lowered;
	s3 =	sadd.s32 s3, s5;
	[dreg:$0x0] =	wrdreg $0x0  }
0xa8: {  	s5 =	sshll.u32 s28, $0x1;
	[dreg:$0x2] =	wrdreg s3  }
0xa9: {  	[dreg:$0x3] =	wrdreg s5  }
0xaa: {  	[dreg:$0x4] =	wrdreg $0xC0  }
0xab: {  	_ =	task [dreg:s7], $0x5FFFF  }
0xac: {  	[dreg:$0x1] =	wrdreg $0xFFFFFFFF  }
0xad: {  	[dreg:$0x0] =	wrdreg $0x60  }
0xae: {  	[dreg:$0x2] =	wrdreg s24  }
0xaf: {  	[dreg:$0x3] =	wrdreg s2  }
0xb0: {  	[dreg:$0x4] =	wrdreg $0x0  }
0xb1: {  	[dreg:$0x5] =	wrdreg $0x9  }
0xb2: {  	_ =	task.clear_ibuf [dreg:s7], $0x6FFFF;
	_ =	strace $0x90000049  }
0xb3: {  	s29 =	simm.s32 $0x9;
	_ =	strace $0x8000004B  }
0xb4: {  	_ =	swait.ge [sflag:s29], $0x1  }
0xb5: {  	[sflag:s29] =	ssyncadd.s32 $0xFFFFFFFF  }
0xb6: {  	_ =	strace $0x9000004B  }
0xb7: {  	_ =	sfence  }
0xb8: {  	s30 =	sld [smem:$0x0];
	_ =	sdelay $0x2  }
0xb9: {  	s31 =	sshll.u32 s1, $0xD;
	s1 =	sshrl.u32 s1, $0x2  }
0xba: {  	s3 =	sand.u32 $0x4000, s31;
	s1 =	sadd.s32 s1, s30  }
0xbb: {  	s0 =	sor.u32 s3, s0;
	s1 =	sshll.u32 s1, $0x11  }
0xbc: {  	s0 =	sor.u32 s1, s0  }
0xbd: {  	s0 =	sadd.s32 $0x8F2B, s0  }
0xbe: {  	[sflag:s0] =	ssyncadd.remote.s32 $0x1  }
0xbf: {  	_ =	sfence.sel $0xFFFF  }
0xc0: {  	[dreg:$0x0] =	wrdreg $0xFFFFFFFF;
	(pc) =	sbr.abs _section_cstart, $3  }
0xc1: {  	[dreg:$0x1] =	wrdreg $0xFFFFFFFF  }
0xc2: {  	_ =	task.clear_ibuf [dreg:s7], $0x2FFFF;
	_ =	strace $0x9FFFFFFF  }
0xc3: {  	(tm) =	ssettm $0x7FFFFFFF  }
tec
execute0_lowered:
.L_overlay_start_1:
0x0: {  	(tag) =	ssettag $0x1  }
0x1: {  	s0 =	rddreg [dreg:$0x0]  }
0x2: {  	s1 =	rddreg [dreg:$0x1]  }
0x3: {  	s2 =	rddreg [dreg:$0x2];
	s3 =	simm.s32 $0x0;
	s4 =	srdreg.scid  }
0x4: {  	s18 =	stileid.u32;
	s29 =	simm.s32 $0x15480;
	s30 =	simm.s32 $0x1  }
0x5: {  	s31 =	simm.s32 $0x15400;
	[smem:$0x7FF] =	sst s3;
	s5 =	sadd.s32 $0x20E00, s0  }
0x6: {  	s6 =	sadd.s32 $0x48000, s0;
	s10 =	sadd.s32 $0x110E00, s0;
	s4 =	sand.u32 $0x1, s4  }
0x7: {  	s7 =	smul.u32 $0x280, s18;
	s11 =	sadd.s32 $0x2E00, s0;
	s12 =	sadd.s32 $0x11AE00, s0  }
0x8: {  	s13 =	sadd.s32 $0xCE00, s0;
	s14 =	sadd.s32 $0x124E00, s0;
	s9 =	smul.u32 $0x50000, s18  }
0x9: {  	s22 =	sadd.s32 $0x16E00, s0;
	s24 =	smul.u32 $0x2800, s18;
	_ =	strace $0x8000004A  }
0xa: {  	s8 =	smul.u32 $0x2800, s4;
	s20 =	sshll.u32 s4, $0x4;
	s15 =	ssub.s32 $0x2, s4  }
0xb: {  	s4 =	smul.u32 $0x28000, s4;
	s16 =	sshrl.u32 s15, $0x1;
	s21 =	sshrl.u32 s9, $0x2  }
0xc: {  	s7 =	sadd.s32 s7, s8;
	s8 =	sor.u32 s18, s20;
	s25 =	ssub.s32 s15, s16  }
0xd: {  	s4 =	sadd.s32 s24, s4;
	s7 =	sshll.u32 s7, $0x4;
	s17 =	smul.u32 $0x2800, s8  }
0xe: {  	s24 =	sshrl.u32 s4, $0x3;
	s4 =	sadd.s32 $0x1400, s4;
	s25 =	smax.u32 s25, $0x1  }
0xf: {  	s0 =	sadd.s32 s7, s0;
	s7 =	sadd.s32 s21, s2;
	s4 =	sshrl.u32 s4, $0x3  }
0x10: {  	s8 =	sadd.s32 $0x4000, s7;
	s23 =	sshrl.u32 s17, $0x3;
	s19 =	sadd.s32 $0x12EE00, s0  }
0x11: {  	s9 =	sadd.s32 $0x8000, s7;
	s26 =	sadd.s32 s10, s23;
	[dreg:$0x6] =	wrdreg s19  }
0x12: {  	s17 =	sadd.s32 s24, s11;
	s20 =	sadd.s32 s12, s23;
	[dreg:$0x4] =	wrdreg s26  }
0x13: {  	s16 =	sadd.s32 $0x280, s23;
	s23 =	sadd.s32 s14, s23;
	[dreg:$0x7] =	wrdreg s20  }
0x14: {  	s18 =	sadd.s32 s4, s11;
	s10 =	sadd.s32 s10, s16;
	[dreg:$0x9] =	wrdreg s23  }
0x15: {  	s28 =	sadd.s32 $0x10000, s7;
	s21 =	sadd.s32 s12, s16;
	[dreg:$0x5] =	wrdreg s10  }
0x16: {  	s19 =	sadd.s32 s24, s13;
	s26 =	sadd.s32 s14, s16;
	[dreg:$0x8] =	wrdreg s21  }
0x17: {  	s20 =	sadd.s32 s4, s13;
	s23 =	sadd.s32 $0x17EE00, s0;
	[dreg:$0xa] =	wrdreg s26  }
0x18: {  	s21 =	sadd.s32 s24, s22;
	s22 =	sadd.s32 s4, s22;
	s24 =	sadd.s32 $0x1CEE00, s0  }
0x19: {  	v0 =	vimm.f32 $0.0e+00;
	s26 =	sadd.s32 $0xC000, s7;
	s0 =	simm.s32 $0x80;
	s4 =	simm.s32 $0x0  }
.LBB2_1:
0x1a: {  	s10 =	sand.u32 $0xFE00, s3  }
0x1b: {  	s11 =	sand.u32 $0x70, s3;
	s12 =	sshrl.u32 s10, $0x2  }
0x1c: {  	s10 =	simm.s32 $0x40;
	s12 =	sor.u32 s11, s12;
	s11 =	simm.s32 $0x0  }
.LBB2_2:
0x1d: {  	p0 =	sne.s32 s10, $0xFFC0  }
0x1e: {  	[tilespmem:s12+$0x15480] =	vst v0;
	s11 =	sadd.s32 $0x10, s11;
	s12 =	smov.u32 s10;
	s10 =	sadd.s32 $0x40, s10  }
.Ltmp0:
0x1f: {  	(pc) =	sbr.rel @p0 .LBB2_2-.Ltmp0, $4  }
0x20: {  	_ = 	snop  }
0x21: {  	s12 =	sand.u32 $0xFE00, s12  }
0x22: {  	s13 =	sand.u32 $0x70, s11;
	s12 =	sshrl.u32 s12, $0x2  }
0x23: {  	s12 =	sor.u32 s13, s12  }
0x24: {  	[tilespmem:s12+$0x15480] =	vst v0  }
0x25: {  	[spmem:s7] =	stream.linear.scatter [tilespmem:s29], [sflag:$0x1], $0x4000, $0x38;
	[tilespmem:$0x1D480] =	vst v63  }
0x26: {  	_ =	swait.ge [sflag:s30], $0x4000  }
0x27: {  	[sflag:s30] =	ssyncset.done $0x0  }
0x28: {  	[sflag:s30] =	ssyncadd.s32 $0xFFFFC000  }
0x29: {  	[spmem:s8] =	stream.linear.scatter [tilespmem:s29], [sflag:$0x1], $0x4000, $0x38;
	[tilespmem:$0x1D480] =	vst v63  }
0x2a: {  	_ =	swait.ge [sflag:s30], $0x4000  }
0x2b: {  	[sflag:s30] =	ssyncset.done $0x0  }
0x2c: {  	[sflag:s30] =	ssyncadd.s32 $0xFFFFC000  }
0x2d: {  	[spmem:s9] =	stream.linear.scatter [tilespmem:s29], [sflag:$0x1], $0x4000, $0x38;
	[tilespmem:$0x1D480] =	vst v63  }
0x2e: {  	_ =	swait.ge [sflag:s30], $0x4000  }
0x2f: {  	[sflag:s30] =	ssyncset.done $0x0  }
0x30: {  	[sflag:s30] =	ssyncadd.s32 $0xFFFFC000  }
0x31: {  	[spmem:s26] =	stream.linear.scatter [tilespmem:s29], [sflag:$0x1], $0x4000, $0x38;
	[tilespmem:$0x1D480] =	vst v63  }
0x32: {  	_ =	swait.ge [sflag:s30], $0x4000  }
0x33: {  	[sflag:s30] =	ssyncset.done $0x0  }
0x34: {  	[sflag:s30] =	ssyncadd.s32 $0xFFFFC000  }
0x35: {  	[spmem:s28] =	stream.linear.scatter [tilespmem:s29], [sflag:$0x1], $0x4000, $0x38;
	[tilespmem:$0x1D480] =	vst v63  }
0x36: {  	_ =	swait.ge [sflag:s30], $0x4000  }
0x37: {  	[sflag:s30] =	ssyncset.done $0x0  }
0x38: {  	[sflag:s30] =	ssyncadd.s32 $0xFFFFC000  }
0x39: {  	[bflag:$0x0] =	sbarrier.arrive $0xFFFF  }
0x3a: {  	s10 =	simm.s32 $0x0;
	s11 =	simm.s32 $0x14000;
	s15 =	rddreg [dreg:$0x4]  }
0x3b: {  	[tilespmem:s11], [sflag:$0x1] =	stream.linear.gather [hbm4b:s15+s10], $0x1400, $0x38;
	[tilespmem:$0x1D480] =	vst v63  }
0x3c: {  	_ =	swait.ge [sflag:s30], $0x1400  }
0x3d: {  	[sflag:s30] =	ssyncset.done $0x0  }
0x3e: {  	s16 =	sadd.s32 $0x0, s17;
	[sflag:s30] =	ssyncadd.s32 $0xFFFFEC00  }
0x3f: {  	[tilespmem:s31], [sflag:$0x1] =	stream.linear.gather [hbm4b:s16+s3], $0x80, $0x38;
	[tilespmem:$0x1D480] =	vst v63  }
0x40: {  	_ =	swait.ge [sflag:s30], $0x80  }
0x41: {  	[sflag:s30] =	ssyncset.done $0x0  }
0x42: {  	[sflag:s30] =	ssyncadd.s32 $0xFFFFFF80  }
0x43: {  	[tilespmem:s29], [sflag:$0x1] =	stream.indirect.gather [hbm4b:s5+s0], $0x80, s11, s0, $0xb8;
	[tilespmem:$0x1D480] =	vst v63  }
0x44: {  	_ =	swait.ge [sflag:s30], $0x4000  }
0x45: {  	[sflag:s30] =	ssyncset.done $0x0  }
0x46: {  	[sflag:s30] =	ssyncadd.s32 $0xFFFFC000  }
0x47: {  	[spmem:s2] =	stream.indirect.scatter.add.f32 [tilespmem:s29], [sflag:$0x1], $0x80, s31, s0, $0xb8;
	[tilespmem:$0x1D480] =	vst v63  }
0x48: {  	s12 =	simm.s32 $0x20;
	_ =	swait.ge [sflag:s30], $0x4000  }
0x49: {  	s10 =	simm.s32 $0x14080;
	s11 =	simm.s32 $0x10;
	[sflag:s30] =	ssyncset.done $0x0  }
.LBB2_4:
0x4a: {  	s13 =	sadd.s32 s11, s17  }
0x4b: {  	[sflag:s30] =	ssyncadd.s32 $0xFFFFC000;
	s11 =	smov.u32 s12;
	s14 =	sadd.s32 $0x10, s12  }
0x4c: {  	[tilespmem:s31], [sflag:$0x1] =	stream.linear.gather [hbm4b:s13+s3], $0x80, $0x38;
	[tilespmem:$0x1D480] =	vst v63  }
0x4d: {  	p0 =	sne.s32 s12, $0x270;
	_ =	swait.ge [sflag:s30], $0x80  }
0x4e: {  	[sflag:s30] =	ssyncset.done $0x0  }
0x4f: {  	[sflag:s30] =	ssyncadd.s32 $0xFFFFFF80  }
0x50: {  	[tilespmem:s29], [sflag:$0x1] =	stream.indirect.gather [hbm4b:s5+s0], $0x80, s10, s0, $0xb8;
	[tilespmem:$0x1D480] =	vst v63  }
0x51: {  	_ =	swait.ge [sflag:s30], $0x4000  }
.Ltmp1:
0x52: {  	[sflag:s30] =	ssyncset.done $0x0;
	(pc) =	sbr.rel @p0 .LBB2_4-.Ltmp1, $4  }
0x53: {  	[sflag:s30] =	ssyncadd.s32 $0xFFFFC000  }
0x54: {  	[spmem:s2] =	stream.indirect.scatter.add.f32 [tilespmem:s29], [sflag:$0x1], $0x80, s31, s0, $0xb8;
	[tilespmem:$0x1D480] =	vst v63  }
0x55: {  	_ =	swait.ge [sflag:s30], $0x4000  }
0x56: {  	s12 =	smov.u32 s14;
	s10 =	sadd.s32 $0x80, s10;
	[sflag:s30] =	ssyncset.done $0x0  }
0x57: {  	s11 =	sadd.s32 s11, s17;
	[sflag:s30] =	ssyncadd.s32 $0xFFFFC000  }
0x58: {  	[tilespmem:s31], [sflag:$0x1] =	stream.linear.gather [hbm4b:s11+s3], $0x80, $0x38;
	[tilespmem:$0x1D480] =	vst v63  }
0x59: {  	_ =	swait.ge [sflag:s30], $0x80  }
0x5a: {  	[sflag:s30] =	ssyncset.done $0x0  }
0x5b: {  	[sflag:s30] =	ssyncadd.s32 $0xFFFFFF80  }
0x5c: {  	[tilespmem:s29], [sflag:$0x1] =	stream.indirect.gather [hbm4b:s5+s0], $0x80, s10, s0, $0xb8;
	[tilespmem:$0x1D480] =	vst v63  }
0x5d: {  	_ =	swait.ge [sflag:s30], $0x4000  }
0x5e: {  	[sflag:s30] =	ssyncset.done $0x0  }
0x5f: {  	[sflag:s30] =	ssyncadd.s32 $0xFFFFC000  }
0x60: {  	[spmem:s2] =	stream.indirect.scatter.add.f32 [tilespmem:s29], [sflag:$0x1], $0x80, s31, s0, $0xb8;
	[tilespmem:$0x1D480] =	vst v63  }
0x61: {  	_ =	swait.ge [sflag:s30], $0x4000  }
0x62: {  	s14 =	simm.s32 $0x0;
	[sflag:s30] =	ssyncset.done $0x0  }
0x63: {  	s15 =	simm.s32 $0x14000;
	s12 =	rddreg [dreg:$0x5];
	[sflag:s30] =	ssyncadd.s32 $0xFFFFC000  }
0x64: {  	[tilespmem:s15], [sflag:$0x1] =	stream.linear.gather [hbm4b:s12+s14], $0x1400, $0x38;
	[tilespmem:$0x1D480] =	vst v63  }
0x65: {  	_ =	swait.ge [sflag:s30], $0x1400  }
0x66: {  	[sflag:s30] =	ssyncset.done $0x0  }
0x67: {  	s16 =	sadd.s32 $0x0, s18;
	[sflag:s30] =	ssyncadd.s32 $0xFFFFEC00  }
0x68: {  	[tilespmem:s31], [sflag:$0x1] =	stream.linear.gather [hbm4b:s16+s3], $0x80, $0x38;
	[tilespmem:$0x1D480] =	vst v63  }
0x69: {  	_ =	swait.ge [sflag:s30], $0x80  }
0x6a: {  	[sflag:s30] =	ssyncset.done $0x0  }
0x6b: {  	[sflag:s30] =	ssyncadd.s32 $0xFFFFFF80  }
0x6c: {  	[tilespmem:s29], [sflag:$0x1] =	stream.indirect.gather [hbm4b:s5+s0], $0x80, s15, s0, $0xb8;
	[tilespmem:$0x1D480] =	vst v63  }
0x6d: {  	_ =	swait.ge [sflag:s30], $0x4000  }
0x6e: {  	[sflag:s30] =	ssyncset.done $0x0  }
0x6f: {  	[sflag:s30] =	ssyncadd.s32 $0xFFFFC000  }
0x70: {  	[spmem:s2] =	stream.indirect.scatter.add.f32 [tilespmem:s29], [sflag:$0x1], $0x80, s31, s0, $0xb8;
	[tilespmem:$0x1D480] =	vst v63  }
0x71: {  	s11 =	simm.s32 $0x10;
	_ =	swait.ge [sflag:s30], $0x4000  }
0x72: {  	s10 =	simm.s32 $0x14080;
	s12 =	simm.s32 $0x20;
	[sflag:s30] =	ssyncset.done $0x0  }
.LBB2_6:
0x73: {  	s13 =	sadd.s32 s11, s18  }
0x74: {  	[sflag:s30] =	ssyncadd.s32 $0xFFFFC000;
	s11 =	smov.u32 s12;
	s14 =	sadd.s32 $0x10, s12  }
0x75: {  	[tilespmem:s31], [sflag:$0x1] =	stream.linear.gather [hbm4b:s13+s3], $0x80, $0x38;
	[tilespmem:$0x1D480] =	vst v63  }
0x76: {  	p0 =	sne.s32 s12, $0x270;
	_ =	swait.ge [sflag:s30], $0x80  }
0x77: {  	[sflag:s30] =	ssyncset.done $0x0  }
0x78: {  	[sflag:s30] =	ssyncadd.s32 $0xFFFFFF80  }
0x79: {  	[tilespmem:s29], [sflag:$0x1] =	stream.indirect.gather [hbm4b:s5+s0], $0x80, s10, s0, $0xb8;
	[tilespmem:$0x1D480] =	vst v63  }
0x7a: {  	_ =	swait.ge [sflag:s30], $0x4000  }
.Ltmp2:
0x7b: {  	[sflag:s30] =	ssyncset.done $0x0;
	(pc) =	sbr.rel @p0 .LBB2_6-.Ltmp2, $4  }
0x7c: {  	[sflag:s30] =	ssyncadd.s32 $0xFFFFC000  }
0x7d: {  	[spmem:s2] =	stream.indirect.scatter.add.f32 [tilespmem:s29], [sflag:$0x1], $0x80, s31, s0, $0xb8;
	[tilespmem:$0x1D480] =	vst v63  }
0x7e: {  	_ =	swait.ge [sflag:s30], $0x4000  }
0x7f: {  	s12 =	smov.u32 s14;
	s10 =	sadd.s32 $0x80, s10;
	[sflag:s30] =	ssyncset.done $0x0  }
0x80: {  	s11 =	sadd.s32 s11, s18;
	[sflag:s30] =	ssyncadd.s32 $0xFFFFC000  }
0x81: {  	[tilespmem:s31], [sflag:$0x1] =	stream.linear.gather [hbm4b:s11+s3], $0x80, $0x38;
	[tilespmem:$0x1D480] =	vst v63  }
0x82: {  	_ =	swait.ge [sflag:s30], $0x80  }
0x83: {  	[sflag:s30] =	ssyncset.done $0x0  }
0x84: {  	[sflag:s30] =	ssyncadd.s32 $0xFFFFFF80  }
0x85: {  	[tilespmem:s29], [sflag:$0x1] =	stream.indirect.gather [hbm4b:s5+s0], $0x80, s10, s0, $0xb8;
	[tilespmem:$0x1D480] =	vst v63  }
0x86: {  	_ =	swait.ge [sflag:s30], $0x4000  }
0x87: {  	[sflag:s30] =	ssyncset.done $0x0  }
0x88: {  	[sflag:s30] =	ssyncadd.s32 $0xFFFFC000  }
0x89: {  	[spmem:s2] =	stream.indirect.scatter.add.f32 [tilespmem:s29], [sflag:$0x1], $0x80, s31, s0, $0xb8;
	[tilespmem:$0x1D480] =	vst v63  }
0x8a: {  	_ =	swait.ge [sflag:s30], $0x4000  }
0x8b: {  	[sflag:s30] =	ssyncset.done $0x0  }
0x8c: {  	s16 =	stileid.u32;
	[sflag:s30] =	ssyncadd.s32 $0xFFFFC000  }
0x8d: {  	s10 =	sshll.u32 s16, $0x6;
	[bflag:$0x0] =	sbarrier.arrive $0xFFFF  }
0x8e: {  	s11 =	sshrl.u32 s7, $0x3;
	s10 =	sor.u32 $0x1C01, s10;
	s12 =	rddreg [dreg:$0x6]  }
0x8f: {  	[hbm:s12], [sflag:s10] =	dma.local [spmem:s11], $0x2800  }
0x90: {  	s12 =	simm.s32 $0x0  }
0x91: {  	_ =	swait.ge [sflag:s30], $0x2800;
	s13 =	sand.u32 $0xFE00, s12  }
0x92: {  	s14 =	sand.u32 $0x70, s12;
	[sflag:s30] =	ssyncset.done $0x0;
	s15 =	sshrl.u32 s13, $0x2  }
0x93: {  	s13 =	simm.s32 $0x40;
	[sflag:s30] =	ssyncadd.s32 $0xFFFFD800;
	s14 =	sor.u32 s14, s15  }
.LBB2_8:
0x94: {  	p0 =	sne.s32 s13, $0xFFC0  }
0x95: {  	[tilespmem:s14+$0x15480] =	vst v0;
	s12 =	sadd.s32 $0x10, s12;
	s14 =	smov.u32 s13;
	s13 =	sadd.s32 $0x40, s13  }
.Ltmp3:
0x96: {  	(pc) =	sbr.rel @p0 .LBB2_8-.Ltmp3, $4  }
0x97: {  	_ = 	snop  }
0x98: {  	s14 =	sand.u32 $0xFE00, s14  }
0x99: {  	s15 =	sand.u32 $0x70, s12;
	s14 =	sshrl.u32 s14, $0x2  }
0x9a: {  	s14 =	sor.u32 s15, s14  }
0x9b: {  	[tilespmem:s14+$0x15480] =	vst v0  }
0x9c: {  	[spmem:s7] =	stream.linear.scatter [tilespmem:s29], [sflag:$0x1], $0x4000, $0x38;
	[tilespmem:$0x1D480] =	vst v63  }
0x9d: {  	_ =	swait.ge [sflag:s30], $0x4000  }
0x9e: {  	[sflag:s30] =	ssyncset.done $0x0  }
0x9f: {  	[sflag:s30] =	ssyncadd.s32 $0xFFFFC000  }
0xa0: {  	[spmem:s8] =	stream.linear.scatter [tilespmem:s29], [sflag:$0x1], $0x4000, $0x38;
	[tilespmem:$0x1D480] =	vst v63  }
0xa1: {  	_ =	swait.ge [sflag:s30], $0x4000  }
0xa2: {  	[sflag:s30] =	ssyncset.done $0x0  }
0xa3: {  	[sflag:s30] =	ssyncadd.s32 $0xFFFFC000  }
0xa4: {  	[spmem:s9] =	stream.linear.scatter [tilespmem:s29], [sflag:$0x1], $0x4000, $0x38;
	[tilespmem:$0x1D480] =	vst v63  }
0xa5: {  	_ =	swait.ge [sflag:s30], $0x4000  }
0xa6: {  	[sflag:s30] =	ssyncset.done $0x0  }
0xa7: {  	[sflag:s30] =	ssyncadd.s32 $0xFFFFC000  }
0xa8: {  	[spmem:s26] =	stream.linear.scatter [tilespmem:s29], [sflag:$0x1], $0x4000, $0x38;
	[tilespmem:$0x1D480] =	vst v63  }
0xa9: {  	_ =	swait.ge [sflag:s30], $0x4000  }
0xaa: {  	[sflag:s30] =	ssyncset.done $0x0  }
0xab: {  	[sflag:s30] =	ssyncadd.s32 $0xFFFFC000  }
0xac: {  	[spmem:s28] =	stream.linear.scatter [tilespmem:s29], [sflag:$0x1], $0x4000, $0x38;
	[tilespmem:$0x1D480] =	vst v63  }
0xad: {  	_ =	swait.ge [sflag:s30], $0x4000  }
0xae: {  	[sflag:s30] =	ssyncset.done $0x0  }
0xaf: {  	[sflag:s30] =	ssyncadd.s32 $0xFFFFC000  }
0xb0: {  	[bflag:$0x0] =	sbarrier.arrive $0xFFFF  }
0xb1: {  	s12 =	simm.s32 $0x0;
	s13 =	simm.s32 $0x14000;
	s15 =	rddreg [dreg:$0x7]  }
0xb2: {  	[tilespmem:s13], [sflag:$0x1] =	stream.linear.gather [hbm4b:s15+s12], $0x1400, $0x38;
	[tilespmem:$0x1D480] =	vst v63  }
0xb3: {  	_ =	swait.ge [sflag:s30], $0x1400  }
0xb4: {  	[sflag:s30] =	ssyncset.done $0x0  }
0xb5: {  	s16 =	sadd.s32 $0x0, s19;
	[sflag:s30] =	ssyncadd.s32 $0xFFFFEC00  }
0xb6: {  	[tilespmem:s31], [sflag:$0x1] =	stream.linear.gather [hbm4b:s16+s3], $0x80, $0x38;
	[tilespmem:$0x1D480] =	vst v63  }
0xb7: {  	_ =	swait.ge [sflag:s30], $0x80  }
0xb8: {  	[sflag:s30] =	ssyncset.done $0x0  }
0xb9: {  	[sflag:s30] =	ssyncadd.s32 $0xFFFFFF80  }
0xba: {  	[tilespmem:s29], [sflag:$0x1] =	stream.indirect.gather [hbm4b:s6+s0], $0x80, s13, s0, $0xb8;
	[tilespmem:$0x1D480] =	vst v63  }
0xbb: {  	_ =	swait.ge [sflag:s30], $0x4000  }
0xbc: {  	[sflag:s30] =	ssyncset.done $0x0  }
0xbd: {  	[sflag:s30] =	ssyncadd.s32 $0xFFFFC000  }
0xbe: {  	[spmem:s2] =	stream.indirect.scatter.add.f32 [tilespmem:s29], [sflag:$0x1], $0x80, s31, s0, $0xb8;
	[tilespmem:$0x1D480] =	vst v63  }
0xbf: {  	s14 =	simm.s32 $0x20;
	_ =	swait.ge [sflag:s30], $0x4000  }
0xc0: {  	s12 =	simm.s32 $0x14080;
	s13 =	simm.s32 $0x10;
	[sflag:s30] =	ssyncset.done $0x0  }
.LBB2_10:
0xc1: {  	s15 =	sadd.s32 s13, s19  }
0xc2: {  	[sflag:s30] =	ssyncadd.s32 $0xFFFFC000;
	s13 =	smov.u32 s14;
	s16 =	sadd.s32 $0x10, s14  }
0xc3: {  	[tilespmem:s31], [sflag:$0x1] =	stream.linear.gather [hbm4b:s15+s3], $0x80, $0x38;
	[tilespmem:$0x1D480] =	vst v63  }
0xc4: {  	p0 =	sne.s32 s14, $0x270;
	_ =	swait.ge [sflag:s30], $0x80  }
0xc5: {  	[sflag:s30] =	ssyncset.done $0x0  }
0xc6: {  	[sflag:s30] =	ssyncadd.s32 $0xFFFFFF80  }
0xc7: {  	[tilespmem:s29], [sflag:$0x1] =	stream.indirect.gather [hbm4b:s6+s0], $0x80, s12, s0, $0xb8;
	[tilespmem:$0x1D480] =	vst v63  }
0xc8: {  	_ =	swait.ge [sflag:s30], $0x4000  }
.Ltmp4:
0xc9: {  	[sflag:s30] =	ssyncset.done $0x0;
	(pc) =	sbr.rel @p0 .LBB2_10-.Ltmp4, $4  }
0xca: {  	[sflag:s30] =	ssyncadd.s32 $0xFFFFC000  }
0xcb: {  	[spmem:s2] =	stream.indirect.scatter.add.f32 [tilespmem:s29], [sflag:$0x1], $0x80, s31, s0, $0xb8;
	[tilespmem:$0x1D480] =	vst v63  }
0xcc: {  	_ =	swait.ge [sflag:s30], $0x4000  }
0xcd: {  	s14 =	smov.u32 s16;
	s12 =	sadd.s32 $0x80, s12;
	[sflag:s30] =	ssyncset.done $0x0  }
0xce: {  	s13 =	sadd.s32 s13, s19;
	[sflag:s30] =	ssyncadd.s32 $0xFFFFC000  }
0xcf: {  	[tilespmem:s31], [sflag:$0x1] =	stream.linear.gather [hbm4b:s13+s3], $0x80, $0x38;
	[tilespmem:$0x1D480] =	vst v63  }
0xd0: {  	_ =	swait.ge [sflag:s30], $0x80  }
0xd1: {  	[sflag:s30] =	ssyncset.done $0x0  }
0xd2: {  	[sflag:s30] =	ssyncadd.s32 $0xFFFFFF80  }
0xd3: {  	[tilespmem:s29], [sflag:$0x1] =	stream.indirect.gather [hbm4b:s6+s0], $0x80, s12, s0, $0xb8;
	[tilespmem:$0x1D480] =	vst v63  }
0xd4: {  	_ =	swait.ge [sflag:s30], $0x4000  }
0xd5: {  	[sflag:s30] =	ssyncset.done $0x0  }
0xd6: {  	[sflag:s30] =	ssyncadd.s32 $0xFFFFC000  }
0xd7: {  	[spmem:s2] =	stream.indirect.scatter.add.f32 [tilespmem:s29], [sflag:$0x1], $0x80, s31, s0, $0xb8;
	[tilespmem:$0x1D480] =	vst v63  }
0xd8: {  	_ =	swait.ge [sflag:s30], $0x4000  }
0xd9: {  	s15 =	simm.s32 $0x14000;
	[sflag:s30] =	ssyncset.done $0x0  }
0xda: {  	s13 =	simm.s32 $0x0;
	s14 =	rddreg [dreg:$0x8];
	[sflag:s30] =	ssyncadd.s32 $0xFFFFC000  }
0xdb: {  	[tilespmem:s15], [sflag:$0x1] =	stream.linear.gather [hbm4b:s14+s13], $0x1400, $0x38;
	[tilespmem:$0x1D480] =	vst v63  }
0xdc: {  	_ =	swait.ge [sflag:s30], $0x1400  }
0xdd: {  	[sflag:s30] =	ssyncset.done $0x0  }
0xde: {  	s16 =	sadd.s32 $0x0, s20;
	[sflag:s30] =	ssyncadd.s32 $0xFFFFEC00  }
0xdf: {  	[tilespmem:s31], [sflag:$0x1] =	stream.linear.gather [hbm4b:s16+s3], $0x80, $0x38;
	[tilespmem:$0x1D480] =	vst v63  }
0xe0: {  	_ =	swait.ge [sflag:s30], $0x80  }
0xe1: {  	[sflag:s30] =	ssyncset.done $0x0  }
0xe2: {  	[sflag:s30] =	ssyncadd.s32 $0xFFFFFF80  }
0xe3: {  	[tilespmem:s29], [sflag:$0x1] =	stream.indirect.gather [hbm4b:s6+s0], $0x80, s15, s0, $0xb8;
	[tilespmem:$0x1D480] =	vst v63  }
0xe4: {  	_ =	swait.ge [sflag:s30], $0x4000  }
0xe5: {  	[sflag:s30] =	ssyncset.done $0x0  }
0xe6: {  	[sflag:s30] =	ssyncadd.s32 $0xFFFFC000  }
0xe7: {  	[spmem:s2] =	stream.indirect.scatter.add.f32 [tilespmem:s29], [sflag:$0x1], $0x80, s31, s0, $0xb8;
	[tilespmem:$0x1D480] =	vst v63  }
0xe8: {  	s12 =	simm.s32 $0x14080;
	_ =	swait.ge [sflag:s30], $0x4000  }
0xe9: {  	s13 =	simm.s32 $0x10;
	s14 =	simm.s32 $0x20;
	[sflag:s30] =	ssyncset.done $0x0  }
.LBB2_12:
0xea: {  	s15 =	sadd.s32 s13, s20  }
0xeb: {  	[sflag:s30] =	ssyncadd.s32 $0xFFFFC000;
	s13 =	smov.u32 s14;
	s16 =	sadd.s32 $0x10, s14  }
0xec: {  	[tilespmem:s31], [sflag:$0x1] =	stream.linear.gather [hbm4b:s15+s3], $0x80, $0x38;
	[tilespmem:$0x1D480] =	vst v63  }
0xed: {  	p0 =	sne.s32 s14, $0x270;
	_ =	swait.ge [sflag:s30], $0x80  }
0xee: {  	[sflag:s30] =	ssyncset.done $0x0  }
0xef: {  	[sflag:s30] =	ssyncadd.s32 $0xFFFFFF80  }
0xf0: {  	[tilespmem:s29], [sflag:$0x1] =	stream.indirect.gather [hbm4b:s6+s0], $0x80, s12, s0, $0xb8;
	[tilespmem:$0x1D480] =	vst v63  }
0xf1: {  	_ =	swait.ge [sflag:s30], $0x4000  }
.Ltmp5:
0xf2: {  	[sflag:s30] =	ssyncset.done $0x0;
	(pc) =	sbr.rel @p0 .LBB2_12-.Ltmp5, $4  }
0xf3: {  	[sflag:s30] =	ssyncadd.s32 $0xFFFFC000  }
0xf4: {  	[spmem:s2] =	stream.indirect.scatter.add.f32 [tilespmem:s29], [sflag:$0x1], $0x80, s31, s0, $0xb8;
	[tilespmem:$0x1D480] =	vst v63  }
0xf5: {  	_ =	swait.ge [sflag:s30], $0x4000  }
0xf6: {  	s14 =	smov.u32 s16;
	s12 =	sadd.s32 $0x80, s12;
	[sflag:s30] =	ssyncset.done $0x0  }
0xf7: {  	s13 =	sadd.s32 s13, s20;
	[sflag:s30] =	ssyncadd.s32 $0xFFFFC000  }
0xf8: {  	[tilespmem:s31], [sflag:$0x1] =	stream.linear.gather [hbm4b:s13+s3], $0x80, $0x38;
	[tilespmem:$0x1D480] =	vst v63  }
0xf9: {  	_ =	swait.ge [sflag:s30], $0x80  }
0xfa: {  	[sflag:s30] =	ssyncset.done $0x0  }
0xfb: {  	[sflag:s30] =	ssyncadd.s32 $0xFFFFFF80  }
0xfc: {  	[tilespmem:s29], [sflag:$0x1] =	stream.indirect.gather [hbm4b:s6+s0], $0x80, s12, s0, $0xb8;
	[tilespmem:$0x1D480] =	vst v63  }
0xfd: {  	_ =	swait.ge [sflag:s30], $0x4000  }
0xfe: {  	[sflag:s30] =	ssyncset.done $0x0  }
0xff: {  	[sflag:s30] =	ssyncadd.s32 $0xFFFFC000  }
0x100: {  	[spmem:s2] =	stream.indirect.scatter.add.f32 [tilespmem:s29], [sflag:$0x1], $0x80, s31, s0, $0xb8;
	[tilespmem:$0x1D480] =	vst v63  }
0x101: {  	_ =	swait.ge [sflag:s30], $0x4000  }
0x102: {  	[sflag:s30] =	ssyncset.done $0x0  }
0x103: {  	[sflag:s30] =	ssyncadd.s32 $0xFFFFC000  }
0x104: {  	s12 =	simm.s32 $0x0;
	[bflag:$0x0] =	sbarrier.arrive $0xFFFF  }
0x105: {  	[hbm:s23], [sflag:s10] =	dma.local [spmem:s11], $0x2800  }
0x106: {  	s16 =	sand.u32 $0xFE00, s12;
	_ =	swait.ge [sflag:s30], $0x2800  }
0x107: {  	s14 =	sand.u32 $0x70, s12;
	s15 =	sshrl.u32 s16, $0x2;
	[sflag:s30] =	ssyncset.done $0x0  }
0x108: {  	s13 =	simm.s32 $0x40;
	s14 =	sor.u32 s14, s15;
	[sflag:s30] =	ssyncadd.s32 $0xFFFFD800  }
.LBB2_14:
0x109: {  	p0 =	sne.s32 s13, $0xFFC0  }
0x10a: {  	[tilespmem:s14+$0x15480] =	vst v0;
	s12 =	sadd.s32 $0x10, s12;
	s14 =	smov.u32 s13;
	s13 =	sadd.s32 $0x40, s13  }
.Ltmp6:
0x10b: {  	(pc) =	sbr.rel @p0 .LBB2_14-.Ltmp6, $4  }
0x10c: {  	_ = 	snop  }
0x10d: {  	s14 =	sand.u32 $0xFE00, s14  }
0x10e: {  	s15 =	sand.u32 $0x70, s12;
	s14 =	sshrl.u32 s14, $0x2  }
0x10f: {  	s14 =	sor.u32 s15, s14  }
0x110: {  	[tilespmem:s14+$0x15480] =	vst v0  }
0x111: {  	[spmem:s7] =	stream.linear.scatter [tilespmem:s29], [sflag:$0x1], $0x4000, $0x38;
	[tilespmem:$0x1D480] =	vst v63  }
0x112: {  	_ =	swait.ge [sflag:s30], $0x4000  }
0x113: {  	[sflag:s30] =	ssyncset.done $0x0  }
0x114: {  	[sflag:s30] =	ssyncadd.s32 $0xFFFFC000  }
0x115: {  	[spmem:s8] =	stream.linear.scatter [tilespmem:s29], [sflag:$0x1], $0x4000, $0x38;
	[tilespmem:$0x1D480] =	vst v63  }
0x116: {  	_ =	swait.ge [sflag:s30], $0x4000  }
0x117: {  	[sflag:s30] =	ssyncset.done $0x0  }
0x118: {  	[sflag:s30] =	ssyncadd.s32 $0xFFFFC000  }
0x119: {  	[spmem:s9] =	stream.linear.scatter [tilespmem:s29], [sflag:$0x1], $0x4000, $0x38;
	[tilespmem:$0x1D480] =	vst v63  }
0x11a: {  	_ =	swait.ge [sflag:s30], $0x4000  }
0x11b: {  	[sflag:s30] =	ssyncset.done $0x0  }
0x11c: {  	[sflag:s30] =	ssyncadd.s32 $0xFFFFC000  }
0x11d: {  	[spmem:s26] =	stream.linear.scatter [tilespmem:s29], [sflag:$0x1], $0x4000, $0x38;
	[tilespmem:$0x1D480] =	vst v63  }
0x11e: {  	_ =	swait.ge [sflag:s30], $0x4000  }
0x11f: {  	[sflag:s30] =	ssyncset.done $0x0  }
0x120: {  	[sflag:s30] =	ssyncadd.s32 $0xFFFFC000  }
0x121: {  	[spmem:s28] =	stream.linear.scatter [tilespmem:s29], [sflag:$0x1], $0x4000, $0x38;
	[tilespmem:$0x1D480] =	vst v63  }
0x122: {  	_ =	swait.ge [sflag:s30], $0x4000  }
0x123: {  	[sflag:s30] =	ssyncset.done $0x0  }
0x124: {  	[sflag:s30] =	ssyncadd.s32 $0xFFFFC000  }
0x125: {  	[bflag:$0x0] =	sbarrier.arrive $0xFFFF  }
0x126: {  	s12 =	simm.s32 $0x0;
	s13 =	simm.s32 $0x14000;
	s15 =	rddreg [dreg:$0x9]  }
0x127: {  	[tilespmem:s13], [sflag:$0x1] =	stream.linear.gather [hbm4b:s15+s12], $0x1400, $0x38;
	[tilespmem:$0x1D480] =	vst v63  }
0x128: {  	_ =	swait.ge [sflag:s30], $0x1400  }
0x129: {  	[sflag:s30] =	ssyncset.done $0x0  }
0x12a: {  	s16 =	sadd.s32 $0x0, s21;
	[sflag:s30] =	ssyncadd.s32 $0xFFFFEC00  }
0x12b: {  	[tilespmem:s31], [sflag:$0x1] =	stream.linear.gather [hbm4b:s16+s3], $0x80, $0x38;
	[tilespmem:$0x1D480] =	vst v63  }
0x12c: {  	_ =	swait.ge [sflag:s30], $0x80  }
0x12d: {  	[sflag:s30] =	ssyncset.done $0x0  }
0x12e: {  	[sflag:s30] =	ssyncadd.s32 $0xFFFFFF80  }
0x12f: {  	[tilespmem:s29], [sflag:$0x1] =	stream.indirect.gather [hbm4b:s1+s0], $0x80, s13, s0, $0xb8;
	[tilespmem:$0x1D480] =	vst v63  }
0x130: {  	_ =	swait.ge [sflag:s30], $0x4000  }
0x131: {  	[sflag:s30] =	ssyncset.done $0x0  }
0x132: {  	[sflag:s30] =	ssyncadd.s32 $0xFFFFC000  }
0x133: {  	[spmem:s2] =	stream.indirect.scatter.add.f32 [tilespmem:s29], [sflag:$0x1], $0x80, s31, s0, $0xb8;
	[tilespmem:$0x1D480] =	vst v63  }
0x134: {  	s14 =	simm.s32 $0x20;
	_ =	swait.ge [sflag:s30], $0x4000  }
0x135: {  	s12 =	simm.s32 $0x14080;
	s13 =	simm.s32 $0x10;
	[sflag:s30] =	ssyncset.done $0x0  }
.LBB2_16:
0x136: {  	s15 =	sadd.s32 s13, s21  }
0x137: {  	[sflag:s30] =	ssyncadd.s32 $0xFFFFC000;
	s13 =	smov.u32 s14;
	s16 =	sadd.s32 $0x10, s14  }
0x138: {  	[tilespmem:s31], [sflag:$0x1] =	stream.linear.gather [hbm4b:s15+s3], $0x80, $0x38;
	[tilespmem:$0x1D480] =	vst v63  }
0x139: {  	p0 =	sne.s32 s14, $0x270;
	_ =	swait.ge [sflag:s30], $0x80  }
0x13a: {  	[sflag:s30] =	ssyncset.done $0x0  }
0x13b: {  	[sflag:s30] =	ssyncadd.s32 $0xFFFFFF80  }
0x13c: {  	[tilespmem:s29], [sflag:$0x1] =	stream.indirect.gather [hbm4b:s1+s0], $0x80, s12, s0, $0xb8;
	[tilespmem:$0x1D480] =	vst v63  }
0x13d: {  	_ =	swait.ge [sflag:s30], $0x4000  }
.Ltmp7:
0x13e: {  	[sflag:s30] =	ssyncset.done $0x0;
	(pc) =	sbr.rel @p0 .LBB2_16-.Ltmp7, $4  }
0x13f: {  	[sflag:s30] =	ssyncadd.s32 $0xFFFFC000  }
0x140: {  	[spmem:s2] =	stream.indirect.scatter.add.f32 [tilespmem:s29], [sflag:$0x1], $0x80, s31, s0, $0xb8;
	[tilespmem:$0x1D480] =	vst v63  }
0x141: {  	_ =	swait.ge [sflag:s30], $0x4000  }
0x142: {  	s14 =	smov.u32 s16;
	s12 =	sadd.s32 $0x80, s12;
	[sflag:s30] =	ssyncset.done $0x0  }
0x143: {  	s13 =	sadd.s32 s13, s21;
	[sflag:s30] =	ssyncadd.s32 $0xFFFFC000  }
0x144: {  	[tilespmem:s31], [sflag:$0x1] =	stream.linear.gather [hbm4b:s13+s3], $0x80, $0x38;
	[tilespmem:$0x1D480] =	vst v63  }
0x145: {  	_ =	swait.ge [sflag:s30], $0x80  }
0x146: {  	[sflag:s30] =	ssyncset.done $0x0  }
0x147: {  	[sflag:s30] =	ssyncadd.s32 $0xFFFFFF80  }
0x148: {  	[tilespmem:s29], [sflag:$0x1] =	stream.indirect.gather [hbm4b:s1+s0], $0x80, s12, s0, $0xb8;
	[tilespmem:$0x1D480] =	vst v63  }
0x149: {  	_ =	swait.ge [sflag:s30], $0x4000  }
0x14a: {  	[sflag:s30] =	ssyncset.done $0x0  }
0x14b: {  	[sflag:s30] =	ssyncadd.s32 $0xFFFFC000  }
0x14c: {  	[spmem:s2] =	stream.indirect.scatter.add.f32 [tilespmem:s29], [sflag:$0x1], $0x80, s31, s0, $0xb8;
	[tilespmem:$0x1D480] =	vst v63  }
0x14d: {  	_ =	swait.ge [sflag:s30], $0x4000  }
0x14e: {  	s15 =	simm.s32 $0x14000;
	[sflag:s30] =	ssyncset.done $0x0  }
0x14f: {  	s13 =	simm.s32 $0x0;
	s14 =	rddreg [dreg:$0xa];
	[sflag:s30] =	ssyncadd.s32 $0xFFFFC000  }
0x150: {  	[tilespmem:s15], [sflag:$0x1] =	stream.linear.gather [hbm4b:s14+s13], $0x1400, $0x38;
	[tilespmem:$0x1D480] =	vst v63  }
0x151: {  	_ =	swait.ge [sflag:s30], $0x1400  }
0x152: {  	[sflag:s30] =	ssyncset.done $0x0  }
0x153: {  	s16 =	sadd.s32 $0x0, s22;
	[sflag:s30] =	ssyncadd.s32 $0xFFFFEC00  }
0x154: {  	[tilespmem:s31], [sflag:$0x1] =	stream.linear.gather [hbm4b:s16+s3], $0x80, $0x38;
	[tilespmem:$0x1D480] =	vst v63  }
0x155: {  	_ =	swait.ge [sflag:s30], $0x80  }
0x156: {  	[sflag:s30] =	ssyncset.done $0x0  }
0x157: {  	[sflag:s30] =	ssyncadd.s32 $0xFFFFFF80  }
0x158: {  	[tilespmem:s29], [sflag:$0x1] =	stream.indirect.gather [hbm4b:s1+s0], $0x80, s15, s0, $0xb8;
	[tilespmem:$0x1D480] =	vst v63  }
0x159: {  	_ =	swait.ge [sflag:s30], $0x4000  }
0x15a: {  	[sflag:s30] =	ssyncset.done $0x0  }
0x15b: {  	[sflag:s30] =	ssyncadd.s32 $0xFFFFC000  }
0x15c: {  	[spmem:s2] =	stream.indirect.scatter.add.f32 [tilespmem:s29], [sflag:$0x1], $0x80, s31, s0, $0xb8;
	[tilespmem:$0x1D480] =	vst v63  }
0x15d: {  	s12 =	simm.s32 $0x14080;
	_ =	swait.ge [sflag:s30], $0x4000  }
0x15e: {  	s13 =	simm.s32 $0x10;
	s14 =	simm.s32 $0x20;
	[sflag:s30] =	ssyncset.done $0x0  }
.LBB2_18:
0x15f: {  	s15 =	sadd.s32 s13, s22  }
0x160: {  	[sflag:s30] =	ssyncadd.s32 $0xFFFFC000;
	s13 =	smov.u32 s14;
	s16 =	sadd.s32 $0x10, s14  }
0x161: {  	[tilespmem:s31], [sflag:$0x1] =	stream.linear.gather [hbm4b:s15+s3], $0x80, $0x38;
	[tilespmem:$0x1D480] =	vst v63  }
0x162: {  	p0 =	sne.s32 s14, $0x270;
	_ =	swait.ge [sflag:s30], $0x80  }
0x163: {  	[sflag:s30] =	ssyncset.done $0x0  }
0x164: {  	[sflag:s30] =	ssyncadd.s32 $0xFFFFFF80  }
0x165: {  	[tilespmem:s29], [sflag:$0x1] =	stream.indirect.gather [hbm4b:s1+s0], $0x80, s12, s0, $0xb8;
	[tilespmem:$0x1D480] =	vst v63  }
0x166: {  	_ =	swait.ge [sflag:s30], $0x4000  }
.Ltmp8:
0x167: {  	[sflag:s30] =	ssyncset.done $0x0;
	(pc) =	sbr.rel @p0 .LBB2_18-.Ltmp8, $4  }
0x168: {  	[sflag:s30] =	ssyncadd.s32 $0xFFFFC000  }
0x169: {  	[spmem:s2] =	stream.indirect.scatter.add.f32 [tilespmem:s29], [sflag:$0x1], $0x80, s31, s0, $0xb8;
	[tilespmem:$0x1D480] =	vst v63  }
0x16a: {  	_ =	swait.ge [sflag:s30], $0x4000  }
0x16b: {  	s14 =	smov.u32 s16;
	s12 =	sadd.s32 $0x80, s12;
	[sflag:s30] =	ssyncset.done $0x0  }
0x16c: {  	s13 =	sadd.s32 s13, s22;
	[sflag:s30] =	ssyncadd.s32 $0xFFFFC000  }
0x16d: {  	[tilespmem:s31], [sflag:$0x1] =	stream.linear.gather [hbm4b:s13+s3], $0x80, $0x38;
	[tilespmem:$0x1D480] =	vst v63  }
0x16e: {  	_ =	swait.ge [sflag:s30], $0x80  }
0x16f: {  	[sflag:s30] =	ssyncset.done $0x0  }
0x170: {  	[sflag:s30] =	ssyncadd.s32 $0xFFFFFF80  }
0x171: {  	[tilespmem:s29], [sflag:$0x1] =	stream.indirect.gather [hbm4b:s1+s0], $0x80, s12, s0, $0xb8;
	[tilespmem:$0x1D480] =	vst v63  }
0x172: {  	_ =	swait.ge [sflag:s30], $0x4000  }
0x173: {  	[sflag:s30] =	ssyncset.done $0x0  }
0x174: {  	[sflag:s30] =	ssyncadd.s32 $0xFFFFC000  }
0x175: {  	[spmem:s2] =	stream.indirect.scatter.add.f32 [tilespmem:s29], [sflag:$0x1], $0x80, s31, s0, $0xb8;
	[tilespmem:$0x1D480] =	vst v63  }
0x176: {  	_ =	swait.ge [sflag:s30], $0x4000  }
0x177: {  	s4 =	sadd.s32 $0x1, s4;
	[sflag:s30] =	ssyncset.done $0x0  }
0x178: {  	p0 =	sne.s32 s4, s25;
	[sflag:s30] =	ssyncadd.s32 $0xFFFFC000  }
.Ltmp9:
0x179: {  	[bflag:$0x0] =	sbarrier.arrive $0xFFFF;
	(pc) =	sbr.rel @p0 .LBB2_1-.Ltmp9, $4  }
0x17a: {  	[hbm:s24], [sflag:s10] =	dma.local [spmem:s11], $0x2800  }
0x17b: {  	_ =	swait.ge [sflag:s30], $0x2800  }
0x17c: {  	[sflag:s30] =	ssyncset.done $0x0  }
0x17d: {  	[sflag:s30] =	ssyncadd.s32 $0xFFFFD800  }
0x17e: {  	_ =	sfence.sel $0x180000  }
0x17f: {  	[bflag:$0x0] =	sbarrier.arrive $0xFFFF  }
0x180: {  	_ =	strace $0x9000004A  }
0x181: {  	s0 =	stileid.u32;
	[bflag:$0x2] =	sbarrier.arrive $0xFFFF  }
0x182: {  	p0 =	sne.s32 s0, $0x0;
	s0 =	rddreg [dreg:$0x3]  }
0x183: {  	s0 =	sadd.s32 @!p0 $0x100000, s0  }
0x184: {  	[sflag:s0] =	ssyncadd.tile.s32 @!p0 $0x1;
	_ =	shalt  }
.Lfunc_end2:
_tile_overlayer_lowered:
.L_overlay_start_2:
0x185: {  	(tag) =	ssettag $0x2  }
0x186: {  	s0 =	rddreg [dreg:$0x0];
	s2 =	stileid.u32  }
0x187: {  	s1 =	rddreg [dreg:$0x1];
	p0 =	sne.s32 s2, $0x0  }
0x188: {  	s3 =	rddreg [dreg:$0x2];
	[bflag:$0x3] =	sbarrier.arrive $0xFFFF;
	s2 =	simm.s32 @!p0 $0x1C01  }
0x189: {  	[timem:s3], [sflag:s2] =	dma.local @!p0 [hbm:s0], s1  }
0x18a: {  	s0 =	simm.s32 @!p0 $0x1  }
0x18b: {  	_ =	swait.ge @!p0 [sflag:s0], s1  }
0x18c: {  	s1 =	ssub.s32 @!p0 $0x0, s1;
	[sflag:s0] =	ssyncset.done @!p0 $0x0  }
0x18d: {  	[sflag:s0] =	ssyncadd.s32 @!p0 s1  }
0x18e: {  	[bflag:$0x3] =	sbarrier.arrive $0xFFFF  }
0x18f: {  	_ =	shalt  }

</sc_bundles>
